<compile_context>
chip_gen: v7x
topology: tpu7x:2x2x1
jax: 0.10.2.dev20260603
libtpu: 0.0.44.dev20260713+nightly
codegen_flags: <defaults>
</compile_context>

<pallas_src>
import functools

import jax
import jax.numpy as jnp
from jax import lax
from jax.experimental import pallas as pl
from jax.experimental.pallas import tpu as pltpu
from jax.experimental.pallas import tpu_sc as plsc

T = 128
H = 1024
E = 64
I = 512
EPB = 2
NW = 32
TPW = T // NW


def _logits_body(x_ref, wg_ref, o_ref):
    o_ref[...] = jnp.dot(x_ref[...], wg_ref[...],
                         preferred_element_type=jnp.float32)


def _sc_router_body(logits_hbm, bias_hbm, out_hbm, lg_v, bias_v, cmb_v):
    wid = lax.axis_index("s") * 2 + lax.axis_index("c")
    base = wid * TPW
    pltpu.sync_copy(logits_hbm.at[pl.ds(base, TPW)], lg_v)
    pltpu.sync_copy(bias_hbm, bias_v)
    iota = lax.iota(jnp.int32, 16).astype(jnp.float32)
    for t in range(TPW):
        s_j = []
        choice_j = []
        idx_j = []
        for j in range(E // 16):
            lg = lg_v[t, pl.ds(16 * j, 16)]
            s = 1.0 / (1.0 + jnp.exp(-lg))
            s_j.append(s)
            choice_j.append(s + bias_v[pl.ds(16 * j, 16)])
            idx_j.append(iota + (16.0 * j))
        m1 = jnp.max(choice_j[0])
        for j in range(1, E // 16):
            m1 = jnp.maximum(m1, jnp.max(choice_j[j]))
        idx1 = jnp.min(jnp.where(choice_j[0] == m1, idx_j[0], 1e9))
        for j in range(1, E // 16):
            idx1 = jnp.minimum(
                idx1, jnp.min(jnp.where(choice_j[j] == m1, idx_j[j], 1e9)))
        w1 = sum(jnp.sum(jnp.where(idx_j[j] == idx1, s_j[j], 0.0))
                 for j in range(E // 16))
        ch2_j = [jnp.where(idx_j[j] == idx1, -1e30, choice_j[j])
                 for j in range(E // 16)]
        m2 = jnp.max(ch2_j[0])
        for j in range(1, E // 16):
            m2 = jnp.maximum(m2, jnp.max(ch2_j[j]))
        idx2 = jnp.min(jnp.where(ch2_j[0] == m2, idx_j[0], 1e9))
        for j in range(1, E // 16):
            idx2 = jnp.minimum(
                idx2, jnp.min(jnp.where(ch2_j[j] == m2, idx_j[j], 1e9)))
        w2 = sum(jnp.sum(jnp.where(idx_j[j] == idx2, s_j[j], 0.0))
                 for j in range(E // 16))
        den = w1 + w2
        for j in range(E // 16):
            num = (jnp.where(idx_j[j] == idx1, w1, 0.0) +
                   jnp.where(idx_j[j] == idx2, w2, 0.0))
            cmb_v[t, pl.ds(16 * j, 16)] = num / jnp.full((16,), den,
                                                         jnp.float32)
    pltpu.sync_copy(cmb_v, out_hbm.at[pl.ds(base, TPW)])


def _sc_router(logits, bias1d):
    mesh = plsc.VectorSubcoreMesh(core_axis_name="c", subcore_axis_name="s")
    k = functools.partial(
        pl.kernel, mesh=mesh,
        out_type=jax.ShapeDtypeStruct((T, E), jnp.float32),
        scratch_types=[
            pltpu.VMEM((TPW, E), jnp.float32),
            pltpu.VMEM((E,), jnp.float32),
            pltpu.VMEM((TPW, E), jnp.float32),
        ],
        compiler_params=pltpu.CompilerParams(needs_layout_passes=False),
    )(_sc_router_body)
    return k(logits, bias1d)


def _moe_body(x_ref, combine_ref, wgu_g_ref, wgu_u_ref, wd_a_ref,
              wd_b_ref, wsgu_ref, wsd_ref, o_ref):
    e = pl.program_id(0)
    x = x_ref[...]

    @pl.when(e == 0)
    def _shared():
        gu = jnp.dot(x, wsgu_ref[...], preferred_element_type=jnp.float32)
        act = jax.nn.silu(gu[:, :I]) * gu[:, I:]
        o_ref[...] = jnp.dot(act, wsd_ref[...], preferred_element_type=jnp.float32)

    xb = x.astype(jnp.bfloat16)
    cols = jax.lax.broadcasted_iota(jnp.int32, (T, E), 1)
    acc = jnp.zeros((T, H), jnp.float32)
    for j in range(EPB):
        gate = jnp.dot(xb, wgu_g_ref[j].astype(jnp.bfloat16),
                       preferred_element_type=jnp.float32)
        up = jnp.dot(xb, wgu_u_ref[j].astype(jnp.bfloat16),
                     preferred_element_type=jnp.float32)
        act = (jax.nn.silu(gate) * up).astype(jnp.bfloat16)
        oe = (jnp.dot(act[:, :I // 2], wd_a_ref[j].astype(jnp.bfloat16),
                      preferred_element_type=jnp.float32) +
              jnp.dot(act[:, I // 2:], wd_b_ref[j].astype(jnp.bfloat16),
                      preferred_element_type=jnp.float32))
        w_e = jnp.sum(jnp.where(cols == e * EPB + j, combine_ref[...], 0.0),
                      axis=1, keepdims=True)
        acc += w_e * oe
    o_ref[...] += acc


def kernel(hidden_states, Wg, Wgu, Wd, Ws_gu, Ws_d, expert_bias):
    logits = pl.pallas_call(
        _logits_body,
        out_shape=jax.ShapeDtypeStruct((T, E), jnp.float32),
    )(hidden_states, Wg)
    combine = _sc_router(logits, expert_bias)
    return pl.pallas_call(
        _moe_body,
        grid=(E // EPB,),
        in_specs=[
            pl.BlockSpec((T, H), lambda e: (0, 0)),
            pl.BlockSpec((T, E), lambda e: (0, 0)),
            pl.BlockSpec((EPB, H, I), lambda e: (e, 0, 0)),
            pl.BlockSpec((EPB, H, I), lambda e: (e, 0, 1)),
            pl.BlockSpec((EPB, I // 2, H), lambda e: (e, 0, 0)),
            pl.BlockSpec((EPB, I // 2, H), lambda e: (e, 1, 0)),
            pl.BlockSpec((H, 2 * I), lambda e: (0, 0)),
            pl.BlockSpec((I, H), lambda e: (0, 0)),
        ],
        out_specs=pl.BlockSpec((T, H), lambda e: (0, 0)),
        out_shape=jax.ShapeDtypeStruct((T, H), jnp.float32),
    )(hidden_states, combine, Wgu, Wgu, Wd, Wd, Ws_gu, Ws_d)

# --- scband reference (transcript-rebuilt; emitter-appended) ---
"""Pipeline reference for scband-sarvam-mo-esparse-moe-block-68410239091011 (READ-ONLY COPY).

The authoritative reference and input builder live on the scoring server;
editing this copy changes nothing except your own understanding.
"""

import jax, jax.numpy as jnp
import numpy as np

T = 128   # tokens (batch=128, q_len=1, decode)
H = 1024  # hidden_size
E = 64    # num_experts
K = 2     # num_experts_per_tok
I = 512   # moe_intermediate_size (num_shared_experts=1 -> shared inter = 512)


def _silu_and_mul(gu):
    d = gu.shape[-1] // 2
    return jax.nn.silu(gu[..., :d]) * gu[..., d:]


def setup_inputs(seed: int = 0) -> dict:
    key = jax.random.key(seed)
    ks = jax.random.split(key, 7)
    hidden_states = jax.random.normal(ks[0], (T, H), dtype=jnp.float32)
    Wg = jax.random.normal(ks[1], (H, E), dtype=jnp.float32) * 0.02      # router gate weight
    Wgu = jax.random.normal(ks[2], (E, H, 2 * I), dtype=jnp.float32) * 0.02  # per-expert gate_up_proj
    Wd = jax.random.normal(ks[3], (E, I, H), dtype=jnp.float32) * 0.02       # per-expert down_proj
    Ws_gu = jax.random.normal(ks[4], (H, 2 * I), dtype=jnp.float32) * 0.02   # shared expert gate_up
    Ws_d = jax.random.normal(ks[5], (I, H), dtype=jnp.float32) * 0.02        # shared expert down
    expert_bias = jnp.zeros((E,), dtype=jnp.float32)                         # correction bias (buffer)
    return {
        "hidden_states": hidden_states,
        "Wg": Wg,
        "Wgu": Wgu,
        "Wd": Wd,
        "Ws_gu": Ws_gu,
        "Ws_d": Ws_d,
        "expert_bias": expert_bias,
    }


def reference(hidden_states, Wg, Wgu, Wd, Ws_gu, Ws_d, expert_bias):
    x = hidden_states
    num_tokens = x.shape[0]
    # Router gate (ReplicatedLinear, no bias)
    router_logits = x @ Wg
    # TopK with sigmoid scoring + correction bias for selection, renormalize=True
    scores = jax.nn.sigmoid(router_logits.astype(jnp.float32))
    scores_for_choice = scores + expert_bias[None, :]
    _, topk_idx = jax.lax.top_k(scores_for_choice, K)
    topk_w = jnp.take_along_axis(scores, topk_idx, axis=1)
    topk_w = topk_w / jnp.sum(topk_w, axis=1, keepdims=True)
    # Dense combine matrix [T, E] via scatter-add (faithful token->expert dispatch/combine)
    combine = jnp.zeros((num_tokens, Wg.shape[1]), dtype=jnp.float32)
    combine = combine.at[jnp.arange(num_tokens)[:, None], topk_idx].add(topk_w)
    # Routed experts: SiluAndMul MLP per expert
    gu = jnp.einsum('th,ehf->etf', x, Wgu)
    act = _silu_and_mul(gu)
    out_e = jnp.einsum('eti,eih->eth', act, Wd)
    routed = jnp.einsum('te,eth->th', combine, out_e)
    # Shared experts path (reduce_results=False locally, added to routed output)
    shared = _silu_and_mul(x @ Ws_gu) @ Ws_d
    # routed_scaling_factor == 1.0 -> shared_out.add_(final_hidden_states)
    final = shared + routed
    return final.reshape(num_tokens, x.shape[1])

if __name__ == "__main__":
    import jax
    _d = setup_inputs()
    print(jax.jit(kernel)(*tuple(_d.values())))

</pallas_src>

<mosaic_0001>
#map = affine_map<(d0, d1) -> (0, 0)>
#map1 = affine_map<(d0, d1) -> (0)>
module attributes {stable_mosaic.version = 14 : i64} {
  func.func @_sc_router_body(%arg0: i32, %arg1: i32, %arg2: memref<128x64xf32, #tpu.memory_space<hbm>>, %arg3: memref<64xf32, #tpu.memory_space<hbm>>, %arg4: memref<128x64xf32, #tpu.memory_space<hbm>>, %arg5: memref<4x64xf32, #tpu.memory_space<vmem>>, %arg6: memref<64xf32, #tpu.memory_space<vmem>>, %arg7: memref<4x64xf32, #tpu.memory_space<vmem>>) attributes {dimension_semantics = [#tpu.dimension_semantics<core_parallel>, #tpu.dimension_semantics<subcore_parallel>], iteration_bounds = array<i64: 2, 16>, scalar_prefetch = 0 : i64, scratch_operands = 3 : i64, tpu.core_type = #tpu.core_type<sc_vector_subcore>, window_params = [{transform_indices = #map}, {transform_indices = #map1}, {transform_indices = #map}]} {
    %mul3A = arith.constant 2 : i32
    %mul3A_0 = arith.muli %arg1, %mul3A : i32
    %add3A = arith.addi %mul3A_0, %arg0 : i32
    %mul3A_1 = arith.constant 4 : i32
    %mul3A_2 = arith.muli %add3A, %mul3A_1 : i32
    "tpu.region"() ({
      %run_scoped3A = tpu.sem_alloc : memref<!tpu.dma_semaphore, #tpu.memory_space<semaphore_mem>>
      %dma_start3A = arith.constant 0 : i32
      %dma_start3A_1489 = tpu.memref_slice %arg2[%mul3A_2, %dma_start3A] : memref<128x64xf32, #tpu.memory_space<hbm>> -> memref<4x64xf32, #tpu.memory_space<hbm>>
      %dma_start3A_1490 = arith.constant 0 : i32
      %dma_start3A_1491 = tpu.memref_slice %arg2[%mul3A_2, %dma_start3A_1490] : memref<128x64xf32, #tpu.memory_space<hbm>> -> memref<4x64xf32, #tpu.memory_space<hbm>>
      tpu.enqueue_dma source(%dma_start3A_1491 : memref<4x64xf32, #tpu.memory_space<hbm>>) target(%arg5 : memref<4x64xf32, #tpu.memory_space<vmem>>) target_semaphore(%run_scoped3A : memref<!tpu.dma_semaphore, #tpu.memory_space<semaphore_mem>>)
      %dma_wait3A = arith.constant 0 : i32
      %dma_wait3A_1492 = tpu.memref_slice %arg2[%mul3A_2, %dma_wait3A] : memref<128x64xf32, #tpu.memory_space<hbm>> -> memref<4x64xf32, #tpu.memory_space<hbm>>
      %dma_wait3A_1493 = arith.constant 0 : i32
      %dma_wait3A_1494 = tpu.memref_slice %arg2[%mul3A_2, %dma_wait3A_1493] : memref<128x64xf32, #tpu.memory_space<hbm>> -> memref<4x64xf32, #tpu.memory_space<hbm>>
      tpu.wait_dma2 semaphore(%run_scoped3A : memref<!tpu.dma_semaphore, #tpu.memory_space<semaphore_mem>>) src(%dma_wait3A_1494 : memref<4x64xf32, #tpu.memory_space<hbm>>) dst(%arg5 : memref<4x64xf32, #tpu.memory_space<vmem>>)
      tpu.yield
    }) : () -> ()
    "tpu.region"() ({
      %run_scoped3A = tpu.sem_alloc : memref<!tpu.dma_semaphore, #tpu.memory_space<semaphore_mem>>
      tpu.enqueue_dma source(%arg3 : memref<64xf32, #tpu.memory_space<hbm>>) target(%arg6 : memref<64xf32, #tpu.memory_space<vmem>>) target_semaphore(%run_scoped3A : memref<!tpu.dma_semaphore, #tpu.memory_space<semaphore_mem>>)
      tpu.wait_dma2 semaphore(%run_scoped3A : memref<!tpu.dma_semaphore, #tpu.memory_space<semaphore_mem>>) src(%arg3 : memref<64xf32, #tpu.memory_space<hbm>>) dst(%arg6 : memref<64xf32, #tpu.memory_space<vmem>>)
      tpu.yield
    }) : () -> ()
    %iota3A = tpu.iota {dimensions = array<i32: 0>} : vector<16xi32>
    %convert_element_type3A = arith.sitofp %iota3A : vector<16xi32> to vector<16xf32>
    %get3A = arith.constant 0 : i32
    %get3A_3 = arith.index_cast %get3A : i32 to index
    %get3A_4 = arith.constant 0 : index
    %get3A_5 = tpu.vector_load %arg5[%get3A_3, %get3A_4] {strides = array<i32>} : memref<4x64xf32, #tpu.memory_space<vmem>>, vector<16xf32>,
    %neg3A = arith.constant 0.000000e+00 : f32
    %neg3A_6 = vector.broadcast %neg3A : f32 to vector<16xf32>
    %neg3A_7 = arith.subf %neg3A_6, %get3A_5 : vector<16xf32>
    %exp3A = math.exp %neg3A_7 : vector<16xf32>
    %add3A_8 = arith.constant 1.000000e+00 : f32
    %add3A_9 = vector.broadcast %add3A_8 : f32 to vector<16xf32>
    %add3A_10 = arith.addf %add3A_9, %exp3A : vector<16xf32>
    %div3A = arith.constant 1.000000e+00 : f32
    %div3A_11 = vector.broadcast %div3A : f32 to vector<16xf32>
    %div3A_12 = arith.divf %div3A_11, %add3A_10 : vector<16xf32>
    %get3A_13 = arith.constant 0 : index
    %get3A_14 = tpu.vector_load %arg6[%get3A_13] {strides = array<i32>} : memref<64xf32, #tpu.memory_space<vmem>>, vector<16xf32>,
    %add3A_15 = arith.addf %div3A_12, %get3A_14 : vector<16xf32>
    %add3A_16 = arith.constant 0.000000e+00 : f32
    %add3A_17 = vector.broadcast %add3A_16 : f32 to vector<16xf32>
    %add3A_18 = arith.addf %convert_element_type3A, %add3A_17 : vector<16xf32>
    %get3A_19 = arith.constant 0 : i32
    %get3A_20 = arith.index_cast %get3A_19 : i32 to index
    %get3A_21 = arith.constant 16 : index
    %get3A_22 = tpu.vector_load %arg5[%get3A_20, %get3A_21] {strides = array<i32>} : memref<4x64xf32, #tpu.memory_space<vmem>>, vector<16xf32>,
    %neg3A_23 = arith.constant 0.000000e+00 : f32
    %neg3A_24 = vector.broadcast %neg3A_23 : f32 to vector<16xf32>
    %neg3A_25 = arith.subf %neg3A_24, %get3A_22 : vector<16xf32>
    %exp3A_26 = math.exp %neg3A_25 : vector<16xf32>
    %add3A_27 = arith.constant 1.000000e+00 : f32
    %add3A_28 = vector.broadcast %add3A_27 : f32 to vector<16xf32>
    %add3A_29 = arith.addf %add3A_28, %exp3A_26 : vector<16xf32>
    %div3A_30 = arith.constant 1.000000e+00 : f32
    %div3A_31 = vector.broadcast %div3A_30 : f32 to vector<16xf32>
    %div3A_32 = arith.divf %div3A_31, %add3A_29 : vector<16xf32>
    %get3A_33 = arith.constant 16 : index
    %get3A_34 = tpu.vector_load %arg6[%get3A_33] {strides = array<i32>} : memref<64xf32, #tpu.memory_space<vmem>>, vector<16xf32>,
    %add3A_35 = arith.addf %div3A_32, %get3A_34 : vector<16xf32>
    %add3A_36 = arith.constant 1.600000e+01 : f32
    %add3A_37 = vector.broadcast %add3A_36 : f32 to vector<16xf32>
    %add3A_38 = arith.addf %convert_element_type3A, %add3A_37 : vector<16xf32>
    %get3A_39 = arith.constant 0 : i32
    %get3A_40 = arith.index_cast %get3A_39 : i32 to index
    %get3A_41 = arith.constant 32 : index
    %get3A_42 = tpu.vector_load %arg5[%get3A_40, %get3A_41] {strides = array<i32>} : memref<4x64xf32, #tpu.memory_space<vmem>>, vector<16xf32>,
    %neg3A_43 = arith.constant 0.000000e+00 : f32
    %neg3A_44 = vector.broadcast %neg3A_43 : f32 to vector<16xf32>
    %neg3A_45 = arith.subf %neg3A_44, %get3A_42 : vector<16xf32>
    %exp3A_46 = math.exp %neg3A_45 : vector<16xf32>
    %add3A_47 = arith.constant 1.000000e+00 : f32
    %add3A_48 = vector.broadcast %add3A_47 : f32 to vector<16xf32>
    %add3A_49 = arith.addf %add3A_48, %exp3A_46 : vector<16xf32>
    %div3A_50 = arith.constant 1.000000e+00 : f32
    %div3A_51 = vector.broadcast %div3A_50 : f32 to vector<16xf32>
    %div3A_52 = arith.divf %div3A_51, %add3A_49 : vector<16xf32>
    %get3A_53 = arith.constant 32 : index
    %get3A_54 = tpu.vector_load %arg6[%get3A_53] {strides = array<i32>} : memref<64xf32, #tpu.memory_space<vmem>>, vector<16xf32>,
    %add3A_55 = arith.addf %div3A_52, %get3A_54 : vector<16xf32>
    %add3A_56 = arith.constant 3.200000e+01 : f32
    %add3A_57 = vector.broadcast %add3A_56 : f32 to vector<16xf32>
    %add3A_58 = arith.addf %convert_element_type3A, %add3A_57 : vector<16xf32>
    %get3A_59 = arith.constant 0 : i32
    %get3A_60 = arith.index_cast %get3A_59 : i32 to index
    %get3A_61 = arith.constant 48 : index
    %get3A_62 = tpu.vector_load %arg5[%get3A_60, %get3A_61] {strides = array<i32>} : memref<4x64xf32, #tpu.memory_space<vmem>>, vector<16xf32>,
    %neg3A_63 = arith.constant 0.000000e+00 : f32
    %neg3A_64 = vector.broadcast %neg3A_63 : f32 to vector<16xf32>
    %neg3A_65 = arith.subf %neg3A_64, %get3A_62 : vector<16xf32>
    %exp3A_66 = math.exp %neg3A_65 : vector<16xf32>
    %add3A_67 = arith.constant 1.000000e+00 : f32
    %add3A_68 = vector.broadcast %add3A_67 : f32 to vector<16xf32>
    %add3A_69 = arith.addf %add3A_68, %exp3A_66 : vector<16xf32>
    %div3A_70 = arith.constant 1.000000e+00 : f32
    %div3A_71 = vector.broadcast %div3A_70 : f32 to vector<16xf32>
    %div3A_72 = arith.divf %div3A_71, %add3A_69 : vector<16xf32>
    %get3A_73 = arith.constant 48 : index
    %get3A_74 = tpu.vector_load %arg6[%get3A_73] {strides = array<i32>} : memref<64xf32, #tpu.memory_space<vmem>>, vector<16xf32>,
    %add3A_75 = arith.addf %div3A_72, %get3A_74 : vector<16xf32>
    %add3A_76 = arith.constant 4.800000e+01 : f32
    %add3A_77 = vector.broadcast %add3A_76 : f32 to vector<16xf32>
    %add3A_78 = arith.addf %convert_element_type3A, %add3A_77 : vector<16xf32>
    %reduce_max3A = arith.constant true
    %reduce_max3A_79 = vector.broadcast %reduce_max3A : i1 to vector<16xi1>
    %reduce_max3A_80 = tpu.scan <max>, %add3A_15 masked %reduce_max3A_79 : vector<16xf32>, vector<16xi1> -> vector<16xf32>
    %reduce_max3A_81 = vector.extract %reduce_max3A_80[15] : f32 from vector<16xf32>
    %reduce_max3A_82 = arith.constant true
    %reduce_max3A_83 = vector.broadcast %reduce_max3A_82 : i1 to vector<16xi1>
    %reduce_max3A_84 = tpu.scan <max>, %add3A_35 masked %reduce_max3A_83 : vector<16xf32>, vector<16xi1> -> vector<16xf32>
    %reduce_max3A_85 = vector.extract %reduce_max3A_84[15] : f32 from vector<16xf32>
    %max3A = arith.maximumf %reduce_max3A_81, %reduce_max3A_85 : f32
    %reduce_max3A_86 = arith.constant true
    %reduce_max3A_87 = vector.broadcast %reduce_max3A_86 : i1 to vector<16xi1>
    %reduce_max3A_88 = tpu.scan <max>, %add3A_55 masked %reduce_max3A_87 : vector<16xf32>, vector<16xi1> -> vector<16xf32>
    %reduce_max3A_89 = vector.extract %reduce_max3A_88[15] : f32 from vector<16xf32>
    %max3A_90 = arith.maximumf %max3A, %reduce_max3A_89 : f32
    %reduce_max3A_91 = arith.constant true
    %reduce_max3A_92 = vector.broadcast %reduce_max3A_91 : i1 to vector<16xi1>
    %reduce_max3A_93 = tpu.scan <max>, %add3A_75 masked %reduce_max3A_92 : vector<16xf32>, vector<16xi1> -> vector<16xf32>
    %reduce_max3A_94 = vector.extract %reduce_max3A_93[15] : f32 from vector<16xf32>
    %max3A_95 = arith.maximumf %max3A_90, %reduce_max3A_94 : f32
    %eq3A = vector.broadcast %max3A_95 : f32 to vector<16xf32>
    %eq3A_96 = arith.cmpf oeq, %add3A_15, %eq3A : vector<16xf32>
    %jit3A = arith.constant 1.000000e+09 : f32
    %broadcast_in_dim3A = vector.broadcast %jit3A : f32 to vector<16xf32>
    %select_n3A = arith.select %eq3A_96, %add3A_18, %broadcast_in_dim3A : vector<16xi1>, vector<16xf32>
    %reduce_min3A = arith.constant true
    %reduce_min3A_97 = vector.broadcast %reduce_min3A : i1 to vector<16xi1>
    %reduce_min3A_98 = tpu.scan <min>, %select_n3A masked %reduce_min3A_97 : vector<16xf32>, vector<16xi1> -> vector<16xf32>
    %reduce_min3A_99 = vector.extract %reduce_min3A_98[15] : f32 from vector<16xf32>
    %eq3A_100 = vector.broadcast %max3A_95 : f32 to vector<16xf32>
    %eq3A_101 = arith.cmpf oeq, %add3A_35, %eq3A_100 : vector<16xf32>
    %jit3A_102 = arith.constant 1.000000e+09 : f32
    %broadcast_in_dim3A_103 = vector.broadcast %jit3A_102 : f32 to vector<16xf32>
    %select_n3A_104 = arith.select %eq3A_101, %add3A_38, %broadcast_in_dim3A_103 : vector<16xi1>, vector<16xf32>
    %reduce_min3A_105 = arith.constant true
    %reduce_min3A_106 = vector.broadcast %reduce_min3A_105 : i1 to vector<16xi1>
    %reduce_min3A_107 = tpu.scan <min>, %select_n3A_104 masked %reduce_min3A_106 : vector<16xf32>, vector<16xi1> -> vector<16xf32>
    %reduce_min3A_108 = vector.extract %reduce_min3A_107[15] : f32 from vector<16xf32>
    %min3A = arith.minimumf %reduce_min3A_99, %reduce_min3A_108 : f32
    %eq3A_109 = vector.broadcast %max3A_95 : f32 to vector<16xf32>
    %eq3A_110 = arith.cmpf oeq, %add3A_55, %eq3A_109 : vector<16xf32>
    %jit3A_111 = arith.constant 1.000000e+09 : f32
    %broadcast_in_dim3A_112 = vector.broadcast %jit3A_111 : f32 to vector<16xf32>
    %select_n3A_113 = arith.select %eq3A_110, %add3A_58, %broadcast_in_dim3A_112 : vector<16xi1>, vector<16xf32>
    %reduce_min3A_114 = arith.constant true
    %reduce_min3A_115 = vector.broadcast %reduce_min3A_114 : i1 to vector<16xi1>
    %reduce_min3A_116 = tpu.scan <min>, %select_n3A_113 masked %reduce_min3A_115 : vector<16xf32>, vector<16xi1> -> vector<16xf32>
    %reduce_min3A_117 = vector.extract %reduce_min3A_116[15] : f32 from vector<16xf32>
    %min3A_118 = arith.minimumf %min3A, %reduce_min3A_117 : f32
    %eq3A_119 = vector.broadcast %max3A_95 : f32 to vector<16xf32>
    %eq3A_120 = arith.cmpf oeq, %add3A_75, %eq3A_119 : vector<16xf32>
    %jit3A_121 = arith.constant 1.000000e+09 : f32
    %broadcast_in_dim3A_122 = vector.broadcast %jit3A_121 : f32 to vector<16xf32>
    %select_n3A_123 = arith.select %eq3A_120, %add3A_78, %broadcast_in_dim3A_122 : vector<16xi1>, vector<16xf32>
    %reduce_min3A_124 = arith.constant true
    %reduce_min3A_125 = vector.broadcast %reduce_min3A_124 : i1 to vector<16xi1>
    %reduce_min3A_126 = tpu.scan <min>, %select_n3A_123 masked %reduce_min3A_125 : vector<16xf32>, vector<16xi1> -> vector<16xf32>
    %reduce_min3A_127 = vector.extract %reduce_min3A_126[15] : f32 from vector<16xf32>
    %min3A_128 = arith.minimumf %min3A_118, %reduce_min3A_127 : f32
    %eq3A_129 = vector.broadcast %min3A_128 : f32 to vector<16xf32>
    %eq3A_130 = arith.cmpf oeq, %add3A_18, %eq3A_129 : vector<16xf32>
    %jit3A_131 = arith.constant 0.000000e+00 : f32
    %broadcast_in_dim3A_132 = vector.broadcast %jit3A_131 : f32 to vector<16xf32>
    %select_n3A_133 = arith.select %eq3A_130, %div3A_12, %broadcast_in_dim3A_132 : vector<16xi1>, vector<16xf32>
    %reduce_sum3A = arith.constant true
    %reduce_sum3A_134 = vector.broadcast %reduce_sum3A : i1 to vector<16xi1>
    %reduce_sum3A_135 = tpu.scan <sum>, %select_n3A_133 masked %reduce_sum3A_134 : vector<16xf32>, vector<16xi1> -> vector<16xf32>
    %reduce_sum3A_136 = vector.extract %reduce_sum3A_135[15] : f32 from vector<16xf32>
    %add3A_137 = arith.constant 0.000000e+00 : f32
    %add3A_138 = arith.addf %add3A_137, %reduce_sum3A_136 : f32
    %eq3A_139 = vector.broadcast %min3A_128 : f32 to vector<16xf32>
    %eq3A_140 = arith.cmpf oeq, %add3A_38, %eq3A_139 : vector<16xf32>
    %jit3A_141 = arith.constant 0.000000e+00 : f32
    %broadcast_in_dim3A_142 = vector.broadcast %jit3A_141 : f32 to vector<16xf32>
    %select_n3A_143 = arith.select %eq3A_140, %div3A_32, %broadcast_in_dim3A_142 : vector<16xi1>, vector<16xf32>
    %reduce_sum3A_144 = arith.constant true
    %reduce_sum3A_145 = vector.broadcast %reduce_sum3A_144 : i1 to vector<16xi1>
    %reduce_sum3A_146 = tpu.scan <sum>, %select_n3A_143 masked %reduce_sum3A_145 : vector<16xf32>, vector<16xi1> -> vector<16xf32>
    %reduce_sum3A_147 = vector.extract %reduce_sum3A_146[15] : f32 from vector<16xf32>
    %add3A_148 = arith.addf %add3A_138, %reduce_sum3A_147 : f32
    %eq3A_149 = vector.broadcast %min3A_128 : f32 to vector<16xf32>
    %eq3A_150 = arith.cmpf oeq, %add3A_58, %eq3A_149 : vector<16xf32>
    %jit3A_151 = arith.constant 0.000000e+00 : f32
    %broadcast_in_dim3A_152 = vector.broadcast %jit3A_151 : f32 to vector<16xf32>
    %select_n3A_153 = arith.select %eq3A_150, %div3A_52, %broadcast_in_dim3A_152 : vector<16xi1>, vector<16xf32>
    %reduce_sum3A_154 = arith.constant true
    %reduce_sum3A_155 = vector.broadcast %reduce_sum3A_154 : i1 to vector<16xi1>
    %reduce_sum3A_156 = tpu.scan <sum>, %select_n3A_153 masked %reduce_sum3A_155 : vector<16xf32>, vector<16xi1> -> vector<16xf32>
    %reduce_sum3A_157 = vector.extract %reduce_sum3A_156[15] : f32 from vector<16xf32>
    %add3A_158 = arith.addf %add3A_148, %reduce_sum3A_157 : f32
    %eq3A_159 = vector.broadcast %min3A_128 : f32 to vector<16xf32>
    %eq3A_160 = arith.cmpf oeq, %add3A_78, %eq3A_159 : vector<16xf32>
    %jit3A_161 = arith.constant 0.000000e+00 : f32
    %broadcast_in_dim3A_162 = vector.broadcast %jit3A_161 : f32 to vector<16xf32>
    %select_n3A_163 = arith.select %eq3A_160, %div3A_72, %broadcast_in_dim3A_162 : vector<16xi1>, vector<16xf32>
    %reduce_sum3A_164 = arith.constant true
    %reduce_sum3A_165 = vector.broadcast %reduce_sum3A_164 : i1 to vector<16xi1>
    %reduce_sum3A_166 = tpu.scan <sum>, %select_n3A_163 masked %reduce_sum3A_165 : vector<16xf32>, vector<16xi1> -> vector<16xf32>
    %reduce_sum3A_167 = vector.extract %reduce_sum3A_166[15] : f32 from vector<16xf32>
    %add3A_168 = arith.addf %add3A_158, %reduce_sum3A_167 : f32
    %eq3A_169 = vector.broadcast %min3A_128 : f32 to vector<16xf32>
    %eq3A_170 = arith.cmpf oeq, %add3A_18, %eq3A_169 : vector<16xf32>
    %jit3A_171 = arith.constant -1.000000e+30 : f32
    %broadcast_in_dim3A_172 = vector.broadcast %jit3A_171 : f32 to vector<16xf32>
    %select_n3A_173 = arith.select %eq3A_170, %broadcast_in_dim3A_172, %add3A_15 : vector<16xi1>, vector<16xf32>
    %eq3A_174 = vector.broadcast %min3A_128 : f32 to vector<16xf32>
    %eq3A_175 = arith.cmpf oeq, %add3A_38, %eq3A_174 : vector<16xf32>
    %jit3A_176 = arith.constant -1.000000e+30 : f32
    %broadcast_in_dim3A_177 = vector.broadcast %jit3A_176 : f32 to vector<16xf32>
    %select_n3A_178 = arith.select %eq3A_175, %broadcast_in_dim3A_177, %add3A_35 : vector<16xi1>, vector<16xf32>
    %eq3A_179 = vector.broadcast %min3A_128 : f32 to vector<16xf32>
    %eq3A_180 = arith.cmpf oeq, %add3A_58, %eq3A_179 : vector<16xf32>
    %jit3A_181 = arith.constant -1.000000e+30 : f32
    %broadcast_in_dim3A_182 = vector.broadcast %jit3A_181 : f32 to vector<16xf32>
    %select_n3A_183 = arith.select %eq3A_180, %broadcast_in_dim3A_182, %add3A_55 : vector<16xi1>, vector<16xf32>
    %eq3A_184 = vector.broadcast %min3A_128 : f32 to vector<16xf32>
    %eq3A_185 = arith.cmpf oeq, %add3A_78, %eq3A_184 : vector<16xf32>
    %jit3A_186 = arith.constant -1.000000e+30 : f32
    %broadcast_in_dim3A_187 = vector.broadcast %jit3A_186 : f32 to vector<16xf32>
    %select_n3A_188 = arith.select %eq3A_185, %broadcast_in_dim3A_187, %add3A_75 : vector<16xi1>, vector<16xf32>
    %reduce_max3A_189 = arith.constant true
    %reduce_max3A_190 = vector.broadcast %reduce_max3A_189 : i1 to vector<16xi1>
    %reduce_max3A_191 = tpu.scan <max>, %select_n3A_173 masked %reduce_max3A_190 : vector<16xf32>, vector<16xi1> -> vector<16xf32>
    %reduce_max3A_192 = vector.extract %reduce_max3A_191[15] : f32 from vector<16xf32>
    %reduce_max3A_193 = arith.constant true
    %reduce_max3A_194 = vector.broadcast %reduce_max3A_193 : i1 to vector<16xi1>
    %reduce_max3A_195 = tpu.scan <max>, %select_n3A_178 masked %reduce_max3A_194 : vector<16xf32>, vector<16xi1> -> vector<16xf32>
    %reduce_max3A_196 = vector.extract %reduce_max3A_195[15] : f32 from vector<16xf32>
    %max3A_197 = arith.maximumf %reduce_max3A_192, %reduce_max3A_196 : f32
    %reduce_max3A_198 = arith.constant true
    %reduce_max3A_199 = vector.broadcast %reduce_max3A_198 : i1 to vector<16xi1>
    %reduce_max3A_200 = tpu.scan <max>, %select_n3A_183 masked %reduce_max3A_199 : vector<16xf32>, vector<16xi1> -> vector<16xf32>
    %reduce_max3A_201 = vector.extract %reduce_max3A_200[15] : f32 from vector<16xf32>
    %max3A_202 = arith.maximumf %max3A_197, %reduce_max3A_201 : f32
    %reduce_max3A_203 = arith.constant true
    %reduce_max3A_204 = vector.broadcast %reduce_max3A_203 : i1 to vector<16xi1>
    %reduce_max3A_205 = tpu.scan <max>, %select_n3A_188 masked %reduce_max3A_204 : vector<16xf32>, vector<16xi1> -> vector<16xf32>
    %reduce_max3A_206 = vector.extract %reduce_max3A_205[15] : f32 from vector<16xf32>
    %max3A_207 = arith.maximumf %max3A_202, %reduce_max3A_206 : f32
    %eq3A_208 = vector.broadcast %max3A_207 : f32 to vector<16xf32>
    %eq3A_209 = arith.cmpf oeq, %select_n3A_173, %eq3A_208 : vector<16xf32>
    %jit3A_210 = arith.constant 1.000000e+09 : f32
    %broadcast_in_dim3A_211 = vector.broadcast %jit3A_210 : f32 to vector<16xf32>
    %select_n3A_212 = arith.select %eq3A_209, %add3A_18, %broadcast_in_dim3A_211 : vector<16xi1>, vector<16xf32>
    %reduce_min3A_213 = arith.constant true
    %reduce_min3A_214 = vector.broadcast %reduce_min3A_213 : i1 to vector<16xi1>
    %reduce_min3A_215 = tpu.scan <min>, %select_n3A_212 masked %reduce_min3A_214 : vector<16xf32>, vector<16xi1> -> vector<16xf32>
    %reduce_min3A_216 = vector.extract %reduce_min3A_215[15] : f32 from vector<16xf32>
    %eq3A_217 = vector.broadcast %max3A_207 : f32 to vector<16xf32>
    %eq3A_218 = arith.cmpf oeq, %select_n3A_178, %eq3A_217 : vector<16xf32>
    %jit3A_219 = arith.constant 1.000000e+09 : f32
    %broadcast_in_dim3A_220 = vector.broadcast %jit3A_219 : f32 to vector<16xf32>
    %select_n3A_221 = arith.select %eq3A_218, %add3A_38, %broadcast_in_dim3A_220 : vector<16xi1>, vector<16xf32>
    %reduce_min3A_222 = arith.constant true
    %reduce_min3A_223 = vector.broadcast %reduce_min3A_222 : i1 to vector<16xi1>
    %reduce_min3A_224 = tpu.scan <min>, %select_n3A_221 masked %reduce_min3A_223 : vector<16xf32>, vector<16xi1> -> vector<16xf32>
    %reduce_min3A_225 = vector.extract %reduce_min3A_224[15] : f32 from vector<16xf32>
    %min3A_226 = arith.minimumf %reduce_min3A_216, %reduce_min3A_225 : f32
    %eq3A_227 = vector.broadcast %max3A_207 : f32 to vector<16xf32>
    %eq3A_228 = arith.cmpf oeq, %select_n3A_183, %eq3A_227 : vector<16xf32>
    %jit3A_229 = arith.constant 1.000000e+09 : f32
    %broadcast_in_dim3A_230 = vector.broadcast %jit3A_229 : f32 to vector<16xf32>
    %select_n3A_231 = arith.select %eq3A_228, %add3A_58, %broadcast_in_dim3A_230 : vector<16xi1>, vector<16xf32>
    %reduce_min3A_232 = arith.constant true
    %reduce_min3A_233 = vector.broadcast %reduce_min3A_232 : i1 to vector<16xi1>
    %reduce_min3A_234 = tpu.scan <min>, %select_n3A_231 masked %reduce_min3A_233 : vector<16xf32>, vector<16xi1> -> vector<16xf32>
    %reduce_min3A_235 = vector.extract %reduce_min3A_234[15] : f32 from vector<16xf32>
    %min3A_236 = arith.minimumf %min3A_226, %reduce_min3A_235 : f32
    %eq3A_237 = vector.broadcast %max3A_207 : f32 to vector<16xf32>
    %eq3A_238 = arith.cmpf oeq, %select_n3A_188, %eq3A_237 : vector<16xf32>
    %jit3A_239 = arith.constant 1.000000e+09 : f32
    %broadcast_in_dim3A_240 = vector.broadcast %jit3A_239 : f32 to vector<16xf32>
    %select_n3A_241 = arith.select %eq3A_238, %add3A_78, %broadcast_in_dim3A_240 : vector<16xi1>, vector<16xf32>
    %reduce_min3A_242 = arith.constant true
    %reduce_min3A_243 = vector.broadcast %reduce_min3A_242 : i1 to vector<16xi1>
    %reduce_min3A_244 = tpu.scan <min>, %select_n3A_241 masked %reduce_min3A_243 : vector<16xf32>, vector<16xi1> -> vector<16xf32>
    %reduce_min3A_245 = vector.extract %reduce_min3A_244[15] : f32 from vector<16xf32>
    %min3A_246 = arith.minimumf %min3A_236, %reduce_min3A_245 : f32
    %eq3A_247 = vector.broadcast %min3A_246 : f32 to vector<16xf32>
    %eq3A_248 = arith.cmpf oeq, %add3A_18, %eq3A_247 : vector<16xf32>
    %jit3A_249 = arith.constant 0.000000e+00 : f32
    %broadcast_in_dim3A_250 = vector.broadcast %jit3A_249 : f32 to vector<16xf32>
    %select_n3A_251 = arith.select %eq3A_248, %div3A_12, %broadcast_in_dim3A_250 : vector<16xi1>, vector<16xf32>
    %reduce_sum3A_252 = arith.constant true
    %reduce_sum3A_253 = vector.broadcast %reduce_sum3A_252 : i1 to vector<16xi1>
    %reduce_sum3A_254 = tpu.scan <sum>, %select_n3A_251 masked %reduce_sum3A_253 : vector<16xf32>, vector<16xi1> -> vector<16xf32>
    %reduce_sum3A_255 = vector.extract %reduce_sum3A_254[15] : f32 from vector<16xf32>
    %add3A_256 = arith.constant 0.000000e+00 : f32
    %add3A_257 = arith.addf %add3A_256, %reduce_sum3A_255 : f32
    %eq3A_258 = vector.broadcast %min3A_246 : f32 to vector<16xf32>
    %eq3A_259 = arith.cmpf oeq, %add3A_38, %eq3A_258 : vector<16xf32>
    %jit3A_260 = arith.constant 0.000000e+00 : f32
    %broadcast_in_dim3A_261 = vector.broadcast %jit3A_260 : f32 to vector<16xf32>
    %select_n3A_262 = arith.select %eq3A_259, %div3A_32, %broadcast_in_dim3A_261 : vector<16xi1>, vector<16xf32>
    %reduce_sum3A_263 = arith.constant true
    %reduce_sum3A_264 = vector.broadcast %reduce_sum3A_263 : i1 to vector<16xi1>
    %reduce_sum3A_265 = tpu.scan <sum>, %select_n3A_262 masked %reduce_sum3A_264 : vector<16xf32>, vector<16xi1> -> vector<16xf32>
    %reduce_sum3A_266 = vector.extract %reduce_sum3A_265[15] : f32 from vector<16xf32>
    %add3A_267 = arith.addf %add3A_257, %reduce_sum3A_266 : f32
    %eq3A_268 = vector.broadcast %min3A_246 : f32 to vector<16xf32>
    %eq3A_269 = arith.cmpf oeq, %add3A_58, %eq3A_268 : vector<16xf32>
    %jit3A_270 = arith.constant 0.000000e+00 : f32
    %broadcast_in_dim3A_271 = vector.broadcast %jit3A_270 : f32 to vector<16xf32>
    %select_n3A_272 = arith.select %eq3A_269, %div3A_52, %broadcast_in_dim3A_271 : vector<16xi1>, vector<16xf32>
    %reduce_sum3A_273 = arith.constant true
    %reduce_sum3A_274 = vector.broadcast %reduce_sum3A_273 : i1 to vector<16xi1>
    %reduce_sum3A_275 = tpu.scan <sum>, %select_n3A_272 masked %reduce_sum3A_274 : vector<16xf32>, vector<16xi1> -> vector<16xf32>
    %reduce_sum3A_276 = vector.extract %reduce_sum3A_275[15] : f32 from vector<16xf32>
    %add3A_277 = arith.addf %add3A_267, %reduce_sum3A_276 : f32
    %eq3A_278 = vector.broadcast %min3A_246 : f32 to vector<16xf32>
    %eq3A_279 = arith.cmpf oeq, %add3A_78, %eq3A_278 : vector<16xf32>
    %jit3A_280 = arith.constant 0.000000e+00 : f32
    %broadcast_in_dim3A_281 = vector.broadcast %jit3A_280 : f32 to vector<16xf32>
    %select_n3A_282 = arith.select %eq3A_279, %div3A_72, %broadcast_in_dim3A_281 : vector<16xi1>, vector<16xf32>
    %reduce_sum3A_283 = arith.constant true
    %reduce_sum3A_284 = vector.broadcast %reduce_sum3A_283 : i1 to vector<16xi1>
    %reduce_sum3A_285 = tpu.scan <sum>, %select_n3A_282 masked %reduce_sum3A_284 : vector<16xf32>, vector<16xi1> -> vector<16xf32>
    %reduce_sum3A_286 = vector.extract %reduce_sum3A_285[15] : f32 from vector<16xf32>
    %add3A_287 = arith.addf %add3A_277, %reduce_sum3A_286 : f32
    %add3A_288 = arith.addf %add3A_168, %add3A_287 : f32
    %eq3A_289 = vector.broadcast %min3A_128 : f32 to vector<16xf32>
    %eq3A_290 = arith.cmpf oeq, %add3A_18, %eq3A_289 : vector<16xf32>
    %jit3A_291 = arith.constant 0.000000e+00 : f32
    %broadcast_in_dim3A_292 = vector.broadcast %add3A_168 : f32 to vector<16xf32>
    %broadcast_in_dim3A_293 = vector.broadcast %jit3A_291 : f32 to vector<16xf32>
    %select_n3A_294 = arith.select %eq3A_290, %broadcast_in_dim3A_292, %broadcast_in_dim3A_293 : vector<16xi1>, vector<16xf32>
    %eq3A_295 = vector.broadcast %min3A_246 : f32 to vector<16xf32>
    %eq3A_296 = arith.cmpf oeq, %add3A_18, %eq3A_295 : vector<16xf32>
    %jit3A_297 = arith.constant 0.000000e+00 : f32
    %broadcast_in_dim3A_298 = vector.broadcast %add3A_287 : f32 to vector<16xf32>
    %broadcast_in_dim3A_299 = vector.broadcast %jit3A_297 : f32 to vector<16xf32>
    %select_n3A_300 = arith.select %eq3A_296, %broadcast_in_dim3A_298, %broadcast_in_dim3A_299 : vector<16xi1>, vector<16xf32>
    %add3A_301 = arith.addf %select_n3A_294, %select_n3A_300 : vector<16xf32>
    %broadcast_in_dim3A_302 = vector.broadcast %add3A_288 : f32 to vector<16xf32>
    %div3A_303 = arith.divf %add3A_301, %broadcast_in_dim3A_302 : vector<16xf32>
    %swap3A = arith.constant 0 : i32
    %swap3A_304 = arith.index_cast %swap3A : i32 to index
    %swap3A_305 = arith.constant 0 : index
    %swap3A_306 = tpu.vector_load %arg7[%swap3A_304, %swap3A_305] {strides = array<i32>} : memref<4x64xf32, #tpu.memory_space<vmem>>, vector<16xf32>,
    tpu.vector_store %arg7[%swap3A_304, %swap3A_305], %div3A_303 {strides = array<i32>} : memref<4x64xf32, #tpu.memory_space<vmem>>, vector<16xf32>,
    %eq3A_307 = vector.broadcast %min3A_128 : f32 to vector<16xf32>
    %eq3A_308 = arith.cmpf oeq, %add3A_38, %eq3A_307 : vector<16xf32>
    %jit3A_309 = arith.constant 0.000000e+00 : f32
    %broadcast_in_dim3A_310 = vector.broadcast %add3A_168 : f32 to vector<16xf32>
    %broadcast_in_dim3A_311 = vector.broadcast %jit3A_309 : f32 to vector<16xf32>
    %select_n3A_312 = arith.select %eq3A_308, %broadcast_in_dim3A_310, %broadcast_in_dim3A_311 : vector<16xi1>, vector<16xf32>
    %eq3A_313 = vector.broadcast %min3A_246 : f32 to vector<16xf32>
    %eq3A_314 = arith.cmpf oeq, %add3A_38, %eq3A_313 : vector<16xf32>
    %jit3A_315 = arith.constant 0.000000e+00 : f32
    %broadcast_in_dim3A_316 = vector.broadcast %add3A_287 : f32 to vector<16xf32>
    %broadcast_in_dim3A_317 = vector.broadcast %jit3A_315 : f32 to vector<16xf32>
    %select_n3A_318 = arith.select %eq3A_314, %broadcast_in_dim3A_316, %broadcast_in_dim3A_317 : vector<16xi1>, vector<16xf32>
    %add3A_319 = arith.addf %select_n3A_312, %select_n3A_318 : vector<16xf32>
    %broadcast_in_dim3A_320 = vector.broadcast %add3A_288 : f32 to vector<16xf32>
    %div3A_321 = arith.divf %add3A_319, %broadcast_in_dim3A_320 : vector<16xf32>
    %swap3A_322 = arith.constant 0 : i32
    %swap3A_323 = arith.index_cast %swap3A_322 : i32 to index
    %swap3A_324 = arith.constant 16 : index
    %swap3A_325 = tpu.vector_load %arg7[%swap3A_323, %swap3A_324] {strides = array<i32>} : memref<4x64xf32, #tpu.memory_space<vmem>>, vector<16xf32>,
    tpu.vector_store %arg7[%swap3A_323, %swap3A_324], %div3A_321 {strides = array<i32>} : memref<4x64xf32, #tpu.memory_space<vmem>>, vector<16xf32>,
    %eq3A_326 = vector.broadcast %min3A_128 : f32 to vector<16xf32>
    %eq3A_327 = arith.cmpf oeq, %add3A_58, %eq3A_326 : vector<16xf32>
    %jit3A_328 = arith.constant 0.000000e+00 : f32
    %broadcast_in_dim3A_329 = vector.broadcast %add3A_168 : f32 to vector<16xf32>
    %broadcast_in_dim3A_330 = vector.broadcast %jit3A_328 : f32 to vector<16xf32>
    %select_n3A_331 = arith.select %eq3A_327, %broadcast_in_dim3A_329, %broadcast_in_dim3A_330 : vector<16xi1>, vector<16xf32>
    %eq3A_332 = vector.broadcast %min3A_246 : f32 to vector<16xf32>
    %eq3A_333 = arith.cmpf oeq, %add3A_58, %eq3A_332 : vector<16xf32>
    %jit3A_334 = arith.constant 0.000000e+00 : f32
    %broadcast_in_dim3A_335 = vector.broadcast %add3A_287 : f32 to vector<16xf32>
    %broadcast_in_dim3A_336 = vector.broadcast %jit3A_334 : f32 to vector<16xf32>
    %select_n3A_337 = arith.select %eq3A_333, %broadcast_in_dim3A_335, %broadcast_in_dim3A_336 : vector<16xi1>, vector<16xf32>
    %add3A_338 = arith.addf %select_n3A_331, %select_n3A_337 : vector<16xf32>
    %broadcast_in_dim3A_339 = vector.broadcast %add3A_288 : f32 to vector<16xf32>
    %div3A_340 = arith.divf %add3A_338, %broadcast_in_dim3A_339 : vector<16xf32>
    %swap3A_341 = arith.constant 0 : i32
    %swap3A_342 = arith.index_cast %swap3A_341 : i32 to index
    %swap3A_343 = arith.constant 32 : index
    %swap3A_344 = tpu.vector_load %arg7[%swap3A_342, %swap3A_343] {strides = array<i32>} : memref<4x64xf32, #tpu.memory_space<vmem>>, vector<16xf32>,
    tpu.vector_store %arg7[%swap3A_342, %swap3A_343], %div3A_340 {strides = array<i32>} : memref<4x64xf32, #tpu.memory_space<vmem>>, vector<16xf32>,
    %eq3A_345 = vector.broadcast %min3A_128 : f32 to vector<16xf32>
    %eq3A_346 = arith.cmpf oeq, %add3A_78, %eq3A_345 : vector<16xf32>
    %jit3A_347 = arith.constant 0.000000e+00 : f32
    %broadcast_in_dim3A_348 = vector.broadcast %add3A_168 : f32 to vector<16xf32>
    %broadcast_in_dim3A_349 = vector.broadcast %jit3A_347 : f32 to vector<16xf32>
    %select_n3A_350 = arith.select %eq3A_346, %broadcast_in_dim3A_348, %broadcast_in_dim3A_349 : vector<16xi1>, vector<16xf32>
    %eq3A_351 = vector.broadcast %min3A_246 : f32 to vector<16xf32>
    %eq3A_352 = arith.cmpf oeq, %add3A_78, %eq3A_351 : vector<16xf32>
    %jit3A_353 = arith.constant 0.000000e+00 : f32
    %broadcast_in_dim3A_354 = vector.broadcast %add3A_287 : f32 to vector<16xf32>
    %broadcast_in_dim3A_355 = vector.broadcast %jit3A_353 : f32 to vector<16xf32>
    %select_n3A_356 = arith.select %eq3A_352, %broadcast_in_dim3A_354, %broadcast_in_dim3A_355 : vector<16xi1>, vector<16xf32>
    %add3A_357 = arith.addf %select_n3A_350, %select_n3A_356 : vector<16xf32>
    %broadcast_in_dim3A_358 = vector.broadcast %add3A_288 : f32 to vector<16xf32>
    %div3A_359 = arith.divf %add3A_357, %broadcast_in_dim3A_358 : vector<16xf32>
    %swap3A_360 = arith.constant 0 : i32
    %swap3A_361 = arith.index_cast %swap3A_360 : i32 to index
    %swap3A_362 = arith.constant 48 : index
    %swap3A_363 = tpu.vector_load %arg7[%swap3A_361, %swap3A_362] {strides = array<i32>} : memref<4x64xf32, #tpu.memory_space<vmem>>, vector<16xf32>,
    tpu.vector_store %arg7[%swap3A_361, %swap3A_362], %div3A_359 {strides = array<i32>} : memref<4x64xf32, #tpu.memory_space<vmem>>, vector<16xf32>,
    %get3A_364 = arith.constant 1 : i32
    %get3A_365 = arith.index_cast %get3A_364 : i32 to index
    %get3A_366 = arith.constant 0 : index
    %get3A_367 = tpu.vector_load %arg5[%get3A_365, %get3A_366] {strides = array<i32>} : memref<4x64xf32, #tpu.memory_space<vmem>>, vector<16xf32>,
    %neg3A_368 = arith.constant 0.000000e+00 : f32
    %neg3A_369 = vector.broadcast %neg3A_368 : f32 to vector<16xf32>
    %neg3A_370 = arith.subf %neg3A_369, %get3A_367 : vector<16xf32>
    %exp3A_371 = math.exp %neg3A_370 : vector<16xf32>
    %add3A_372 = arith.constant 1.000000e+00 : f32
    %add3A_373 = vector.broadcast %add3A_372 : f32 to vector<16xf32>
    %add3A_374 = arith.addf %add3A_373, %exp3A_371 : vector<16xf32>
    %div3A_375 = arith.constant 1.000000e+00 : f32
    %div3A_376 = vector.broadcast %div3A_375 : f32 to vector<16xf32>
    %div3A_377 = arith.divf %div3A_376, %add3A_374 : vector<16xf32>
    %get3A_378 = arith.constant 0 : index
    %get3A_379 = tpu.vector_load %arg6[%get3A_378] {strides = array<i32>} : memref<64xf32, #tpu.memory_space<vmem>>, vector<16xf32>,
    %add3A_380 = arith.addf %div3A_377, %get3A_379 : vector<16xf32>
    %add3A_381 = arith.constant 0.000000e+00 : f32
    %add3A_382 = vector.broadcast %add3A_381 : f32 to vector<16xf32>
    %add3A_383 = arith.addf %convert_element_type3A, %add3A_382 : vector<16xf32>
    %get3A_384 = arith.constant 1 : i32
    %get3A_385 = arith.index_cast %get3A_384 : i32 to index
    %get3A_386 = arith.constant 16 : index
    %get3A_387 = tpu.vector_load %arg5[%get3A_385, %get3A_386] {strides = array<i32>} : memref<4x64xf32, #tpu.memory_space<vmem>>, vector<16xf32>,
    %neg3A_388 = arith.constant 0.000000e+00 : f32
    %neg3A_389 = vector.broadcast %neg3A_388 : f32 to vector<16xf32>
    %neg3A_390 = arith.subf %neg3A_389, %get3A_387 : vector<16xf32>
    %exp3A_391 = math.exp %neg3A_390 : vector<16xf32>
    %add3A_392 = arith.constant 1.000000e+00 : f32
    %add3A_393 = vector.broadcast %add3A_392 : f32 to vector<16xf32>
    %add3A_394 = arith.addf %add3A_393, %exp3A_391 : vector<16xf32>
    %div3A_395 = arith.constant 1.000000e+00 : f32
    %div3A_396 = vector.broadcast %div3A_395 : f32 to vector<16xf32>
    %div3A_397 = arith.divf %div3A_396, %add3A_394 : vector<16xf32>
    %get3A_398 = arith.constant 16 : index
    %get3A_399 = tpu.vector_load %arg6[%get3A_398] {strides = array<i32>} : memref<64xf32, #tpu.memory_space<vmem>>, vector<16xf32>,
    %add3A_400 = arith.addf %div3A_397, %get3A_399 : vector<16xf32>
    %add3A_401 = arith.constant 1.600000e+01 : f32
    %add3A_402 = vector.broadcast %add3A_401 : f32 to vector<16xf32>
    %add3A_403 = arith.addf %convert_element_type3A, %add3A_402 : vector<16xf32>
    %get3A_404 = arith.constant 1 : i32
    %get3A_405 = arith.index_cast %get3A_404 : i32 to index
    %get3A_406 = arith.constant 32 : index
    %get3A_407 = tpu.vector_load %arg5[%get3A_405, %get3A_406] {strides = array<i32>} : memref<4x64xf32, #tpu.memory_space<vmem>>, vector<16xf32>,
    %neg3A_408 = arith.constant 0.000000e+00 : f32
    %neg3A_409 = vector.broadcast %neg3A_408 : f32 to vector<16xf32>
    %neg3A_410 = arith.subf %neg3A_409, %get3A_407 : vector<16xf32>
    %exp3A_411 = math.exp %neg3A_410 : vector<16xf32>
    %add3A_412 = arith.constant 1.000000e+00 : f32
    %add3A_413 = vector.broadcast %add3A_412 : f32 to vector<16xf32>
    %add3A_414 = arith.addf %add3A_413, %exp3A_411 : vector<16xf32>
    %div3A_415 = arith.constant 1.000000e+00 : f32
    %div3A_416 = vector.broadcast %div3A_415 : f32 to vector<16xf32>
    %div3A_417 = arith.divf %div3A_416, %add3A_414 : vector<16xf32>
    %get3A_418 = arith.constant 32 : index
    %get3A_419 = tpu.vector_load %arg6[%get3A_418] {strides = array<i32>} : memref<64xf32, #tpu.memory_space<vmem>>, vector<16xf32>,
    %add3A_420 = arith.addf %div3A_417, %get3A_419 : vector<16xf32>
    %add3A_421 = arith.constant 3.200000e+01 : f32
    %add3A_422 = vector.broadcast %add3A_421 : f32 to vector<16xf32>
    %add3A_423 = arith.addf %convert_element_type3A, %add3A_422 : vector<16xf32>
    %get3A_424 = arith.constant 1 : i32
    %get3A_425 = arith.index_cast %get3A_424 : i32 to index
    %get3A_426 = arith.constant 48 : index
    %get3A_427 = tpu.vector_load %arg5[%get3A_425, %get3A_426] {strides = array<i32>} : memref<4x64xf32, #tpu.memory_space<vmem>>, vector<16xf32>,
    %neg3A_428 = arith.constant 0.000000e+00 : f32
    %neg3A_429 = vector.broadcast %neg3A_428 : f32 to vector<16xf32>
    %neg3A_430 = arith.subf %neg3A_429, %get3A_427 : vector<16xf32>
    %exp3A_431 = math.exp %neg3A_430 : vector<16xf32>
    %add3A_432 = arith.constant 1.000000e+00 : f32
    %add3A_433 = vector.broadcast %add3A_432 : f32 to vector<16xf32>
    %add3A_434 = arith.addf %add3A_433, %exp3A_431 : vector<16xf32>
    %div3A_435 = arith.constant 1.000000e+00 : f32
    %div3A_436 = vector.broadcast %div3A_435 : f32 to vector<16xf32>
    %div3A_437 = arith.divf %div3A_436, %add3A_434 : vector<16xf32>
    %get3A_438 = arith.constant 48 : index
    %get3A_439 = tpu.vector_load %arg6[%get3A_438] {strides = array<i32>} : memref<64xf32, #tpu.memory_space<vmem>>, vector<16xf32>,
    %add3A_440 = arith.addf %div3A_437, %get3A_439 : vector<16xf32>
    %add3A_441 = arith.constant 4.800000e+01 : f32
    %add3A_442 = vector.broadcast %add3A_441 : f32 to vector<16xf32>
    %add3A_443 = arith.addf %convert_element_type3A, %add3A_442 : vector<16xf32>
    %reduce_max3A_444 = arith.constant true
    %reduce_max3A_445 = vector.broadcast %reduce_max3A_444 : i1 to vector<16xi1>
    %reduce_max3A_446 = tpu.scan <max>, %add3A_380 masked %reduce_max3A_445 : vector<16xf32>, vector<16xi1> -> vector<16xf32>
    %reduce_max3A_447 = vector.extract %reduce_max3A_446[15] : f32 from vector<16xf32>
    %reduce_max3A_448 = arith.constant true
    %reduce_max3A_449 = vector.broadcast %reduce_max3A_448 : i1 to vector<16xi1>
    %reduce_max3A_450 = tpu.scan <max>, %add3A_400 masked %reduce_max3A_449 : vector<16xf32>, vector<16xi1> -> vector<16xf32>
    %reduce_max3A_451 = vector.extract %reduce_max3A_450[15] : f32 from vector<16xf32>
    %max3A_452 = arith.maximumf %reduce_max3A_447, %reduce_max3A_451 : f32
    %reduce_max3A_453 = arith.constant true
    %reduce_max3A_454 = vector.broadcast %reduce_max3A_453 : i1 to vector<16xi1>
    %reduce_max3A_455 = tpu.scan <max>, %add3A_420 masked %reduce_max3A_454 : vector<16xf32>, vector<16xi1> -> vector<16xf32>
    %reduce_max3A_456 = vector.extract %reduce_max3A_455[15] : f32 from vector<16xf32>
    %max3A_457 = arith.maximumf %max3A_452, %reduce_max3A_456 : f32
    %reduce_max3A_458 = arith.constant true
    %reduce_max3A_459 = vector.broadcast %reduce_max3A_458 : i1 to vector<16xi1>
    %reduce_max3A_460 = tpu.scan <max>, %add3A_440 masked %reduce_max3A_459 : vector<16xf32>, vector<16xi1> -> vector<16xf32>
    %reduce_max3A_461 = vector.extract %reduce_max3A_460[15] : f32 from vector<16xf32>
    %max3A_462 = arith.maximumf %max3A_457, %reduce_max3A_461 : f32
    %eq3A_463 = vector.broadcast %max3A_462 : f32 to vector<16xf32>
    %eq3A_464 = arith.cmpf oeq, %add3A_380, %eq3A_463 : vector<16xf32>
    %jit3A_465 = arith.constant 1.000000e+09 : f32
    %broadcast_in_dim3A_466 = vector.broadcast %jit3A_465 : f32 to vector<16xf32>
    %select_n3A_467 = arith.select %eq3A_464, %add3A_383, %broadcast_in_dim3A_466 : vector<16xi1>, vector<16xf32>
    %reduce_min3A_468 = arith.constant true
    %reduce_min3A_469 = vector.broadcast %reduce_min3A_468 : i1 to vector<16xi1>
    %reduce_min3A_470 = tpu.scan <min>, %select_n3A_467 masked %reduce_min3A_469 : vector<16xf32>, vector<16xi1> -> vector<16xf32>
    %reduce_min3A_471 = vector.extract %reduce_min3A_470[15] : f32 from vector<16xf32>
    %eq3A_472 = vector.broadcast %max3A_462 : f32 to vector<16xf32>
    %eq3A_473 = arith.cmpf oeq, %add3A_400, %eq3A_472 : vector<16xf32>
    %jit3A_474 = arith.constant 1.000000e+09 : f32
    %broadcast_in_dim3A_475 = vector.broadcast %jit3A_474 : f32 to vector<16xf32>
    %select_n3A_476 = arith.select %eq3A_473, %add3A_403, %broadcast_in_dim3A_475 : vector<16xi1>, vector<16xf32>
    %reduce_min3A_477 = arith.constant true
    %reduce_min3A_478 = vector.broadcast %reduce_min3A_477 : i1 to vector<16xi1>
    %reduce_min3A_479 = tpu.scan <min>, %select_n3A_476 masked %reduce_min3A_478 : vector<16xf32>, vector<16xi1> -> vector<16xf32>
    %reduce_min3A_480 = vector.extract %reduce_min3A_479[15] : f32 from vector<16xf32>
    %min3A_481 = arith.minimumf %reduce_min3A_471, %reduce_min3A_480 : f32
    %eq3A_482 = vector.broadcast %max3A_462 : f32 to vector<16xf32>
    %eq3A_483 = arith.cmpf oeq, %add3A_420, %eq3A_482 : vector<16xf32>
    %jit3A_484 = arith.constant 1.000000e+09 : f32
    %broadcast_in_dim3A_485 = vector.broadcast %jit3A_484 : f32 to vector<16xf32>
    %select_n3A_486 = arith.select %eq3A_483, %add3A_423, %broadcast_in_dim3A_485 : vector<16xi1>, vector<16xf32>
    %reduce_min3A_487 = arith.constant true
    %reduce_min3A_488 = vector.broadcast %reduce_min3A_487 : i1 to vector<16xi1>
    %reduce_min3A_489 = tpu.scan <min>, %select_n3A_486 masked %reduce_min3A_488 : vector<16xf32>, vector<16xi1> -> vector<16xf32>
    %reduce_min3A_490 = vector.extract %reduce_min3A_489[15] : f32 from vector<16xf32>
    %min3A_491 = arith.minimumf %min3A_481, %reduce_min3A_490 : f32
    %eq3A_492 = vector.broadcast %max3A_462 : f32 to vector<16xf32>
    %eq3A_493 = arith.cmpf oeq, %add3A_440, %eq3A_492 : vector<16xf32>
    %jit3A_494 = arith.constant 1.000000e+09 : f32
    %broadcast_in_dim3A_495 = vector.broadcast %jit3A_494 : f32 to vector<16xf32>
    %select_n3A_496 = arith.select %eq3A_493, %add3A_443, %broadcast_in_dim3A_495 : vector<16xi1>, vector<16xf32>
    %reduce_min3A_497 = arith.constant true
    %reduce_min3A_498 = vector.broadcast %reduce_min3A_497 : i1 to vector<16xi1>
    %reduce_min3A_499 = tpu.scan <min>, %select_n3A_496 masked %reduce_min3A_498 : vector<16xf32>, vector<16xi1> -> vector<16xf32>
    %reduce_min3A_500 = vector.extract %reduce_min3A_499[15] : f32 from vector<16xf32>
    %min3A_501 = arith.minimumf %min3A_491, %reduce_min3A_500 : f32
    %eq3A_502 = vector.broadcast %min3A_501 : f32 to vector<16xf32>
    %eq3A_503 = arith.cmpf oeq, %add3A_383, %eq3A_502 : vector<16xf32>
    %jit3A_504 = arith.constant 0.000000e+00 : f32
    %broadcast_in_dim3A_505 = vector.broadcast %jit3A_504 : f32 to vector<16xf32>
    %select_n3A_506 = arith.select %eq3A_503, %div3A_377, %broadcast_in_dim3A_505 : vector<16xi1>, vector<16xf32>
    %reduce_sum3A_507 = arith.constant true
    %reduce_sum3A_508 = vector.broadcast %reduce_sum3A_507 : i1 to vector<16xi1>
    %reduce_sum3A_509 = tpu.scan <sum>, %select_n3A_506 masked %reduce_sum3A_508 : vector<16xf32>, vector<16xi1> -> vector<16xf32>
    %reduce_sum3A_510 = vector.extract %reduce_sum3A_509[15] : f32 from vector<16xf32>
    %add3A_511 = arith.constant 0.000000e+00 : f32
    %add3A_512 = arith.addf %add3A_511, %reduce_sum3A_510 : f32
    %eq3A_513 = vector.broadcast %min3A_501 : f32 to vector<16xf32>
    %eq3A_514 = arith.cmpf oeq, %add3A_403, %eq3A_513 : vector<16xf32>
    %jit3A_515 = arith.constant 0.000000e+00 : f32
    %broadcast_in_dim3A_516 = vector.broadcast %jit3A_515 : f32 to vector<16xf32>
    %select_n3A_517 = arith.select %eq3A_514, %div3A_397, %broadcast_in_dim3A_516 : vector<16xi1>, vector<16xf32>
    %reduce_sum3A_518 = arith.constant true
    %reduce_sum3A_519 = vector.broadcast %reduce_sum3A_518 : i1 to vector<16xi1>
    %reduce_sum3A_520 = tpu.scan <sum>, %select_n3A_517 masked %reduce_sum3A_519 : vector<16xf32>, vector<16xi1> -> vector<16xf32>
    %reduce_sum3A_521 = vector.extract %reduce_sum3A_520[15] : f32 from vector<16xf32>
    %add3A_522 = arith.addf %add3A_512, %reduce_sum3A_521 : f32
    %eq3A_523 = vector.broadcast %min3A_501 : f32 to vector<16xf32>
    %eq3A_524 = arith.cmpf oeq, %add3A_423, %eq3A_523 : vector<16xf32>
    %jit3A_525 = arith.constant 0.000000e+00 : f32
    %broadcast_in_dim3A_526 = vector.broadcast %jit3A_525 : f32 to vector<16xf32>
    %select_n3A_527 = arith.select %eq3A_524, %div3A_417, %broadcast_in_dim3A_526 : vector<16xi1>, vector<16xf32>
    %reduce_sum3A_528 = arith.constant true
    %reduce_sum3A_529 = vector.broadcast %reduce_sum3A_528 : i1 to vector<16xi1>
    %reduce_sum3A_530 = tpu.scan <sum>, %select_n3A_527 masked %reduce_sum3A_529 : vector<16xf32>, vector<16xi1> -> vector<16xf32>
    %reduce_sum3A_531 = vector.extract %reduce_sum3A_530[15] : f32 from vector<16xf32>
    %add3A_532 = arith.addf %add3A_522, %reduce_sum3A_531 : f32
    %eq3A_533 = vector.broadcast %min3A_501 : f32 to vector<16xf32>
    %eq3A_534 = arith.cmpf oeq, %add3A_443, %eq3A_533 : vector<16xf32>
    %jit3A_535 = arith.constant 0.000000e+00 : f32
    %broadcast_in_dim3A_536 = vector.broadcast %jit3A_535 : f32 to vector<16xf32>
    %select_n3A_537 = arith.select %eq3A_534, %div3A_437, %broadcast_in_dim3A_536 : vector<16xi1>, vector<16xf32>
    %reduce_sum3A_538 = arith.constant true
    %reduce_sum3A_539 = vector.broadcast %reduce_sum3A_538 : i1 to vector<16xi1>
    %reduce_sum3A_540 = tpu.scan <sum>, %select_n3A_537 masked %reduce_sum3A_539 : vector<16xf32>, vector<16xi1> -> vector<16xf32>
    %reduce_sum3A_541 = vector.extract %reduce_sum3A_540[15] : f32 from vector<16xf32>
    %add3A_542 = arith.addf %add3A_532, %reduce_sum3A_541 : f32
    %eq3A_543 = vector.broadcast %min3A_501 : f32 to vector<16xf32>
    %eq3A_544 = arith.cmpf oeq, %add3A_383, %eq3A_543 : vector<16xf32>
    %jit3A_545 = arith.constant -1.000000e+30 : f32
    %broadcast_in_dim3A_546 = vector.broadcast %jit3A_545 : f32 to vector<16xf32>
    %select_n3A_547 = arith.select %eq3A_544, %broadcast_in_dim3A_546, %add3A_380 : vector<16xi1>, vector<16xf32>
    %eq3A_548 = vector.broadcast %min3A_501 : f32 to vector<16xf32>
    %eq3A_549 = arith.cmpf oeq, %add3A_403, %eq3A_548 : vector<16xf32>
    %jit3A_550 = arith.constant -1.000000e+30 : f32
    %broadcast_in_dim3A_551 = vector.broadcast %jit3A_550 : f32 to vector<16xf32>
    %select_n3A_552 = arith.select %eq3A_549, %broadcast_in_dim3A_551, %add3A_400 : vector<16xi1>, vector<16xf32>
    %eq3A_553 = vector.broadcast %min3A_501 : f32 to vector<16xf32>
    %eq3A_554 = arith.cmpf oeq, %add3A_423, %eq3A_553 : vector<16xf32>
    %jit3A_555 = arith.constant -1.000000e+30 : f32
    %broadcast_in_dim3A_556 = vector.broadcast %jit3A_555 : f32 to vector<16xf32>
    %select_n3A_557 = arith.select %eq3A_554, %broadcast_in_dim3A_556, %add3A_420 : vector<16xi1>, vector<16xf32>
    %eq3A_558 = vector.broadcast %min3A_501 : f32 to vector<16xf32>
    %eq3A_559 = arith.cmpf oeq, %add3A_443, %eq3A_558 : vector<16xf32>
    %jit3A_560 = arith.constant -1.000000e+30 : f32
    %broadcast_in_dim3A_561 = vector.broadcast %jit3A_560 : f32 to vector<16xf32>
    %select_n3A_562 = arith.select %eq3A_559, %broadcast_in_dim3A_561, %add3A_440 : vector<16xi1>, vector<16xf32>
    %reduce_max3A_563 = arith.constant true
    %reduce_max3A_564 = vector.broadcast %reduce_max3A_563 : i1 to vector<16xi1>
    %reduce_max3A_565 = tpu.scan <max>, %select_n3A_547 masked %reduce_max3A_564 : vector<16xf32>, vector<16xi1> -> vector<16xf32>
    %reduce_max3A_566 = vector.extract %reduce_max3A_565[15] : f32 from vector<16xf32>
    %reduce_max3A_567 = arith.constant true
    %reduce_max3A_568 = vector.broadcast %reduce_max3A_567 : i1 to vector<16xi1>
    %reduce_max3A_569 = tpu.scan <max>, %select_n3A_552 masked %reduce_max3A_568 : vector<16xf32>, vector<16xi1> -> vector<16xf32>
    %reduce_max3A_570 = vector.extract %reduce_max3A_569[15] : f32 from vector<16xf32>
    %max3A_571 = arith.maximumf %reduce_max3A_566, %reduce_max3A_570 : f32
    %reduce_max3A_572 = arith.constant true
    %reduce_max3A_573 = vector.broadcast %reduce_max3A_572 : i1 to vector<16xi1>
    %reduce_max3A_574 = tpu.scan <max>, %select_n3A_557 masked %reduce_max3A_573 : vector<16xf32>, vector<16xi1> -> vector<16xf32>
    %reduce_max3A_575 = vector.extract %reduce_max3A_574[15] : f32 from vector<16xf32>
    %max3A_576 = arith.maximumf %max3A_571, %reduce_max3A_575 : f32
    %reduce_max3A_577 = arith.constant true
    %reduce_max3A_578 = vector.broadcast %reduce_max3A_577 : i1 to vector<16xi1>
    %reduce_max3A_579 = tpu.scan <max>, %select_n3A_562 masked %reduce_max3A_578 : vector<16xf32>, vector<16xi1> -> vector<16xf32>
    %reduce_max3A_580 = vector.extract %reduce_max3A_579[15] : f32 from vector<16xf32>
    %max3A_581 = arith.maximumf %max3A_576, %reduce_max3A_580 : f32
    %eq3A_582 = vector.broadcast %max3A_581 : f32 to vector<16xf32>
    %eq3A_583 = arith.cmpf oeq, %select_n3A_547, %eq3A_582 : vector<16xf32>
    %jit3A_584 = arith.constant 1.000000e+09 : f32
    %broadcast_in_dim3A_585 = vector.broadcast %jit3A_584 : f32 to vector<16xf32>
    %select_n3A_586 = arith.select %eq3A_583, %add3A_383, %broadcast_in_dim3A_585 : vector<16xi1>, vector<16xf32>
    %reduce_min3A_587 = arith.constant true
    %reduce_min3A_588 = vector.broadcast %reduce_min3A_587 : i1 to vector<16xi1>
    %reduce_min3A_589 = tpu.scan <min>, %select_n3A_586 masked %reduce_min3A_588 : vector<16xf32>, vector<16xi1> -> vector<16xf32>
    %reduce_min3A_590 = vector.extract %reduce_min3A_589[15] : f32 from vector<16xf32>
    %eq3A_591 = vector.broadcast %max3A_581 : f32 to vector<16xf32>
    %eq3A_592 = arith.cmpf oeq, %select_n3A_552, %eq3A_591 : vector<16xf32>
    %jit3A_593 = arith.constant 1.000000e+09 : f32
    %broadcast_in_dim3A_594 = vector.broadcast %jit3A_593 : f32 to vector<16xf32>
    %select_n3A_595 = arith.select %eq3A_592, %add3A_403, %broadcast_in_dim3A_594 : vector<16xi1>, vector<16xf32>
    %reduce_min3A_596 = arith.constant true
    %reduce_min3A_597 = vector.broadcast %reduce_min3A_596 : i1 to vector<16xi1>
    %reduce_min3A_598 = tpu.scan <min>, %select_n3A_595 masked %reduce_min3A_597 : vector<16xf32>, vector<16xi1> -> vector<16xf32>
    %reduce_min3A_599 = vector.extract %reduce_min3A_598[15] : f32 from vector<16xf32>
    %min3A_600 = arith.minimumf %reduce_min3A_590, %reduce_min3A_599 : f32
    %eq3A_601 = vector.broadcast %max3A_581 : f32 to vector<16xf32>
    %eq3A_602 = arith.cmpf oeq, %select_n3A_557, %eq3A_601 : vector<16xf32>
    %jit3A_603 = arith.constant 1.000000e+09 : f32
    %broadcast_in_dim3A_604 = vector.broadcast %jit3A_603 : f32 to vector<16xf32>
    %select_n3A_605 = arith.select %eq3A_602, %add3A_423, %broadcast_in_dim3A_604 : vector<16xi1>, vector<16xf32>
    %reduce_min3A_606 = arith.constant true
    %reduce_min3A_607 = vector.broadcast %reduce_min3A_606 : i1 to vector<16xi1>
    %reduce_min3A_608 = tpu.scan <min>, %select_n3A_605 masked %reduce_min3A_607 : vector<16xf32>, vector<16xi1> -> vector<16xf32>
    %reduce_min3A_609 = vector.extract %reduce_min3A_608[15] : f32 from vector<16xf32>
    %min3A_610 = arith.minimumf %min3A_600, %reduce_min3A_609 : f32
    %eq3A_611 = vector.broadcast %max3A_581 : f32 to vector<16xf32>
    %eq3A_612 = arith.cmpf oeq, %select_n3A_562, %eq3A_611 : vector<16xf32>
    %jit3A_613 = arith.constant 1.000000e+09 : f32
    %broadcast_in_dim3A_614 = vector.broadcast %jit3A_613 : f32 to vector<16xf32>
    %select_n3A_615 = arith.select %eq3A_612, %add3A_443, %broadcast_in_dim3A_614 : vector<16xi1>, vector<16xf32>
    %reduce_min3A_616 = arith.constant true
    %reduce_min3A_617 = vector.broadcast %reduce_min3A_616 : i1 to vector<16xi1>
    %reduce_min3A_618 = tpu.scan <min>, %select_n3A_615 masked %reduce_min3A_617 : vector<16xf32>, vector<16xi1> -> vector<16xf32>
    %reduce_min3A_619 = vector.extract %reduce_min3A_618[15] : f32 from vector<16xf32>
    %min3A_620 = arith.minimumf %min3A_610, %reduce_min3A_619 : f32
    %eq3A_621 = vector.broadcast %min3A_620 : f32 to vector<16xf32>
    %eq3A_622 = arith.cmpf oeq, %add3A_383, %eq3A_621 : vector<16xf32>
    %jit3A_623 = arith.constant 0.000000e+00 : f32
    %broadcast_in_dim3A_624 = vector.broadcast %jit3A_623 : f32 to vector<16xf32>
    %select_n3A_625 = arith.select %eq3A_622, %div3A_377, %broadcast_in_dim3A_624 : vector<16xi1>, vector<16xf32>
    %reduce_sum3A_626 = arith.constant true
    %reduce_sum3A_627 = vector.broadcast %reduce_sum3A_626 : i1 to vector<16xi1>
    %reduce_sum3A_628 = tpu.scan <sum>, %select_n3A_625 masked %reduce_sum3A_627 : vector<16xf32>, vector<16xi1> -> vector<16xf32>
    %reduce_sum3A_629 = vector.extract %reduce_sum3A_628[15] : f32 from vector<16xf32>
    %add3A_630 = arith.constant 0.000000e+00 : f32
    %add3A_631 = arith.addf %add3A_630, %reduce_sum3A_629 : f32
    %eq3A_632 = vector.broadcast %min3A_620 : f32 to vector<16xf32>
    %eq3A_633 = arith.cmpf oeq, %add3A_403, %eq3A_632 : vector<16xf32>
    %jit3A_634 = arith.constant 0.000000e+00 : f32
    %broadcast_in_dim3A_635 = vector.broadcast %jit3A_634 : f32 to vector<16xf32>
    %select_n3A_636 = arith.select %eq3A_633, %div3A_397, %broadcast_in_dim3A_635 : vector<16xi1>, vector<16xf32>
    %reduce_sum3A_637 = arith.constant true
    %reduce_sum3A_638 = vector.broadcast %reduce_sum3A_637 : i1 to vector<16xi1>
    %reduce_sum3A_639 = tpu.scan <sum>, %select_n3A_636 masked %reduce_sum3A_638 : vector<16xf32>, vector<16xi1> -> vector<16xf32>
    %reduce_sum3A_640 = vector.extract %reduce_sum3A_639[15] : f32 from vector<16xf32>
    %add3A_641 = arith.addf %add3A_631, %reduce_sum3A_640 : f32
    %eq3A_642 = vector.broadcast %min3A_620 : f32 to vector<16xf32>
    %eq3A_643 = arith.cmpf oeq, %add3A_423, %eq3A_642 : vector<16xf32>
    %jit3A_644 = arith.constant 0.000000e+00 : f32
    %broadcast_in_dim3A_645 = vector.broadcast %jit3A_644 : f32 to vector<16xf32>
    %select_n3A_646 = arith.select %eq3A_643, %div3A_417, %broadcast_in_dim3A_645 : vector<16xi1>, vector<16xf32>
    %reduce_sum3A_647 = arith.constant true
    %reduce_sum3A_648 = vector.broadcast %reduce_sum3A_647 : i1 to vector<16xi1>
    %reduce_sum3A_649 = tpu.scan <sum>, %select_n3A_646 masked %reduce_sum3A_648 : vector<16xf32>, vector<16xi1> -> vector<16xf32>
    %reduce_sum3A_650 = vector.extract %reduce_sum3A_649[15] : f32 from vector<16xf32>
    %add3A_651 = arith.addf %add3A_641, %reduce_sum3A_650 : f32
    %eq3A_652 = vector.broadcast %min3A_620 : f32 to vector<16xf32>
    %eq3A_653 = arith.cmpf oeq, %add3A_443, %eq3A_652 : vector<16xf32>
    %jit3A_654 = arith.constant 0.000000e+00 : f32
    %broadcast_in_dim3A_655 = vector.broadcast %jit3A_654 : f32 to vector<16xf32>
    %select_n3A_656 = arith.select %eq3A_653, %div3A_437, %broadcast_in_dim3A_655 : vector<16xi1>, vector<16xf32>
    %reduce_sum3A_657 = arith.constant true
    %reduce_sum3A_658 = vector.broadcast %reduce_sum3A_657 : i1 to vector<16xi1>
    %reduce_sum3A_659 = tpu.scan <sum>, %select_n3A_656 masked %reduce_sum3A_658 : vector<16xf32>, vector<16xi1> -> vector<16xf32>
    %reduce_sum3A_660 = vector.extract %reduce_sum3A_659[15] : f32 from vector<16xf32>
    %add3A_661 = arith.addf %add3A_651, %reduce_sum3A_660 : f32
    %add3A_662 = arith.addf %add3A_542, %add3A_661 : f32
    %eq3A_663 = vector.broadcast %min3A_501 : f32 to vector<16xf32>
    %eq3A_664 = arith.cmpf oeq, %add3A_383, %eq3A_663 : vector<16xf32>
    %jit3A_665 = arith.constant 0.000000e+00 : f32
    %broadcast_in_dim3A_666 = vector.broadcast %add3A_542 : f32 to vector<16xf32>
    %broadcast_in_dim3A_667 = vector.broadcast %jit3A_665 : f32 to vector<16xf32>
    %select_n3A_668 = arith.select %eq3A_664, %broadcast_in_dim3A_666, %broadcast_in_dim3A_667 : vector<16xi1>, vector<16xf32>
    %eq3A_669 = vector.broadcast %min3A_620 : f32 to vector<16xf32>
    %eq3A_670 = arith.cmpf oeq, %add3A_383, %eq3A_669 : vector<16xf32>
    %jit3A_671 = arith.constant 0.000000e+00 : f32
    %broadcast_in_dim3A_672 = vector.broadcast %add3A_661 : f32 to vector<16xf32>
    %broadcast_in_dim3A_673 = vector.broadcast %jit3A_671 : f32 to vector<16xf32>
    %select_n3A_674 = arith.select %eq3A_670, %broadcast_in_dim3A_672, %broadcast_in_dim3A_673 : vector<16xi1>, vector<16xf32>
    %add3A_675 = arith.addf %select_n3A_668, %select_n3A_674 : vector<16xf32>
    %broadcast_in_dim3A_676 = vector.broadcast %add3A_662 : f32 to vector<16xf32>
    %div3A_677 = arith.divf %add3A_675, %broadcast_in_dim3A_676 : vector<16xf32>
    %swap3A_678 = arith.constant 1 : i32
    %swap3A_679 = arith.index_cast %swap3A_678 : i32 to index
    %swap3A_680 = arith.constant 0 : index
    %swap3A_681 = tpu.vector_load %arg7[%swap3A_679, %swap3A_680] {strides = array<i32>} : memref<4x64xf32, #tpu.memory_space<vmem>>, vector<16xf32>,
    tpu.vector_store %arg7[%swap3A_679, %swap3A_680], %div3A_677 {strides = array<i32>} : memref<4x64xf32, #tpu.memory_space<vmem>>, vector<16xf32>,
    %eq3A_682 = vector.broadcast %min3A_501 : f32 to vector<16xf32>
    %eq3A_683 = arith.cmpf oeq, %add3A_403, %eq3A_682 : vector<16xf32>
    %jit3A_684 = arith.constant 0.000000e+00 : f32
    %broadcast_in_dim3A_685 = vector.broadcast %add3A_542 : f32 to vector<16xf32>
    %broadcast_in_dim3A_686 = vector.broadcast %jit3A_684 : f32 to vector<16xf32>
    %select_n3A_687 = arith.select %eq3A_683, %broadcast_in_dim3A_685, %broadcast_in_dim3A_686 : vector<16xi1>, vector<16xf32>
    %eq3A_688 = vector.broadcast %min3A_620 : f32 to vector<16xf32>
    %eq3A_689 = arith.cmpf oeq, %add3A_403, %eq3A_688 : vector<16xf32>
    %jit3A_690 = arith.constant 0.000000e+00 : f32
    %broadcast_in_dim3A_691 = vector.broadcast %add3A_661 : f32 to vector<16xf32>
    %broadcast_in_dim3A_692 = vector.broadcast %jit3A_690 : f32 to vector<16xf32>
    %select_n3A_693 = arith.select %eq3A_689, %broadcast_in_dim3A_691, %broadcast_in_dim3A_692 : vector<16xi1>, vector<16xf32>
    %add3A_694 = arith.addf %select_n3A_687, %select_n3A_693 : vector<16xf32>
    %broadcast_in_dim3A_695 = vector.broadcast %add3A_662 : f32 to vector<16xf32>
    %div3A_696 = arith.divf %add3A_694, %broadcast_in_dim3A_695 : vector<16xf32>
    %swap3A_697 = arith.constant 1 : i32
    %swap3A_698 = arith.index_cast %swap3A_697 : i32 to index
    %swap3A_699 = arith.constant 16 : index
    %swap3A_700 = tpu.vector_load %arg7[%swap3A_698, %swap3A_699] {strides = array<i32>} : memref<4x64xf32, #tpu.memory_space<vmem>>, vector<16xf32>,
    tpu.vector_store %arg7[%swap3A_698, %swap3A_699], %div3A_696 {strides = array<i32>} : memref<4x64xf32, #tpu.memory_space<vmem>>, vector<16xf32>,
    %eq3A_701 = vector.broadcast %min3A_501 : f32 to vector<16xf32>
    %eq3A_702 = arith.cmpf oeq, %add3A_423, %eq3A_701 : vector<16xf32>
    %jit3A_703 = arith.constant 0.000000e+00 : f32
    %broadcast_in_dim3A_704 = vector.broadcast %add3A_542 : f32 to vector<16xf32>
    %broadcast_in_dim3A_705 = vector.broadcast %jit3A_703 : f32 to vector<16xf32>
    %select_n3A_706 = arith.select %eq3A_702, %broadcast_in_dim3A_704, %broadcast_in_dim3A_705 : vector<16xi1>, vector<16xf32>
    %eq3A_707 = vector.broadcast %min3A_620 : f32 to vector<16xf32>
    %eq3A_708 = arith.cmpf oeq, %add3A_423, %eq3A_707 : vector<16xf32>
    %jit3A_709 = arith.constant 0.000000e+00 : f32
    %broadcast_in_dim3A_710 = vector.broadcast %add3A_661 : f32 to vector<16xf32>
    %broadcast_in_dim3A_711 = vector.broadcast %jit3A_709 : f32 to vector<16xf32>
    %select_n3A_712 = arith.select %eq3A_708, %broadcast_in_dim3A_710, %broadcast_in_dim3A_711 : vector<16xi1>, vector<16xf32>
    %add3A_713 = arith.addf %select_n3A_706, %select_n3A_712 : vector<16xf32>
    %broadcast_in_dim3A_714 = vector.broadcast %add3A_662 : f32 to vector<16xf32>
    %div3A_715 = arith.divf %add3A_713, %broadcast_in_dim3A_714 : vector<16xf32>
    %swap3A_716 = arith.constant 1 : i32
    %swap3A_717 = arith.index_cast %swap3A_716 : i32 to index
    %swap3A_718 = arith.constant 32 : index
    %swap3A_719 = tpu.vector_load %arg7[%swap3A_717, %swap3A_718] {strides = array<i32>} : memref<4x64xf32, #tpu.memory_space<vmem>>, vector<16xf32>,
    tpu.vector_store %arg7[%swap3A_717, %swap3A_718], %div3A_715 {strides = array<i32>} : memref<4x64xf32, #tpu.memory_space<vmem>>, vector<16xf32>,
    %eq3A_720 = vector.broadcast %min3A_501 : f32 to vector<16xf32>
    %eq3A_721 = arith.cmpf oeq, %add3A_443, %eq3A_720 : vector<16xf32>
    %jit3A_722 = arith.constant 0.000000e+00 : f32
    %broadcast_in_dim3A_723 = vector.broadcast %add3A_542 : f32 to vector<16xf32>
    %broadcast_in_dim3A_724 = vector.broadcast %jit3A_722 : f32 to vector<16xf32>
    %select_n3A_725 = arith.select %eq3A_721, %broadcast_in_dim3A_723, %broadcast_in_dim3A_724 : vector<16xi1>, vector<16xf32>
    %eq3A_726 = vector.broadcast %min3A_620 : f32 to vector<16xf32>
    %eq3A_727 = arith.cmpf oeq, %add3A_443, %eq3A_726 : vector<16xf32>
    %jit3A_728 = arith.constant 0.000000e+00 : f32
    %broadcast_in_dim3A_729 = vector.broadcast %add3A_661 : f32 to vector<16xf32>
    %broadcast_in_dim3A_730 = vector.broadcast %jit3A_728 : f32 to vector<16xf32>
    %select_n3A_731 = arith.select %eq3A_727, %broadcast_in_dim3A_729, %broadcast_in_dim3A_730 : vector<16xi1>, vector<16xf32>
    %add3A_732 = arith.addf %select_n3A_725, %select_n3A_731 : vector<16xf32>
    %broadcast_in_dim3A_733 = vector.broadcast %add3A_662 : f32 to vector<16xf32>
    %div3A_734 = arith.divf %add3A_732, %broadcast_in_dim3A_733 : vector<16xf32>
    %swap3A_735 = arith.constant 1 : i32
    %swap3A_736 = arith.index_cast %swap3A_735 : i32 to index
    %swap3A_737 = arith.constant 48 : index
    %swap3A_738 = tpu.vector_load %arg7[%swap3A_736, %swap3A_737] {strides = array<i32>} : memref<4x64xf32, #tpu.memory_space<vmem>>, vector<16xf32>,
    tpu.vector_store %arg7[%swap3A_736, %swap3A_737], %div3A_734 {strides = array<i32>} : memref<4x64xf32, #tpu.memory_space<vmem>>, vector<16xf32>,
    %get3A_739 = arith.constant 2 : i32
    %get3A_740 = arith.index_cast %get3A_739 : i32 to index
    %get3A_741 = arith.constant 0 : index
    %get3A_742 = tpu.vector_load %arg5[%get3A_740, %get3A_741] {strides = array<i32>} : memref<4x64xf32, #tpu.memory_space<vmem>>, vector<16xf32>,
    %neg3A_743 = arith.constant 0.000000e+00 : f32
    %neg3A_744 = vector.broadcast %neg3A_743 : f32 to vector<16xf32>
    %neg3A_745 = arith.subf %neg3A_744, %get3A_742 : vector<16xf32>
    %exp3A_746 = math.exp %neg3A_745 : vector<16xf32>
    %add3A_747 = arith.constant 1.000000e+00 : f32
    %add3A_748 = vector.broadcast %add3A_747 : f32 to vector<16xf32>
    %add3A_749 = arith.addf %add3A_748, %exp3A_746 : vector<16xf32>
    %div3A_750 = arith.constant 1.000000e+00 : f32
    %div3A_751 = vector.broadcast %div3A_750 : f32 to vector<16xf32>
    %div3A_752 = arith.divf %div3A_751, %add3A_749 : vector<16xf32>
    %get3A_753 = arith.constant 0 : index
    %get3A_754 = tpu.vector_load %arg6[%get3A_753] {strides = array<i32>} : memref<64xf32, #tpu.memory_space<vmem>>, vector<16xf32>,
    %add3A_755 = arith.addf %div3A_752, %get3A_754 : vector<16xf32>
    %add3A_756 = arith.constant 0.000000e+00 : f32
    %add3A_757 = vector.broadcast %add3A_756 : f32 to vector<16xf32>
    %add3A_758 = arith.addf %convert_element_type3A, %add3A_757 : vector<16xf32>
    %get3A_759 = arith.constant 2 : i32
    %get3A_760 = arith.index_cast %get3A_759 : i32 to index
    %get3A_761 = arith.constant 16 : index
    %get3A_762 = tpu.vector_load %arg5[%get3A_760, %get3A_761] {strides = array<i32>} : memref<4x64xf32, #tpu.memory_space<vmem>>, vector<16xf32>,
    %neg3A_763 = arith.constant 0.000000e+00 : f32
    %neg3A_764 = vector.broadcast %neg3A_763 : f32 to vector<16xf32>
    %neg3A_765 = arith.subf %neg3A_764, %get3A_762 : vector<16xf32>
    %exp3A_766 = math.exp %neg3A_765 : vector<16xf32>
    %add3A_767 = arith.constant 1.000000e+00 : f32
    %add3A_768 = vector.broadcast %add3A_767 : f32 to vector<16xf32>
    %add3A_769 = arith.addf %add3A_768, %exp3A_766 : vector<16xf32>
    %div3A_770 = arith.constant 1.000000e+00 : f32
    %div3A_771 = vector.broadcast %div3A_770 : f32 to vector<16xf32>
    %div3A_772 = arith.divf %div3A_771, %add3A_769 : vector<16xf32>
    %get3A_773 = arith.constant 16 : index
    %get3A_774 = tpu.vector_load %arg6[%get3A_773] {strides = array<i32>} : memref<64xf32, #tpu.memory_space<vmem>>, vector<16xf32>,
    %add3A_775 = arith.addf %div3A_772, %get3A_774 : vector<16xf32>
    %add3A_776 = arith.constant 1.600000e+01 : f32
    %add3A_777 = vector.broadcast %add3A_776 : f32 to vector<16xf32>
    %add3A_778 = arith.addf %convert_element_type3A, %add3A_777 : vector<16xf32>
    %get3A_779 = arith.constant 2 : i32
    %get3A_780 = arith.index_cast %get3A_779 : i32 to index
    %get3A_781 = arith.constant 32 : index
    %get3A_782 = tpu.vector_load %arg5[%get3A_780, %get3A_781] {strides = array<i32>} : memref<4x64xf32, #tpu.memory_space<vmem>>, vector<16xf32>,
    %neg3A_783 = arith.constant 0.000000e+00 : f32
    %neg3A_784 = vector.broadcast %neg3A_783 : f32 to vector<16xf32>
    %neg3A_785 = arith.subf %neg3A_784, %get3A_782 : vector<16xf32>
    %exp3A_786 = math.exp %neg3A_785 : vector<16xf32>
    %add3A_787 = arith.constant 1.000000e+00 : f32
    %add3A_788 = vector.broadcast %add3A_787 : f32 to vector<16xf32>
    %add3A_789 = arith.addf %add3A_788, %exp3A_786 : vector<16xf32>
    %div3A_790 = arith.constant 1.000000e+00 : f32
    %div3A_791 = vector.broadcast %div3A_790 : f32 to vector<16xf32>
    %div3A_792 = arith.divf %div3A_791, %add3A_789 : vector<16xf32>
    %get3A_793 = arith.constant 32 : index
    %get3A_794 = tpu.vector_load %arg6[%get3A_793] {strides = array<i32>} : memref<64xf32, #tpu.memory_space<vmem>>, vector<16xf32>,
    %add3A_795 = arith.addf %div3A_792, %get3A_794 : vector<16xf32>
    %add3A_796 = arith.constant 3.200000e+01 : f32
    %add3A_797 = vector.broadcast %add3A_796 : f32 to vector<16xf32>
    %add3A_798 = arith.addf %convert_element_type3A, %add3A_797 : vector<16xf32>
    %get3A_799 = arith.constant 2 : i32
    %get3A_800 = arith.index_cast %get3A_799 : i32 to index
    %get3A_801 = arith.constant 48 : index
    %get3A_802 = tpu.vector_load %arg5[%get3A_800, %get3A_801] {strides = array<i32>} : memref<4x64xf32, #tpu.memory_space<vmem>>, vector<16xf32>,
    %neg3A_803 = arith.constant 0.000000e+00 : f32
    %neg3A_804 = vector.broadcast %neg3A_803 : f32 to vector<16xf32>
    %neg3A_805 = arith.subf %neg3A_804, %get3A_802 : vector<16xf32>
    %exp3A_806 = math.exp %neg3A_805 : vector<16xf32>
    %add3A_807 = arith.constant 1.000000e+00 : f32
    %add3A_808 = vector.broadcast %add3A_807 : f32 to vector<16xf32>
    %add3A_809 = arith.addf %add3A_808, %exp3A_806 : vector<16xf32>
    %div3A_810 = arith.constant 1.000000e+00 : f32
    %div3A_811 = vector.broadcast %div3A_810 : f32 to vector<16xf32>
    %div3A_812 = arith.divf %div3A_811, %add3A_809 : vector<16xf32>
    %get3A_813 = arith.constant 48 : index
    %get3A_814 = tpu.vector_load %arg6[%get3A_813] {strides = array<i32>} : memref<64xf32, #tpu.memory_space<vmem>>, vector<16xf32>,
    %add3A_815 = arith.addf %div3A_812, %get3A_814 : vector<16xf32>
    %add3A_816 = arith.constant 4.800000e+01 : f32
    %add3A_817 = vector.broadcast %add3A_816 : f32 to vector<16xf32>
    %add3A_818 = arith.addf %convert_element_type3A, %add3A_817 : vector<16xf32>
    %reduce_max3A_819 = arith.constant true
    %reduce_max3A_820 = vector.broadcast %reduce_max3A_819 : i1 to vector<16xi1>
    %reduce_max3A_821 = tpu.scan <max>, %add3A_755 masked %reduce_max3A_820 : vector<16xf32>, vector<16xi1> -> vector<16xf32>
    %reduce_max3A_822 = vector.extract %reduce_max3A_821[15] : f32 from vector<16xf32>
    %reduce_max3A_823 = arith.constant true
    %reduce_max3A_824 = vector.broadcast %reduce_max3A_823 : i1 to vector<16xi1>
    %reduce_max3A_825 = tpu.scan <max>, %add3A_775 masked %reduce_max3A_824 : vector<16xf32>, vector<16xi1> -> vector<16xf32>
    %reduce_max3A_826 = vector.extract %reduce_max3A_825[15] : f32 from vector<16xf32>
    %max3A_827 = arith.maximumf %reduce_max3A_822, %reduce_max3A_826 : f32
    %reduce_max3A_828 = arith.constant true
    %reduce_max3A_829 = vector.broadcast %reduce_max3A_828 : i1 to vector<16xi1>
    %reduce_max3A_830 = tpu.scan <max>, %add3A_795 masked %reduce_max3A_829 : vector<16xf32>, vector<16xi1> -> vector<16xf32>
    %reduce_max3A_831 = vector.extract %reduce_max3A_830[15] : f32 from vector<16xf32>
    %max3A_832 = arith.maximumf %max3A_827, %reduce_max3A_831 : f32
    %reduce_max3A_833 = arith.constant true
    %reduce_max3A_834 = vector.broadcast %reduce_max3A_833 : i1 to vector<16xi1>
    %reduce_max3A_835 = tpu.scan <max>, %add3A_815 masked %reduce_max3A_834 : vector<16xf32>, vector<16xi1> -> vector<16xf32>
    %reduce_max3A_836 = vector.extract %reduce_max3A_835[15] : f32 from vector<16xf32>
    %max3A_837 = arith.maximumf %max3A_832, %reduce_max3A_836 : f32
    %eq3A_838 = vector.broadcast %max3A_837 : f32 to vector<16xf32>
    %eq3A_839 = arith.cmpf oeq, %add3A_755, %eq3A_838 : vector<16xf32>
    %jit3A_840 = arith.constant 1.000000e+09 : f32
    %broadcast_in_dim3A_841 = vector.broadcast %jit3A_840 : f32 to vector<16xf32>
    %select_n3A_842 = arith.select %eq3A_839, %add3A_758, %broadcast_in_dim3A_841 : vector<16xi1>, vector<16xf32>
    %reduce_min3A_843 = arith.constant true
    %reduce_min3A_844 = vector.broadcast %reduce_min3A_843 : i1 to vector<16xi1>
    %reduce_min3A_845 = tpu.scan <min>, %select_n3A_842 masked %reduce_min3A_844 : vector<16xf32>, vector<16xi1> -> vector<16xf32>
    %reduce_min3A_846 = vector.extract %reduce_min3A_845[15] : f32 from vector<16xf32>
    %eq3A_847 = vector.broadcast %max3A_837 : f32 to vector<16xf32>
    %eq3A_848 = arith.cmpf oeq, %add3A_775, %eq3A_847 : vector<16xf32>
    %jit3A_849 = arith.constant 1.000000e+09 : f32
    %broadcast_in_dim3A_850 = vector.broadcast %jit3A_849 : f32 to vector<16xf32>
    %select_n3A_851 = arith.select %eq3A_848, %add3A_778, %broadcast_in_dim3A_850 : vector<16xi1>, vector<16xf32>
    %reduce_min3A_852 = arith.constant true
    %reduce_min3A_853 = vector.broadcast %reduce_min3A_852 : i1 to vector<16xi1>
    %reduce_min3A_854 = tpu.scan <min>, %select_n3A_851 masked %reduce_min3A_853 : vector<16xf32>, vector<16xi1> -> vector<16xf32>
    %reduce_min3A_855 = vector.extract %reduce_min3A_854[15] : f32 from vector<16xf32>
    %min3A_856 = arith.minimumf %reduce_min3A_846, %reduce_min3A_855 : f32
    %eq3A_857 = vector.broadcast %max3A_837 : f32 to vector<16xf32>
    %eq3A_858 = arith.cmpf oeq, %add3A_795, %eq3A_857 : vector<16xf32>
    %jit3A_859 = arith.constant 1.000000e+09 : f32
    %broadcast_in_dim3A_860 = vector.broadcast %jit3A_859 : f32 to vector<16xf32>
    %select_n3A_861 = arith.select %eq3A_858, %add3A_798, %broadcast_in_dim3A_860 : vector<16xi1>, vector<16xf32>
    %reduce_min3A_862 = arith.constant true
    %reduce_min3A_863 = vector.broadcast %reduce_min3A_862 : i1 to vector<16xi1>
    %reduce_min3A_864 = tpu.scan <min>, %select_n3A_861 masked %reduce_min3A_863 : vector<16xf32>, vector<16xi1> -> vector<16xf32>
    %reduce_min3A_865 = vector.extract %reduce_min3A_864[15] : f32 from vector<16xf32>
    %min3A_866 = arith.minimumf %min3A_856, %reduce_min3A_865 : f32
    %eq3A_867 = vector.broadcast %max3A_837 : f32 to vector<16xf32>
    %eq3A_868 = arith.cmpf oeq, %add3A_815, %eq3A_867 : vector<16xf32>
    %jit3A_869 = arith.constant 1.000000e+09 : f32
    %broadcast_in_dim3A_870 = vector.broadcast %jit3A_869 : f32 to vector<16xf32>
    %select_n3A_871 = arith.select %eq3A_868, %add3A_818, %broadcast_in_dim3A_870 : vector<16xi1>, vector<16xf32>
    %reduce_min3A_872 = arith.constant true
    %reduce_min3A_873 = vector.broadcast %reduce_min3A_872 : i1 to vector<16xi1>
    %reduce_min3A_874 = tpu.scan <min>, %select_n3A_871 masked %reduce_min3A_873 : vector<16xf32>, vector<16xi1> -> vector<16xf32>
    %reduce_min3A_875 = vector.extract %reduce_min3A_874[15] : f32 from vector<16xf32>
    %min3A_876 = arith.minimumf %min3A_866, %reduce_min3A_875 : f32
    %eq3A_877 = vector.broadcast %min3A_876 : f32 to vector<16xf32>
    %eq3A_878 = arith.cmpf oeq, %add3A_758, %eq3A_877 : vector<16xf32>
    %jit3A_879 = arith.constant 0.000000e+00 : f32
    %broadcast_in_dim3A_880 = vector.broadcast %jit3A_879 : f32 to vector<16xf32>
    %select_n3A_881 = arith.select %eq3A_878, %div3A_752, %broadcast_in_dim3A_880 : vector<16xi1>, vector<16xf32>
    %reduce_sum3A_882 = arith.constant true
    %reduce_sum3A_883 = vector.broadcast %reduce_sum3A_882 : i1 to vector<16xi1>
    %reduce_sum3A_884 = tpu.scan <sum>, %select_n3A_881 masked %reduce_sum3A_883 : vector<16xf32>, vector<16xi1> -> vector<16xf32>
    %reduce_sum3A_885 = vector.extract %reduce_sum3A_884[15] : f32 from vector<16xf32>
    %add3A_886 = arith.constant 0.000000e+00 : f32
    %add3A_887 = arith.addf %add3A_886, %reduce_sum3A_885 : f32
    %eq3A_888 = vector.broadcast %min3A_876 : f32 to vector<16xf32>
    %eq3A_889 = arith.cmpf oeq, %add3A_778, %eq3A_888 : vector<16xf32>
    %jit3A_890 = arith.constant 0.000000e+00 : f32
    %broadcast_in_dim3A_891 = vector.broadcast %jit3A_890 : f32 to vector<16xf32>
    %select_n3A_892 = arith.select %eq3A_889, %div3A_772, %broadcast_in_dim3A_891 : vector<16xi1>, vector<16xf32>
    %reduce_sum3A_893 = arith.constant true
    %reduce_sum3A_894 = vector.broadcast %reduce_sum3A_893 : i1 to vector<16xi1>
    %reduce_sum3A_895 = tpu.scan <sum>, %select_n3A_892 masked %reduce_sum3A_894 : vector<16xf32>, vector<16xi1> -> vector<16xf32>
    %reduce_sum3A_896 = vector.extract %reduce_sum3A_895[15] : f32 from vector<16xf32>
    %add3A_897 = arith.addf %add3A_887, %reduce_sum3A_896 : f32
    %eq3A_898 = vector.broadcast %min3A_876 : f32 to vector<16xf32>
    %eq3A_899 = arith.cmpf oeq, %add3A_798, %eq3A_898 : vector<16xf32>
    %jit3A_900 = arith.constant 0.000000e+00 : f32
    %broadcast_in_dim3A_901 = vector.broadcast %jit3A_900 : f32 to vector<16xf32>
    %select_n3A_902 = arith.select %eq3A_899, %div3A_792, %broadcast_in_dim3A_901 : vector<16xi1>, vector<16xf32>
    %reduce_sum3A_903 = arith.constant true
    %reduce_sum3A_904 = vector.broadcast %reduce_sum3A_903 : i1 to vector<16xi1>
    %reduce_sum3A_905 = tpu.scan <sum>, %select_n3A_902 masked %reduce_sum3A_904 : vector<16xf32>, vector<16xi1> -> vector<16xf32>
    %reduce_sum3A_906 = vector.extract %reduce_sum3A_905[15] : f32 from vector<16xf32>
    %add3A_907 = arith.addf %add3A_897, %reduce_sum3A_906 : f32
    %eq3A_908 = vector.broadcast %min3A_876 : f32 to vector<16xf32>
    %eq3A_909 = arith.cmpf oeq, %add3A_818, %eq3A_908 : vector<16xf32>
    %jit3A_910 = arith.constant 0.000000e+00 : f32
    %broadcast_in_dim3A_911 = vector.broadcast %jit3A_910 : f32 to vector<16xf32>
    %select_n3A_912 = arith.select %eq3A_909, %div3A_812, %broadcast_in_dim3A_911 : vector<16xi1>, vector<16xf32>
    %reduce_sum3A_913 = arith.constant true
    %reduce_sum3A_914 = vector.broadcast %reduce_sum3A_913 : i1 to vector<16xi1>
    %reduce_sum3A_915 = tpu.scan <sum>, %select_n3A_912 masked %reduce_sum3A_914 : vector<16xf32>, vector<16xi1> -> vector<16xf32>
    %reduce_sum3A_916 = vector.extract %reduce_sum3A_915[15] : f32 from vector<16xf32>
    %add3A_917 = arith.addf %add3A_907, %reduce_sum3A_916 : f32
    %eq3A_918 = vector.broadcast %min3A_876 : f32 to vector<16xf32>
    %eq3A_919 = arith.cmpf oeq, %add3A_758, %eq3A_918 : vector<16xf32>
    %jit3A_920 = arith.constant -1.000000e+30 : f32
    %broadcast_in_dim3A_921 = vector.broadcast %jit3A_920 : f32 to vector<16xf32>
    %select_n3A_922 = arith.select %eq3A_919, %broadcast_in_dim3A_921, %add3A_755 : vector<16xi1>, vector<16xf32>
    %eq3A_923 = vector.broadcast %min3A_876 : f32 to vector<16xf32>
    %eq3A_924 = arith.cmpf oeq, %add3A_778, %eq3A_923 : vector<16xf32>
    %jit3A_925 = arith.constant -1.000000e+30 : f32
    %broadcast_in_dim3A_926 = vector.broadcast %jit3A_925 : f32 to vector<16xf32>
    %select_n3A_927 = arith.select %eq3A_924, %broadcast_in_dim3A_926, %add3A_775 : vector<16xi1>, vector<16xf32>
    %eq3A_928 = vector.broadcast %min3A_876 : f32 to vector<16xf32>
    %eq3A_929 = arith.cmpf oeq, %add3A_798, %eq3A_928 : vector<16xf32>
    %jit3A_930 = arith.constant -1.000000e+30 : f32
    %broadcast_in_dim3A_931 = vector.broadcast %jit3A_930 : f32 to vector<16xf32>
    %select_n3A_932 = arith.select %eq3A_929, %broadcast_in_dim3A_931, %add3A_795 : vector<16xi1>, vector<16xf32>
    %eq3A_933 = vector.broadcast %min3A_876 : f32 to vector<16xf32>
    %eq3A_934 = arith.cmpf oeq, %add3A_818, %eq3A_933 : vector<16xf32>
    %jit3A_935 = arith.constant -1.000000e+30 : f32
    %broadcast_in_dim3A_936 = vector.broadcast %jit3A_935 : f32 to vector<16xf32>
    %select_n3A_937 = arith.select %eq3A_934, %broadcast_in_dim3A_936, %add3A_815 : vector<16xi1>, vector<16xf32>
    %reduce_max3A_938 = arith.constant true
    %reduce_max3A_939 = vector.broadcast %reduce_max3A_938 : i1 to vector<16xi1>
    %reduce_max3A_940 = tpu.scan <max>, %select_n3A_922 masked %reduce_max3A_939 : vector<16xf32>, vector<16xi1> -> vector<16xf32>
    %reduce_max3A_941 = vector.extract %reduce_max3A_940[15] : f32 from vector<16xf32>
    %reduce_max3A_942 = arith.constant true
    %reduce_max3A_943 = vector.broadcast %reduce_max3A_942 : i1 to vector<16xi1>
    %reduce_max3A_944 = tpu.scan <max>, %select_n3A_927 masked %reduce_max3A_943 : vector<16xf32>, vector<16xi1> -> vector<16xf32>
    %reduce_max3A_945 = vector.extract %reduce_max3A_944[15] : f32 from vector<16xf32>
    %max3A_946 = arith.maximumf %reduce_max3A_941, %reduce_max3A_945 : f32
    %reduce_max3A_947 = arith.constant true
    %reduce_max3A_948 = vector.broadcast %reduce_max3A_947 : i1 to vector<16xi1>
    %reduce_max3A_949 = tpu.scan <max>, %select_n3A_932 masked %reduce_max3A_948 : vector<16xf32>, vector<16xi1> -> vector<16xf32>
    %reduce_max3A_950 = vector.extract %reduce_max3A_949[15] : f32 from vector<16xf32>
    %max3A_951 = arith.maximumf %max3A_946, %reduce_max3A_950 : f32
    %reduce_max3A_952 = arith.constant true
    %reduce_max3A_953 = vector.broadcast %reduce_max3A_952 : i1 to vector<16xi1>
    %reduce_max3A_954 = tpu.scan <max>, %select_n3A_937 masked %reduce_max3A_953 : vector<16xf32>, vector<16xi1> -> vector<16xf32>
    %reduce_max3A_955 = vector.extract %reduce_max3A_954[15] : f32 from vector<16xf32>
    %max3A_956 = arith.maximumf %max3A_951, %reduce_max3A_955 : f32
    %eq3A_957 = vector.broadcast %max3A_956 : f32 to vector<16xf32>
    %eq3A_958 = arith.cmpf oeq, %select_n3A_922, %eq3A_957 : vector<16xf32>
    %jit3A_959 = arith.constant 1.000000e+09 : f32
    %broadcast_in_dim3A_960 = vector.broadcast %jit3A_959 : f32 to vector<16xf32>
    %select_n3A_961 = arith.select %eq3A_958, %add3A_758, %broadcast_in_dim3A_960 : vector<16xi1>, vector<16xf32>
    %reduce_min3A_962 = arith.constant true
    %reduce_min3A_963 = vector.broadcast %reduce_min3A_962 : i1 to vector<16xi1>
    %reduce_min3A_964 = tpu.scan <min>, %select_n3A_961 masked %reduce_min3A_963 : vector<16xf32>, vector<16xi1> -> vector<16xf32>
    %reduce_min3A_965 = vector.extract %reduce_min3A_964[15] : f32 from vector<16xf32>
    %eq3A_966 = vector.broadcast %max3A_956 : f32 to vector<16xf32>
    %eq3A_967 = arith.cmpf oeq, %select_n3A_927, %eq3A_966 : vector<16xf32>
    %jit3A_968 = arith.constant 1.000000e+09 : f32
    %broadcast_in_dim3A_969 = vector.broadcast %jit3A_968 : f32 to vector<16xf32>
    %select_n3A_970 = arith.select %eq3A_967, %add3A_778, %broadcast_in_dim3A_969 : vector<16xi1>, vector<16xf32>
    %reduce_min3A_971 = arith.constant true
    %reduce_min3A_972 = vector.broadcast %reduce_min3A_971 : i1 to vector<16xi1>
    %reduce_min3A_973 = tpu.scan <min>, %select_n3A_970 masked %reduce_min3A_972 : vector<16xf32>, vector<16xi1> -> vector<16xf32>
    %reduce_min3A_974 = vector.extract %reduce_min3A_973[15] : f32 from vector<16xf32>
    %min3A_975 = arith.minimumf %reduce_min3A_965, %reduce_min3A_974 : f32
    %eq3A_976 = vector.broadcast %max3A_956 : f32 to vector<16xf32>
    %eq3A_977 = arith.cmpf oeq, %select_n3A_932, %eq3A_976 : vector<16xf32>
    %jit3A_978 = arith.constant 1.000000e+09 : f32
    %broadcast_in_dim3A_979 = vector.broadcast %jit3A_978 : f32 to vector<16xf32>
    %select_n3A_980 = arith.select %eq3A_977, %add3A_798, %broadcast_in_dim3A_979 : vector<16xi1>, vector<16xf32>
    %reduce_min3A_981 = arith.constant true
    %reduce_min3A_982 = vector.broadcast %reduce_min3A_981 : i1 to vector<16xi1>
    %reduce_min3A_983 = tpu.scan <min>, %select_n3A_980 masked %reduce_min3A_982 : vector<16xf32>, vector<16xi1> -> vector<16xf32>
    %reduce_min3A_984 = vector.extract %reduce_min3A_983[15] : f32 from vector<16xf32>
    %min3A_985 = arith.minimumf %min3A_975, %reduce_min3A_984 : f32
    %eq3A_986 = vector.broadcast %max3A_956 : f32 to vector<16xf32>
    %eq3A_987 = arith.cmpf oeq, %select_n3A_937, %eq3A_986 : vector<16xf32>
    %jit3A_988 = arith.constant 1.000000e+09 : f32
    %broadcast_in_dim3A_989 = vector.broadcast %jit3A_988 : f32 to vector<16xf32>
    %select_n3A_990 = arith.select %eq3A_987, %add3A_818, %broadcast_in_dim3A_989 : vector<16xi1>, vector<16xf32>
    %reduce_min3A_991 = arith.constant true
    %reduce_min3A_992 = vector.broadcast %reduce_min3A_991 : i1 to vector<16xi1>
    %reduce_min3A_993 = tpu.scan <min>, %select_n3A_990 masked %reduce_min3A_992 : vector<16xf32>, vector<16xi1> -> vector<16xf32>
    %reduce_min3A_994 = vector.extract %reduce_min3A_993[15] : f32 from vector<16xf32>
    %min3A_995 = arith.minimumf %min3A_985, %reduce_min3A_994 : f32
    %eq3A_996 = vector.broadcast %min3A_995 : f32 to vector<16xf32>
    %eq3A_997 = arith.cmpf oeq, %add3A_758, %eq3A_996 : vector<16xf32>
    %jit3A_998 = arith.constant 0.000000e+00 : f32
    %broadcast_in_dim3A_999 = vector.broadcast %jit3A_998 : f32 to vector<16xf32>
    %select_n3A_1000 = arith.select %eq3A_997, %div3A_752, %broadcast_in_dim3A_999 : vector<16xi1>, vector<16xf32>
    %reduce_sum3A_1001 = arith.constant true
    %reduce_sum3A_1002 = vector.broadcast %reduce_sum3A_1001 : i1 to vector<16xi1>
    %reduce_sum3A_1003 = tpu.scan <sum>, %select_n3A_1000 masked %reduce_sum3A_1002 : vector<16xf32>, vector<16xi1> -> vector<16xf32>
    %reduce_sum3A_1004 = vector.extract %reduce_sum3A_1003[15] : f32 from vector<16xf32>
    %add3A_1005 = arith.constant 0.000000e+00 : f32
    %add3A_1006 = arith.addf %add3A_1005, %reduce_sum3A_1004 : f32
    %eq3A_1007 = vector.broadcast %min3A_995 : f32 to vector<16xf32>
    %eq3A_1008 = arith.cmpf oeq, %add3A_778, %eq3A_1007 : vector<16xf32>
    %jit3A_1009 = arith.constant 0.000000e+00 : f32
    %broadcast_in_dim3A_1010 = vector.broadcast %jit3A_1009 : f32 to vector<16xf32>
    %select_n3A_1011 = arith.select %eq3A_1008, %div3A_772, %broadcast_in_dim3A_1010 : vector<16xi1>, vector<16xf32>
    %reduce_sum3A_1012 = arith.constant true
    %reduce_sum3A_1013 = vector.broadcast %reduce_sum3A_1012 : i1 to vector<16xi1>
    %reduce_sum3A_1014 = tpu.scan <sum>, %select_n3A_1011 masked %reduce_sum3A_1013 : vector<16xf32>, vector<16xi1> -> vector<16xf32>
    %reduce_sum3A_1015 = vector.extract %reduce_sum3A_1014[15] : f32 from vector<16xf32>
    %add3A_1016 = arith.addf %add3A_1006, %reduce_sum3A_1015 : f32
    %eq3A_1017 = vector.broadcast %min3A_995 : f32 to vector<16xf32>
    %eq3A_1018 = arith.cmpf oeq, %add3A_798, %eq3A_1017 : vector<16xf32>
    %jit3A_1019 = arith.constant 0.000000e+00 : f32
    %broadcast_in_dim3A_1020 = vector.broadcast %jit3A_1019 : f32 to vector<16xf32>
    %select_n3A_1021 = arith.select %eq3A_1018, %div3A_792, %broadcast_in_dim3A_1020 : vector<16xi1>, vector<16xf32>
    %reduce_sum3A_1022 = arith.constant true
    %reduce_sum3A_1023 = vector.broadcast %reduce_sum3A_1022 : i1 to vector<16xi1>
    %reduce_sum3A_1024 = tpu.scan <sum>, %select_n3A_1021 masked %reduce_sum3A_1023 : vector<16xf32>, vector<16xi1> -> vector<16xf32>
    %reduce_sum3A_1025 = vector.extract %reduce_sum3A_1024[15] : f32 from vector<16xf32>
    %add3A_1026 = arith.addf %add3A_1016, %reduce_sum3A_1025 : f32
    %eq3A_1027 = vector.broadcast %min3A_995 : f32 to vector<16xf32>
    %eq3A_1028 = arith.cmpf oeq, %add3A_818, %eq3A_1027 : vector<16xf32>
    %jit3A_1029 = arith.constant 0.000000e+00 : f32
    %broadcast_in_dim3A_1030 = vector.broadcast %jit3A_1029 : f32 to vector<16xf32>
    %select_n3A_1031 = arith.select %eq3A_1028, %div3A_812, %broadcast_in_dim3A_1030 : vector<16xi1>, vector<16xf32>
    %reduce_sum3A_1032 = arith.constant true
    %reduce_sum3A_1033 = vector.broadcast %reduce_sum3A_1032 : i1 to vector<16xi1>
    %reduce_sum3A_1034 = tpu.scan <sum>, %select_n3A_1031 masked %reduce_sum3A_1033 : vector<16xf32>, vector<16xi1> -> vector<16xf32>
    %reduce_sum3A_1035 = vector.extract %reduce_sum3A_1034[15] : f32 from vector<16xf32>
    %add3A_1036 = arith.addf %add3A_1026, %reduce_sum3A_1035 : f32
    %add3A_1037 = arith.addf %add3A_917, %add3A_1036 : f32
    %eq3A_1038 = vector.broadcast %min3A_876 : f32 to vector<16xf32>
    %eq3A_1039 = arith.cmpf oeq, %add3A_758, %eq3A_1038 : vector<16xf32>
    %jit3A_1040 = arith.constant 0.000000e+00 : f32
    %broadcast_in_dim3A_1041 = vector.broadcast %add3A_917 : f32 to vector<16xf32>
    %broadcast_in_dim3A_1042 = vector.broadcast %jit3A_1040 : f32 to vector<16xf32>
    %select_n3A_1043 = arith.select %eq3A_1039, %broadcast_in_dim3A_1041, %broadcast_in_dim3A_1042 : vector<16xi1>, vector<16xf32>
    %eq3A_1044 = vector.broadcast %min3A_995 : f32 to vector<16xf32>
    %eq3A_1045 = arith.cmpf oeq, %add3A_758, %eq3A_1044 : vector<16xf32>
    %jit3A_1046 = arith.constant 0.000000e+00 : f32
    %broadcast_in_dim3A_1047 = vector.broadcast %add3A_1036 : f32 to vector<16xf32>
    %broadcast_in_dim3A_1048 = vector.broadcast %jit3A_1046 : f32 to vector<16xf32>
    %select_n3A_1049 = arith.select %eq3A_1045, %broadcast_in_dim3A_1047, %broadcast_in_dim3A_1048 : vector<16xi1>, vector<16xf32>
    %add3A_1050 = arith.addf %select_n3A_1043, %select_n3A_1049 : vector<16xf32>
    %broadcast_in_dim3A_1051 = vector.broadcast %add3A_1037 : f32 to vector<16xf32>
    %div3A_1052 = arith.divf %add3A_1050, %broadcast_in_dim3A_1051 : vector<16xf32>
    %swap3A_1053 = arith.constant 2 : i32
    %swap3A_1054 = arith.index_cast %swap3A_1053 : i32 to index
    %swap3A_1055 = arith.constant 0 : index
    %swap3A_1056 = tpu.vector_load %arg7[%swap3A_1054, %swap3A_1055] {strides = array<i32>} : memref<4x64xf32, #tpu.memory_space<vmem>>, vector<16xf32>,
    tpu.vector_store %arg7[%swap3A_1054, %swap3A_1055], %div3A_1052 {strides = array<i32>} : memref<4x64xf32, #tpu.memory_space<vmem>>, vector<16xf32>,
    %eq3A_1057 = vector.broadcast %min3A_876 : f32 to vector<16xf32>
    %eq3A_1058 = arith.cmpf oeq, %add3A_778, %eq3A_1057 : vector<16xf32>
    %jit3A_1059 = arith.constant 0.000000e+00 : f32
    %broadcast_in_dim3A_1060 = vector.broadcast %add3A_917 : f32 to vector<16xf32>
    %broadcast_in_dim3A_1061 = vector.broadcast %jit3A_1059 : f32 to vector<16xf32>
    %select_n3A_1062 = arith.select %eq3A_1058, %broadcast_in_dim3A_1060, %broadcast_in_dim3A_1061 : vector<16xi1>, vector<16xf32>
    %eq3A_1063 = vector.broadcast %min3A_995 : f32 to vector<16xf32>
    %eq3A_1064 = arith.cmpf oeq, %add3A_778, %eq3A_1063 : vector<16xf32>
    %jit3A_1065 = arith.constant 0.000000e+00 : f32
    %broadcast_in_dim3A_1066 = vector.broadcast %add3A_1036 : f32 to vector<16xf32>
    %broadcast_in_dim3A_1067 = vector.broadcast %jit3A_1065 : f32 to vector<16xf32>
    %select_n3A_1068 = arith.select %eq3A_1064, %broadcast_in_dim3A_1066, %broadcast_in_dim3A_1067 : vector<16xi1>, vector<16xf32>
    %add3A_1069 = arith.addf %select_n3A_1062, %select_n3A_1068 : vector<16xf32>
    %broadcast_in_dim3A_1070 = vector.broadcast %add3A_1037 : f32 to vector<16xf32>
    %div3A_1071 = arith.divf %add3A_1069, %broadcast_in_dim3A_1070 : vector<16xf32>
    %swap3A_1072 = arith.constant 2 : i32
    %swap3A_1073 = arith.index_cast %swap3A_1072 : i32 to index
    %swap3A_1074 = arith.constant 16 : index
    %swap3A_1075 = tpu.vector_load %arg7[%swap3A_1073, %swap3A_1074] {strides = array<i32>} : memref<4x64xf32, #tpu.memory_space<vmem>>, vector<16xf32>,
    tpu.vector_store %arg7[%swap3A_1073, %swap3A_1074], %div3A_1071 {strides = array<i32>} : memref<4x64xf32, #tpu.memory_space<vmem>>, vector<16xf32>,
    %eq3A_1076 = vector.broadcast %min3A_876 : f32 to vector<16xf32>
    %eq3A_1077 = arith.cmpf oeq, %add3A_798, %eq3A_1076 : vector<16xf32>
    %jit3A_1078 = arith.constant 0.000000e+00 : f32
    %broadcast_in_dim3A_1079 = vector.broadcast %add3A_917 : f32 to vector<16xf32>
    %broadcast_in_dim3A_1080 = vector.broadcast %jit3A_1078 : f32 to vector<16xf32>
    %select_n3A_1081 = arith.select %eq3A_1077, %broadcast_in_dim3A_1079, %broadcast_in_dim3A_1080 : vector<16xi1>, vector<16xf32>
    %eq3A_1082 = vector.broadcast %min3A_995 : f32 to vector<16xf32>
    %eq3A_1083 = arith.cmpf oeq, %add3A_798, %eq3A_1082 : vector<16xf32>
    %jit3A_1084 = arith.constant 0.000000e+00 : f32
    %broadcast_in_dim3A_1085 = vector.broadcast %add3A_1036 : f32 to vector<16xf32>
    %broadcast_in_dim3A_1086 = vector.broadcast %jit3A_1084 : f32 to vector<16xf32>
    %select_n3A_1087 = arith.select %eq3A_1083, %broadcast_in_dim3A_1085, %broadcast_in_dim3A_1086 : vector<16xi1>, vector<16xf32>
    %add3A_1088 = arith.addf %select_n3A_1081, %select_n3A_1087 : vector<16xf32>
    %broadcast_in_dim3A_1089 = vector.broadcast %add3A_1037 : f32 to vector<16xf32>
    %div3A_1090 = arith.divf %add3A_1088, %broadcast_in_dim3A_1089 : vector<16xf32>
    %swap3A_1091 = arith.constant 2 : i32
    %swap3A_1092 = arith.index_cast %swap3A_1091 : i32 to index
    %swap3A_1093 = arith.constant 32 : index
    %swap3A_1094 = tpu.vector_load %arg7[%swap3A_1092, %swap3A_1093] {strides = array<i32>} : memref<4x64xf32, #tpu.memory_space<vmem>>, vector<16xf32>,
    tpu.vector_store %arg7[%swap3A_1092, %swap3A_1093], %div3A_1090 {strides = array<i32>} : memref<4x64xf32, #tpu.memory_space<vmem>>, vector<16xf32>,
    %eq3A_1095 = vector.broadcast %min3A_876 : f32 to vector<16xf32>
    %eq3A_1096 = arith.cmpf oeq, %add3A_818, %eq3A_1095 : vector<16xf32>
    %jit3A_1097 = arith.constant 0.000000e+00 : f32
    %broadcast_in_dim3A_1098 = vector.broadcast %add3A_917 : f32 to vector<16xf32>
    %broadcast_in_dim3A_1099 = vector.broadcast %jit3A_1097 : f32 to vector<16xf32>
    %select_n3A_1100 = arith.select %eq3A_1096, %broadcast_in_dim3A_1098, %broadcast_in_dim3A_1099 : vector<16xi1>, vector<16xf32>
    %eq3A_1101 = vector.broadcast %min3A_995 : f32 to vector<16xf32>
    %eq3A_1102 = arith.cmpf oeq, %add3A_818, %eq3A_1101 : vector<16xf32>
    %jit3A_1103 = arith.constant 0.000000e+00 : f32
    %broadcast_in_dim3A_1104 = vector.broadcast %add3A_1036 : f32 to vector<16xf32>
    %broadcast_in_dim3A_1105 = vector.broadcast %jit3A_1103 : f32 to vector<16xf32>
    %select_n3A_1106 = arith.select %eq3A_1102, %broadcast_in_dim3A_1104, %broadcast_in_dim3A_1105 : vector<16xi1>, vector<16xf32>
    %add3A_1107 = arith.addf %select_n3A_1100, %select_n3A_1106 : vector<16xf32>
    %broadcast_in_dim3A_1108 = vector.broadcast %add3A_1037 : f32 to vector<16xf32>
    %div3A_1109 = arith.divf %add3A_1107, %broadcast_in_dim3A_1108 : vector<16xf32>
    %swap3A_1110 = arith.constant 2 : i32
    %swap3A_1111 = arith.index_cast %swap3A_1110 : i32 to index
    %swap3A_1112 = arith.constant 48 : index
    %swap3A_1113 = tpu.vector_load %arg7[%swap3A_1111, %swap3A_1112] {strides = array<i32>} : memref<4x64xf32, #tpu.memory_space<vmem>>, vector<16xf32>,
    tpu.vector_store %arg7[%swap3A_1111, %swap3A_1112], %div3A_1109 {strides = array<i32>} : memref<4x64xf32, #tpu.memory_space<vmem>>, vector<16xf32>,
    %get3A_1114 = arith.constant 3 : i32
    %get3A_1115 = arith.index_cast %get3A_1114 : i32 to index
    %get3A_1116 = arith.constant 0 : index
    %get3A_1117 = tpu.vector_load %arg5[%get3A_1115, %get3A_1116] {strides = array<i32>} : memref<4x64xf32, #tpu.memory_space<vmem>>, vector<16xf32>,
    %neg3A_1118 = arith.constant 0.000000e+00 : f32
    %neg3A_1119 = vector.broadcast %neg3A_1118 : f32 to vector<16xf32>
    %neg3A_1120 = arith.subf %neg3A_1119, %get3A_1117 : vector<16xf32>
    %exp3A_1121 = math.exp %neg3A_1120 : vector<16xf32>
    %add3A_1122 = arith.constant 1.000000e+00 : f32
    %add3A_1123 = vector.broadcast %add3A_1122 : f32 to vector<16xf32>
    %add3A_1124 = arith.addf %add3A_1123, %exp3A_1121 : vector<16xf32>
    %div3A_1125 = arith.constant 1.000000e+00 : f32
    %div3A_1126 = vector.broadcast %div3A_1125 : f32 to vector<16xf32>
    %div3A_1127 = arith.divf %div3A_1126, %add3A_1124 : vector<16xf32>
    %get3A_1128 = arith.constant 0 : index
    %get3A_1129 = tpu.vector_load %arg6[%get3A_1128] {strides = array<i32>} : memref<64xf32, #tpu.memory_space<vmem>>, vector<16xf32>,
    %add3A_1130 = arith.addf %div3A_1127, %get3A_1129 : vector<16xf32>
    %add3A_1131 = arith.constant 0.000000e+00 : f32
    %add3A_1132 = vector.broadcast %add3A_1131 : f32 to vector<16xf32>
    %add3A_1133 = arith.addf %convert_element_type3A, %add3A_1132 : vector<16xf32>
    %get3A_1134 = arith.constant 3 : i32
    %get3A_1135 = arith.index_cast %get3A_1134 : i32 to index
    %get3A_1136 = arith.constant 16 : index
    %get3A_1137 = tpu.vector_load %arg5[%get3A_1135, %get3A_1136] {strides = array<i32>} : memref<4x64xf32, #tpu.memory_space<vmem>>, vector<16xf32>,
    %neg3A_1138 = arith.constant 0.000000e+00 : f32
    %neg3A_1139 = vector.broadcast %neg3A_1138 : f32 to vector<16xf32>
    %neg3A_1140 = arith.subf %neg3A_1139, %get3A_1137 : vector<16xf32>
    %exp3A_1141 = math.exp %neg3A_1140 : vector<16xf32>
    %add3A_1142 = arith.constant 1.000000e+00 : f32
    %add3A_1143 = vector.broadcast %add3A_1142 : f32 to vector<16xf32>
    %add3A_1144 = arith.addf %add3A_1143, %exp3A_1141 : vector<16xf32>
    %div3A_1145 = arith.constant 1.000000e+00 : f32
    %div3A_1146 = vector.broadcast %div3A_1145 : f32 to vector<16xf32>
    %div3A_1147 = arith.divf %div3A_1146, %add3A_1144 : vector<16xf32>
    %get3A_1148 = arith.constant 16 : index
    %get3A_1149 = tpu.vector_load %arg6[%get3A_1148] {strides = array<i32>} : memref<64xf32, #tpu.memory_space<vmem>>, vector<16xf32>,
    %add3A_1150 = arith.addf %div3A_1147, %get3A_1149 : vector<16xf32>
    %add3A_1151 = arith.constant 1.600000e+01 : f32
    %add3A_1152 = vector.broadcast %add3A_1151 : f32 to vector<16xf32>
    %add3A_1153 = arith.addf %convert_element_type3A, %add3A_1152 : vector<16xf32>
    %get3A_1154 = arith.constant 3 : i32
    %get3A_1155 = arith.index_cast %get3A_1154 : i32 to index
    %get3A_1156 = arith.constant 32 : index
    %get3A_1157 = tpu.vector_load %arg5[%get3A_1155, %get3A_1156] {strides = array<i32>} : memref<4x64xf32, #tpu.memory_space<vmem>>, vector<16xf32>,
    %neg3A_1158 = arith.constant 0.000000e+00 : f32
    %neg3A_1159 = vector.broadcast %neg3A_1158 : f32 to vector<16xf32>
    %neg3A_1160 = arith.subf %neg3A_1159, %get3A_1157 : vector<16xf32>
    %exp3A_1161 = math.exp %neg3A_1160 : vector<16xf32>
    %add3A_1162 = arith.constant 1.000000e+00 : f32
    %add3A_1163 = vector.broadcast %add3A_1162 : f32 to vector<16xf32>
    %add3A_1164 = arith.addf %add3A_1163, %exp3A_1161 : vector<16xf32>
    %div3A_1165 = arith.constant 1.000000e+00 : f32
    %div3A_1166 = vector.broadcast %div3A_1165 : f32 to vector<16xf32>
    %div3A_1167 = arith.divf %div3A_1166, %add3A_1164 : vector<16xf32>
    %get3A_1168 = arith.constant 32 : index
    %get3A_1169 = tpu.vector_load %arg6[%get3A_1168] {strides = array<i32>} : memref<64xf32, #tpu.memory_space<vmem>>, vector<16xf32>,
    %add3A_1170 = arith.addf %div3A_1167, %get3A_1169 : vector<16xf32>
    %add3A_1171 = arith.constant 3.200000e+01 : f32
    %add3A_1172 = vector.broadcast %add3A_1171 : f32 to vector<16xf32>
    %add3A_1173 = arith.addf %convert_element_type3A, %add3A_1172 : vector<16xf32>
    %get3A_1174 = arith.constant 3 : i32
    %get3A_1175 = arith.index_cast %get3A_1174 : i32 to index
    %get3A_1176 = arith.constant 48 : index
    %get3A_1177 = tpu.vector_load %arg5[%get3A_1175, %get3A_1176] {strides = array<i32>} : memref<4x64xf32, #tpu.memory_space<vmem>>, vector<16xf32>,
    %neg3A_1178 = arith.constant 0.000000e+00 : f32
    %neg3A_1179 = vector.broadcast %neg3A_1178 : f32 to vector<16xf32>
    %neg3A_1180 = arith.subf %neg3A_1179, %get3A_1177 : vector<16xf32>
    %exp3A_1181 = math.exp %neg3A_1180 : vector<16xf32>
    %add3A_1182 = arith.constant 1.000000e+00 : f32
    %add3A_1183 = vector.broadcast %add3A_1182 : f32 to vector<16xf32>
    %add3A_1184 = arith.addf %add3A_1183, %exp3A_1181 : vector<16xf32>
    %div3A_1185 = arith.constant 1.000000e+00 : f32
    %div3A_1186 = vector.broadcast %div3A_1185 : f32 to vector<16xf32>
    %div3A_1187 = arith.divf %div3A_1186, %add3A_1184 : vector<16xf32>
    %get3A_1188 = arith.constant 48 : index
    %get3A_1189 = tpu.vector_load %arg6[%get3A_1188] {strides = array<i32>} : memref<64xf32, #tpu.memory_space<vmem>>, vector<16xf32>,
    %add3A_1190 = arith.addf %div3A_1187, %get3A_1189 : vector<16xf32>
    %add3A_1191 = arith.constant 4.800000e+01 : f32
    %add3A_1192 = vector.broadcast %add3A_1191 : f32 to vector<16xf32>
    %add3A_1193 = arith.addf %convert_element_type3A, %add3A_1192 : vector<16xf32>
    %reduce_max3A_1194 = arith.constant true
    %reduce_max3A_1195 = vector.broadcast %reduce_max3A_1194 : i1 to vector<16xi1>
    %reduce_max3A_1196 = tpu.scan <max>, %add3A_1130 masked %reduce_max3A_1195 : vector<16xf32>, vector<16xi1> -> vector<16xf32>
    %reduce_max3A_1197 = vector.extract %reduce_max3A_1196[15] : f32 from vector<16xf32>
    %reduce_max3A_1198 = arith.constant true
    %reduce_max3A_1199 = vector.broadcast %reduce_max3A_1198 : i1 to vector<16xi1>
    %reduce_max3A_1200 = tpu.scan <max>, %add3A_1150 masked %reduce_max3A_1199 : vector<16xf32>, vector<16xi1> -> vector<16xf32>
    %reduce_max3A_1201 = vector.extract %reduce_max3A_1200[15] : f32 from vector<16xf32>
    %max3A_1202 = arith.maximumf %reduce_max3A_1197, %reduce_max3A_1201 : f32
    %reduce_max3A_1203 = arith.constant true
    %reduce_max3A_1204 = vector.broadcast %reduce_max3A_1203 : i1 to vector<16xi1>
    %reduce_max3A_1205 = tpu.scan <max>, %add3A_1170 masked %reduce_max3A_1204 : vector<16xf32>, vector<16xi1> -> vector<16xf32>
    %reduce_max3A_1206 = vector.extract %reduce_max3A_1205[15] : f32 from vector<16xf32>
    %max3A_1207 = arith.maximumf %max3A_1202, %reduce_max3A_1206 : f32
    %reduce_max3A_1208 = arith.constant true
    %reduce_max3A_1209 = vector.broadcast %reduce_max3A_1208 : i1 to vector<16xi1>
    %reduce_max3A_1210 = tpu.scan <max>, %add3A_1190 masked %reduce_max3A_1209 : vector<16xf32>, vector<16xi1> -> vector<16xf32>
    %reduce_max3A_1211 = vector.extract %reduce_max3A_1210[15] : f32 from vector<16xf32>
    %max3A_1212 = arith.maximumf %max3A_1207, %reduce_max3A_1211 : f32
    %eq3A_1213 = vector.broadcast %max3A_1212 : f32 to vector<16xf32>
    %eq3A_1214 = arith.cmpf oeq, %add3A_1130, %eq3A_1213 : vector<16xf32>
    %jit3A_1215 = arith.constant 1.000000e+09 : f32
    %broadcast_in_dim3A_1216 = vector.broadcast %jit3A_1215 : f32 to vector<16xf32>
    %select_n3A_1217 = arith.select %eq3A_1214, %add3A_1133, %broadcast_in_dim3A_1216 : vector<16xi1>, vector<16xf32>
    %reduce_min3A_1218 = arith.constant true
    %reduce_min3A_1219 = vector.broadcast %reduce_min3A_1218 : i1 to vector<16xi1>
    %reduce_min3A_1220 = tpu.scan <min>, %select_n3A_1217 masked %reduce_min3A_1219 : vector<16xf32>, vector<16xi1> -> vector<16xf32>
    %reduce_min3A_1221 = vector.extract %reduce_min3A_1220[15] : f32 from vector<16xf32>
    %eq3A_1222 = vector.broadcast %max3A_1212 : f32 to vector<16xf32>
    %eq3A_1223 = arith.cmpf oeq, %add3A_1150, %eq3A_1222 : vector<16xf32>
    %jit3A_1224 = arith.constant 1.000000e+09 : f32
    %broadcast_in_dim3A_1225 = vector.broadcast %jit3A_1224 : f32 to vector<16xf32>
    %select_n3A_1226 = arith.select %eq3A_1223, %add3A_1153, %broadcast_in_dim3A_1225 : vector<16xi1>, vector<16xf32>
    %reduce_min3A_1227 = arith.constant true
    %reduce_min3A_1228 = vector.broadcast %reduce_min3A_1227 : i1 to vector<16xi1>
    %reduce_min3A_1229 = tpu.scan <min>, %select_n3A_1226 masked %reduce_min3A_1228 : vector<16xf32>, vector<16xi1> -> vector<16xf32>
    %reduce_min3A_1230 = vector.extract %reduce_min3A_1229[15] : f32 from vector<16xf32>
    %min3A_1231 = arith.minimumf %reduce_min3A_1221, %reduce_min3A_1230 : f32
    %eq3A_1232 = vector.broadcast %max3A_1212 : f32 to vector<16xf32>
    %eq3A_1233 = arith.cmpf oeq, %add3A_1170, %eq3A_1232 : vector<16xf32>
    %jit3A_1234 = arith.constant 1.000000e+09 : f32
    %broadcast_in_dim3A_1235 = vector.broadcast %jit3A_1234 : f32 to vector<16xf32>
    %select_n3A_1236 = arith.select %eq3A_1233, %add3A_1173, %broadcast_in_dim3A_1235 : vector<16xi1>, vector<16xf32>
    %reduce_min3A_1237 = arith.constant true
    %reduce_min3A_1238 = vector.broadcast %reduce_min3A_1237 : i1 to vector<16xi1>
    %reduce_min3A_1239 = tpu.scan <min>, %select_n3A_1236 masked %reduce_min3A_1238 : vector<16xf32>, vector<16xi1> -> vector<16xf32>
    %reduce_min3A_1240 = vector.extract %reduce_min3A_1239[15] : f32 from vector<16xf32>
    %min3A_1241 = arith.minimumf %min3A_1231, %reduce_min3A_1240 : f32
    %eq3A_1242 = vector.broadcast %max3A_1212 : f32 to vector<16xf32>
    %eq3A_1243 = arith.cmpf oeq, %add3A_1190, %eq3A_1242 : vector<16xf32>
    %jit3A_1244 = arith.constant 1.000000e+09 : f32
    %broadcast_in_dim3A_1245 = vector.broadcast %jit3A_1244 : f32 to vector<16xf32>
    %select_n3A_1246 = arith.select %eq3A_1243, %add3A_1193, %broadcast_in_dim3A_1245 : vector<16xi1>, vector<16xf32>
    %reduce_min3A_1247 = arith.constant true
    %reduce_min3A_1248 = vector.broadcast %reduce_min3A_1247 : i1 to vector<16xi1>
    %reduce_min3A_1249 = tpu.scan <min>, %select_n3A_1246 masked %reduce_min3A_1248 : vector<16xf32>, vector<16xi1> -> vector<16xf32>
    %reduce_min3A_1250 = vector.extract %reduce_min3A_1249[15] : f32 from vector<16xf32>
    %min3A_1251 = arith.minimumf %min3A_1241, %reduce_min3A_1250 : f32
    %eq3A_1252 = vector.broadcast %min3A_1251 : f32 to vector<16xf32>
    %eq3A_1253 = arith.cmpf oeq, %add3A_1133, %eq3A_1252 : vector<16xf32>
    %jit3A_1254 = arith.constant 0.000000e+00 : f32
    %broadcast_in_dim3A_1255 = vector.broadcast %jit3A_1254 : f32 to vector<16xf32>
    %select_n3A_1256 = arith.select %eq3A_1253, %div3A_1127, %broadcast_in_dim3A_1255 : vector<16xi1>, vector<16xf32>
    %reduce_sum3A_1257 = arith.constant true
    %reduce_sum3A_1258 = vector.broadcast %reduce_sum3A_1257 : i1 to vector<16xi1>
    %reduce_sum3A_1259 = tpu.scan <sum>, %select_n3A_1256 masked %reduce_sum3A_1258 : vector<16xf32>, vector<16xi1> -> vector<16xf32>
    %reduce_sum3A_1260 = vector.extract %reduce_sum3A_1259[15] : f32 from vector<16xf32>
    %add3A_1261 = arith.constant 0.000000e+00 : f32
    %add3A_1262 = arith.addf %add3A_1261, %reduce_sum3A_1260 : f32
    %eq3A_1263 = vector.broadcast %min3A_1251 : f32 to vector<16xf32>
    %eq3A_1264 = arith.cmpf oeq, %add3A_1153, %eq3A_1263 : vector<16xf32>
    %jit3A_1265 = arith.constant 0.000000e+00 : f32
    %broadcast_in_dim3A_1266 = vector.broadcast %jit3A_1265 : f32 to vector<16xf32>
    %select_n3A_1267 = arith.select %eq3A_1264, %div3A_1147, %broadcast_in_dim3A_1266 : vector<16xi1>, vector<16xf32>
    %reduce_sum3A_1268 = arith.constant true
    %reduce_sum3A_1269 = vector.broadcast %reduce_sum3A_1268 : i1 to vector<16xi1>
    %reduce_sum3A_1270 = tpu.scan <sum>, %select_n3A_1267 masked %reduce_sum3A_1269 : vector<16xf32>, vector<16xi1> -> vector<16xf32>
    %reduce_sum3A_1271 = vector.extract %reduce_sum3A_1270[15] : f32 from vector<16xf32>
    %add3A_1272 = arith.addf %add3A_1262, %reduce_sum3A_1271 : f32
    %eq3A_1273 = vector.broadcast %min3A_1251 : f32 to vector<16xf32>
    %eq3A_1274 = arith.cmpf oeq, %add3A_1173, %eq3A_1273 : vector<16xf32>
    %jit3A_1275 = arith.constant 0.000000e+00 : f32
    %broadcast_in_dim3A_1276 = vector.broadcast %jit3A_1275 : f32 to vector<16xf32>
    %select_n3A_1277 = arith.select %eq3A_1274, %div3A_1167, %broadcast_in_dim3A_1276 : vector<16xi1>, vector<16xf32>
    %reduce_sum3A_1278 = arith.constant true
    %reduce_sum3A_1279 = vector.broadcast %reduce_sum3A_1278 : i1 to vector<16xi1>
    %reduce_sum3A_1280 = tpu.scan <sum>, %select_n3A_1277 masked %reduce_sum3A_1279 : vector<16xf32>, vector<16xi1> -> vector<16xf32>
    %reduce_sum3A_1281 = vector.extract %reduce_sum3A_1280[15] : f32 from vector<16xf32>
    %add3A_1282 = arith.addf %add3A_1272, %reduce_sum3A_1281 : f32
    %eq3A_1283 = vector.broadcast %min3A_1251 : f32 to vector<16xf32>
    %eq3A_1284 = arith.cmpf oeq, %add3A_1193, %eq3A_1283 : vector<16xf32>
    %jit3A_1285 = arith.constant 0.000000e+00 : f32
    %broadcast_in_dim3A_1286 = vector.broadcast %jit3A_1285 : f32 to vector<16xf32>
    %select_n3A_1287 = arith.select %eq3A_1284, %div3A_1187, %broadcast_in_dim3A_1286 : vector<16xi1>, vector<16xf32>
    %reduce_sum3A_1288 = arith.constant true
    %reduce_sum3A_1289 = vector.broadcast %reduce_sum3A_1288 : i1 to vector<16xi1>
    %reduce_sum3A_1290 = tpu.scan <sum>, %select_n3A_1287 masked %reduce_sum3A_1289 : vector<16xf32>, vector<16xi1> -> vector<16xf32>
    %reduce_sum3A_1291 = vector.extract %reduce_sum3A_1290[15] : f32 from vector<16xf32>
    %add3A_1292 = arith.addf %add3A_1282, %reduce_sum3A_1291 : f32
    %eq3A_1293 = vector.broadcast %min3A_1251 : f32 to vector<16xf32>
    %eq3A_1294 = arith.cmpf oeq, %add3A_1133, %eq3A_1293 : vector<16xf32>
    %jit3A_1295 = arith.constant -1.000000e+30 : f32
    %broadcast_in_dim3A_1296 = vector.broadcast %jit3A_1295 : f32 to vector<16xf32>
    %select_n3A_1297 = arith.select %eq3A_1294, %broadcast_in_dim3A_1296, %add3A_1130 : vector<16xi1>, vector<16xf32>
    %eq3A_1298 = vector.broadcast %min3A_1251 : f32 to vector<16xf32>
    %eq3A_1299 = arith.cmpf oeq, %add3A_1153, %eq3A_1298 : vector<16xf32>
    %jit3A_1300 = arith.constant -1.000000e+30 : f32
    %broadcast_in_dim3A_1301 = vector.broadcast %jit3A_1300 : f32 to vector<16xf32>
    %select_n3A_1302 = arith.select %eq3A_1299, %broadcast_in_dim3A_1301, %add3A_1150 : vector<16xi1>, vector<16xf32>
    %eq3A_1303 = vector.broadcast %min3A_1251 : f32 to vector<16xf32>
    %eq3A_1304 = arith.cmpf oeq, %add3A_1173, %eq3A_1303 : vector<16xf32>
    %jit3A_1305 = arith.constant -1.000000e+30 : f32
    %broadcast_in_dim3A_1306 = vector.broadcast %jit3A_1305 : f32 to vector<16xf32>
    %select_n3A_1307 = arith.select %eq3A_1304, %broadcast_in_dim3A_1306, %add3A_1170 : vector<16xi1>, vector<16xf32>
    %eq3A_1308 = vector.broadcast %min3A_1251 : f32 to vector<16xf32>
    %eq3A_1309 = arith.cmpf oeq, %add3A_1193, %eq3A_1308 : vector<16xf32>
    %jit3A_1310 = arith.constant -1.000000e+30 : f32
    %broadcast_in_dim3A_1311 = vector.broadcast %jit3A_1310 : f32 to vector<16xf32>
    %select_n3A_1312 = arith.select %eq3A_1309, %broadcast_in_dim3A_1311, %add3A_1190 : vector<16xi1>, vector<16xf32>
    %reduce_max3A_1313 = arith.constant true
    %reduce_max3A_1314 = vector.broadcast %reduce_max3A_1313 : i1 to vector<16xi1>
    %reduce_max3A_1315 = tpu.scan <max>, %select_n3A_1297 masked %reduce_max3A_1314 : vector<16xf32>, vector<16xi1> -> vector<16xf32>
    %reduce_max3A_1316 = vector.extract %reduce_max3A_1315[15] : f32 from vector<16xf32>
    %reduce_max3A_1317 = arith.constant true
    %reduce_max3A_1318 = vector.broadcast %reduce_max3A_1317 : i1 to vector<16xi1>
    %reduce_max3A_1319 = tpu.scan <max>, %select_n3A_1302 masked %reduce_max3A_1318 : vector<16xf32>, vector<16xi1> -> vector<16xf32>
    %reduce_max3A_1320 = vector.extract %reduce_max3A_1319[15] : f32 from vector<16xf32>
    %max3A_1321 = arith.maximumf %reduce_max3A_1316, %reduce_max3A_1320 : f32
    %reduce_max3A_1322 = arith.constant true
    %reduce_max3A_1323 = vector.broadcast %reduce_max3A_1322 : i1 to vector<16xi1>
    %reduce_max3A_1324 = tpu.scan <max>, %select_n3A_1307 masked %reduce_max3A_1323 : vector<16xf32>, vector<16xi1> -> vector<16xf32>
    %reduce_max3A_1325 = vector.extract %reduce_max3A_1324[15] : f32 from vector<16xf32>
    %max3A_1326 = arith.maximumf %max3A_1321, %reduce_max3A_1325 : f32
    %reduce_max3A_1327 = arith.constant true
    %reduce_max3A_1328 = vector.broadcast %reduce_max3A_1327 : i1 to vector<16xi1>
    %reduce_max3A_1329 = tpu.scan <max>, %select_n3A_1312 masked %reduce_max3A_1328 : vector<16xf32>, vector<16xi1> -> vector<16xf32>
    %reduce_max3A_1330 = vector.extract %reduce_max3A_1329[15] : f32 from vector<16xf32>
    %max3A_1331 = arith.maximumf %max3A_1326, %reduce_max3A_1330 : f32
    %eq3A_1332 = vector.broadcast %max3A_1331 : f32 to vector<16xf32>
    %eq3A_1333 = arith.cmpf oeq, %select_n3A_1297, %eq3A_1332 : vector<16xf32>
    %jit3A_1334 = arith.constant 1.000000e+09 : f32
    %broadcast_in_dim3A_1335 = vector.broadcast %jit3A_1334 : f32 to vector<16xf32>
    %select_n3A_1336 = arith.select %eq3A_1333, %add3A_1133, %broadcast_in_dim3A_1335 : vector<16xi1>, vector<16xf32>
    %reduce_min3A_1337 = arith.constant true
    %reduce_min3A_1338 = vector.broadcast %reduce_min3A_1337 : i1 to vector<16xi1>
    %reduce_min3A_1339 = tpu.scan <min>, %select_n3A_1336 masked %reduce_min3A_1338 : vector<16xf32>, vector<16xi1> -> vector<16xf32>
    %reduce_min3A_1340 = vector.extract %reduce_min3A_1339[15] : f32 from vector<16xf32>
    %eq3A_1341 = vector.broadcast %max3A_1331 : f32 to vector<16xf32>
    %eq3A_1342 = arith.cmpf oeq, %select_n3A_1302, %eq3A_1341 : vector<16xf32>
    %jit3A_1343 = arith.constant 1.000000e+09 : f32
    %broadcast_in_dim3A_1344 = vector.broadcast %jit3A_1343 : f32 to vector<16xf32>
    %select_n3A_1345 = arith.select %eq3A_1342, %add3A_1153, %broadcast_in_dim3A_1344 : vector<16xi1>, vector<16xf32>
    %reduce_min3A_1346 = arith.constant true
    %reduce_min3A_1347 = vector.broadcast %reduce_min3A_1346 : i1 to vector<16xi1>
    %reduce_min3A_1348 = tpu.scan <min>, %select_n3A_1345 masked %reduce_min3A_1347 : vector<16xf32>, vector<16xi1> -> vector<16xf32>
    %reduce_min3A_1349 = vector.extract %reduce_min3A_1348[15] : f32 from vector<16xf32>
    %min3A_1350 = arith.minimumf %reduce_min3A_1340, %reduce_min3A_1349 : f32
    %eq3A_1351 = vector.broadcast %max3A_1331 : f32 to vector<16xf32>
    %eq3A_1352 = arith.cmpf oeq, %select_n3A_1307, %eq3A_1351 : vector<16xf32>
    %jit3A_1353 = arith.constant 1.000000e+09 : f32
    %broadcast_in_dim3A_1354 = vector.broadcast %jit3A_1353 : f32 to vector<16xf32>
    %select_n3A_1355 = arith.select %eq3A_1352, %add3A_1173, %broadcast_in_dim3A_1354 : vector<16xi1>, vector<16xf32>
    %reduce_min3A_1356 = arith.constant true
    %reduce_min3A_1357 = vector.broadcast %reduce_min3A_1356 : i1 to vector<16xi1>
    %reduce_min3A_1358 = tpu.scan <min>, %select_n3A_1355 masked %reduce_min3A_1357 : vector<16xf32>, vector<16xi1> -> vector<16xf32>
    %reduce_min3A_1359 = vector.extract %reduce_min3A_1358[15] : f32 from vector<16xf32>
    %min3A_1360 = arith.minimumf %min3A_1350, %reduce_min3A_1359 : f32
    %eq3A_1361 = vector.broadcast %max3A_1331 : f32 to vector<16xf32>
    %eq3A_1362 = arith.cmpf oeq, %select_n3A_1312, %eq3A_1361 : vector<16xf32>
    %jit3A_1363 = arith.constant 1.000000e+09 : f32
    %broadcast_in_dim3A_1364 = vector.broadcast %jit3A_1363 : f32 to vector<16xf32>
    %select_n3A_1365 = arith.select %eq3A_1362, %add3A_1193, %broadcast_in_dim3A_1364 : vector<16xi1>, vector<16xf32>
    %reduce_min3A_1366 = arith.constant true
    %reduce_min3A_1367 = vector.broadcast %reduce_min3A_1366 : i1 to vector<16xi1>
    %reduce_min3A_1368 = tpu.scan <min>, %select_n3A_1365 masked %reduce_min3A_1367 : vector<16xf32>, vector<16xi1> -> vector<16xf32>
    %reduce_min3A_1369 = vector.extract %reduce_min3A_1368[15] : f32 from vector<16xf32>
    %min3A_1370 = arith.minimumf %min3A_1360, %reduce_min3A_1369 : f32
    %eq3A_1371 = vector.broadcast %min3A_1370 : f32 to vector<16xf32>
    %eq3A_1372 = arith.cmpf oeq, %add3A_1133, %eq3A_1371 : vector<16xf32>
    %jit3A_1373 = arith.constant 0.000000e+00 : f32
    %broadcast_in_dim3A_1374 = vector.broadcast %jit3A_1373 : f32 to vector<16xf32>
    %select_n3A_1375 = arith.select %eq3A_1372, %div3A_1127, %broadcast_in_dim3A_1374 : vector<16xi1>, vector<16xf32>
    %reduce_sum3A_1376 = arith.constant true
    %reduce_sum3A_1377 = vector.broadcast %reduce_sum3A_1376 : i1 to vector<16xi1>
    %reduce_sum3A_1378 = tpu.scan <sum>, %select_n3A_1375 masked %reduce_sum3A_1377 : vector<16xf32>, vector<16xi1> -> vector<16xf32>
    %reduce_sum3A_1379 = vector.extract %reduce_sum3A_1378[15] : f32 from vector<16xf32>
    %add3A_1380 = arith.constant 0.000000e+00 : f32
    %add3A_1381 = arith.addf %add3A_1380, %reduce_sum3A_1379 : f32
    %eq3A_1382 = vector.broadcast %min3A_1370 : f32 to vector<16xf32>
    %eq3A_1383 = arith.cmpf oeq, %add3A_1153, %eq3A_1382 : vector<16xf32>
    %jit3A_1384 = arith.constant 0.000000e+00 : f32
    %broadcast_in_dim3A_1385 = vector.broadcast %jit3A_1384 : f32 to vector<16xf32>
    %select_n3A_1386 = arith.select %eq3A_1383, %div3A_1147, %broadcast_in_dim3A_1385 : vector<16xi1>, vector<16xf32>
    %reduce_sum3A_1387 = arith.constant true
    %reduce_sum3A_1388 = vector.broadcast %reduce_sum3A_1387 : i1 to vector<16xi1>
    %reduce_sum3A_1389 = tpu.scan <sum>, %select_n3A_1386 masked %reduce_sum3A_1388 : vector<16xf32>, vector<16xi1> -> vector<16xf32>
    %reduce_sum3A_1390 = vector.extract %reduce_sum3A_1389[15] : f32 from vector<16xf32>
    %add3A_1391 = arith.addf %add3A_1381, %reduce_sum3A_1390 : f32
    %eq3A_1392 = vector.broadcast %min3A_1370 : f32 to vector<16xf32>
    %eq3A_1393 = arith.cmpf oeq, %add3A_1173, %eq3A_1392 : vector<16xf32>
    %jit3A_1394 = arith.constant 0.000000e+00 : f32
    %broadcast_in_dim3A_1395 = vector.broadcast %jit3A_1394 : f32 to vector<16xf32>
    %select_n3A_1396 = arith.select %eq3A_1393, %div3A_1167, %broadcast_in_dim3A_1395 : vector<16xi1>, vector<16xf32>
    %reduce_sum3A_1397 = arith.constant true
    %reduce_sum3A_1398 = vector.broadcast %reduce_sum3A_1397 : i1 to vector<16xi1>
    %reduce_sum3A_1399 = tpu.scan <sum>, %select_n3A_1396 masked %reduce_sum3A_1398 : vector<16xf32>, vector<16xi1> -> vector<16xf32>
    %reduce_sum3A_1400 = vector.extract %reduce_sum3A_1399[15] : f32 from vector<16xf32>
    %add3A_1401 = arith.addf %add3A_1391, %reduce_sum3A_1400 : f32
    %eq3A_1402 = vector.broadcast %min3A_1370 : f32 to vector<16xf32>
    %eq3A_1403 = arith.cmpf oeq, %add3A_1193, %eq3A_1402 : vector<16xf32>
    %jit3A_1404 = arith.constant 0.000000e+00 : f32
    %broadcast_in_dim3A_1405 = vector.broadcast %jit3A_1404 : f32 to vector<16xf32>
    %select_n3A_1406 = arith.select %eq3A_1403, %div3A_1187, %broadcast_in_dim3A_1405 : vector<16xi1>, vector<16xf32>
    %reduce_sum3A_1407 = arith.constant true
    %reduce_sum3A_1408 = vector.broadcast %reduce_sum3A_1407 : i1 to vector<16xi1>
    %reduce_sum3A_1409 = tpu.scan <sum>, %select_n3A_1406 masked %reduce_sum3A_1408 : vector<16xf32>, vector<16xi1> -> vector<16xf32>
    %reduce_sum3A_1410 = vector.extract %reduce_sum3A_1409[15] : f32 from vector<16xf32>
    %add3A_1411 = arith.addf %add3A_1401, %reduce_sum3A_1410 : f32
    %add3A_1412 = arith.addf %add3A_1292, %add3A_1411 : f32
    %eq3A_1413 = vector.broadcast %min3A_1251 : f32 to vector<16xf32>
    %eq3A_1414 = arith.cmpf oeq, %add3A_1133, %eq3A_1413 : vector<16xf32>
    %jit3A_1415 = arith.constant 0.000000e+00 : f32
    %broadcast_in_dim3A_1416 = vector.broadcast %add3A_1292 : f32 to vector<16xf32>
    %broadcast_in_dim3A_1417 = vector.broadcast %jit3A_1415 : f32 to vector<16xf32>
    %select_n3A_1418 = arith.select %eq3A_1414, %broadcast_in_dim3A_1416, %broadcast_in_dim3A_1417 : vector<16xi1>, vector<16xf32>
    %eq3A_1419 = vector.broadcast %min3A_1370 : f32 to vector<16xf32>
    %eq3A_1420 = arith.cmpf oeq, %add3A_1133, %eq3A_1419 : vector<16xf32>
    %jit3A_1421 = arith.constant 0.000000e+00 : f32
    %broadcast_in_dim3A_1422 = vector.broadcast %add3A_1411 : f32 to vector<16xf32>
    %broadcast_in_dim3A_1423 = vector.broadcast %jit3A_1421 : f32 to vector<16xf32>
    %select_n3A_1424 = arith.select %eq3A_1420, %broadcast_in_dim3A_1422, %broadcast_in_dim3A_1423 : vector<16xi1>, vector<16xf32>
    %add3A_1425 = arith.addf %select_n3A_1418, %select_n3A_1424 : vector<16xf32>
    %broadcast_in_dim3A_1426 = vector.broadcast %add3A_1412 : f32 to vector<16xf32>
    %div3A_1427 = arith.divf %add3A_1425, %broadcast_in_dim3A_1426 : vector<16xf32>
    %swap3A_1428 = arith.constant 3 : i32
    %swap3A_1429 = arith.index_cast %swap3A_1428 : i32 to index
    %swap3A_1430 = arith.constant 0 : index
    %swap3A_1431 = tpu.vector_load %arg7[%swap3A_1429, %swap3A_1430] {strides = array<i32>} : memref<4x64xf32, #tpu.memory_space<vmem>>, vector<16xf32>,
    tpu.vector_store %arg7[%swap3A_1429, %swap3A_1430], %div3A_1427 {strides = array<i32>} : memref<4x64xf32, #tpu.memory_space<vmem>>, vector<16xf32>,
    %eq3A_1432 = vector.broadcast %min3A_1251 : f32 to vector<16xf32>
    %eq3A_1433 = arith.cmpf oeq, %add3A_1153, %eq3A_1432 : vector<16xf32>
    %jit3A_1434 = arith.constant 0.000000e+00 : f32
    %broadcast_in_dim3A_1435 = vector.broadcast %add3A_1292 : f32 to vector<16xf32>
    %broadcast_in_dim3A_1436 = vector.broadcast %jit3A_1434 : f32 to vector<16xf32>
    %select_n3A_1437 = arith.select %eq3A_1433, %broadcast_in_dim3A_1435, %broadcast_in_dim3A_1436 : vector<16xi1>, vector<16xf32>
    %eq3A_1438 = vector.broadcast %min3A_1370 : f32 to vector<16xf32>
    %eq3A_1439 = arith.cmpf oeq, %add3A_1153, %eq3A_1438 : vector<16xf32>
    %jit3A_1440 = arith.constant 0.000000e+00 : f32
    %broadcast_in_dim3A_1441 = vector.broadcast %add3A_1411 : f32 to vector<16xf32>
    %broadcast_in_dim3A_1442 = vector.broadcast %jit3A_1440 : f32 to vector<16xf32>
    %select_n3A_1443 = arith.select %eq3A_1439, %broadcast_in_dim3A_1441, %broadcast_in_dim3A_1442 : vector<16xi1>, vector<16xf32>
    %add3A_1444 = arith.addf %select_n3A_1437, %select_n3A_1443 : vector<16xf32>
    %broadcast_in_dim3A_1445 = vector.broadcast %add3A_1412 : f32 to vector<16xf32>
    %div3A_1446 = arith.divf %add3A_1444, %broadcast_in_dim3A_1445 : vector<16xf32>
    %swap3A_1447 = arith.constant 3 : i32
    %swap3A_1448 = arith.index_cast %swap3A_1447 : i32 to index
    %swap3A_1449 = arith.constant 16 : index
    %swap3A_1450 = tpu.vector_load %arg7[%swap3A_1448, %swap3A_1449] {strides = array<i32>} : memref<4x64xf32, #tpu.memory_space<vmem>>, vector<16xf32>,
    tpu.vector_store %arg7[%swap3A_1448, %swap3A_1449], %div3A_1446 {strides = array<i32>} : memref<4x64xf32, #tpu.memory_space<vmem>>, vector<16xf32>,
    %eq3A_1451 = vector.broadcast %min3A_1251 : f32 to vector<16xf32>
    %eq3A_1452 = arith.cmpf oeq, %add3A_1173, %eq3A_1451 : vector<16xf32>
    %jit3A_1453 = arith.constant 0.000000e+00 : f32
    %broadcast_in_dim3A_1454 = vector.broadcast %add3A_1292 : f32 to vector<16xf32>
    %broadcast_in_dim3A_1455 = vector.broadcast %jit3A_1453 : f32 to vector<16xf32>
    %select_n3A_1456 = arith.select %eq3A_1452, %broadcast_in_dim3A_1454, %broadcast_in_dim3A_1455 : vector<16xi1>, vector<16xf32>
    %eq3A_1457 = vector.broadcast %min3A_1370 : f32 to vector<16xf32>
    %eq3A_1458 = arith.cmpf oeq, %add3A_1173, %eq3A_1457 : vector<16xf32>
    %jit3A_1459 = arith.constant 0.000000e+00 : f32
    %broadcast_in_dim3A_1460 = vector.broadcast %add3A_1411 : f32 to vector<16xf32>
    %broadcast_in_dim3A_1461 = vector.broadcast %jit3A_1459 : f32 to vector<16xf32>
    %select_n3A_1462 = arith.select %eq3A_1458, %broadcast_in_dim3A_1460, %broadcast_in_dim3A_1461 : vector<16xi1>, vector<16xf32>
    %add3A_1463 = arith.addf %select_n3A_1456, %select_n3A_1462 : vector<16xf32>
    %broadcast_in_dim3A_1464 = vector.broadcast %add3A_1412 : f32 to vector<16xf32>
    %div3A_1465 = arith.divf %add3A_1463, %broadcast_in_dim3A_1464 : vector<16xf32>
    %swap3A_1466 = arith.constant 3 : i32
    %swap3A_1467 = arith.index_cast %swap3A_1466 : i32 to index
    %swap3A_1468 = arith.constant 32 : index
    %swap3A_1469 = tpu.vector_load %arg7[%swap3A_1467, %swap3A_1468] {strides = array<i32>} : memref<4x64xf32, #tpu.memory_space<vmem>>, vector<16xf32>,
    tpu.vector_store %arg7[%swap3A_1467, %swap3A_1468], %div3A_1465 {strides = array<i32>} : memref<4x64xf32, #tpu.memory_space<vmem>>, vector<16xf32>,
    %eq3A_1470 = vector.broadcast %min3A_1251 : f32 to vector<16xf32>
    %eq3A_1471 = arith.cmpf oeq, %add3A_1193, %eq3A_1470 : vector<16xf32>
    %jit3A_1472 = arith.constant 0.000000e+00 : f32
    %broadcast_in_dim3A_1473 = vector.broadcast %add3A_1292 : f32 to vector<16xf32>
    %broadcast_in_dim3A_1474 = vector.broadcast %jit3A_1472 : f32 to vector<16xf32>
    %select_n3A_1475 = arith.select %eq3A_1471, %broadcast_in_dim3A_1473, %broadcast_in_dim3A_1474 : vector<16xi1>, vector<16xf32>
    %eq3A_1476 = vector.broadcast %min3A_1370 : f32 to vector<16xf32>
    %eq3A_1477 = arith.cmpf oeq, %add3A_1193, %eq3A_1476 : vector<16xf32>
    %jit3A_1478 = arith.constant 0.000000e+00 : f32
    %broadcast_in_dim3A_1479 = vector.broadcast %add3A_1411 : f32 to vector<16xf32>
    %broadcast_in_dim3A_1480 = vector.broadcast %jit3A_1478 : f32 to vector<16xf32>
    %select_n3A_1481 = arith.select %eq3A_1477, %broadcast_in_dim3A_1479, %broadcast_in_dim3A_1480 : vector<16xi1>, vector<16xf32>
    %add3A_1482 = arith.addf %select_n3A_1475, %select_n3A_1481 : vector<16xf32>
    %broadcast_in_dim3A_1483 = vector.broadcast %add3A_1412 : f32 to vector<16xf32>
    %div3A_1484 = arith.divf %add3A_1482, %broadcast_in_dim3A_1483 : vector<16xf32>
    %swap3A_1485 = arith.constant 3 : i32
    %swap3A_1486 = arith.index_cast %swap3A_1485 : i32 to index
    %swap3A_1487 = arith.constant 48 : index
    %swap3A_1488 = tpu.vector_load %arg7[%swap3A_1486, %swap3A_1487] {strides = array<i32>} : memref<4x64xf32, #tpu.memory_space<vmem>>, vector<16xf32>,
    tpu.vector_store %arg7[%swap3A_1486, %swap3A_1487], %div3A_1484 {strides = array<i32>} : memref<4x64xf32, #tpu.memory_space<vmem>>, vector<16xf32>,
    "tpu.region"() ({
      %run_scoped3A = tpu.sem_alloc : memref<!tpu.dma_semaphore, #tpu.memory_space<semaphore_mem>>
      %dma_start3A = arith.constant 0 : i32
      %dma_start3A_1489 = tpu.memref_slice %arg4[%mul3A_2, %dma_start3A] : memref<128x64xf32, #tpu.memory_space<hbm>> -> memref<4x64xf32, #tpu.memory_space<hbm>>
      %dma_start3A_1490 = arith.constant 0 : i32
      %dma_start3A_1491 = tpu.memref_slice %arg4[%mul3A_2, %dma_start3A_1490] : memref<128x64xf32, #tpu.memory_space<hbm>> -> memref<4x64xf32, #tpu.memory_space<hbm>>
      tpu.enqueue_dma source(%arg7 : memref<4x64xf32, #tpu.memory_space<vmem>>) target(%dma_start3A_1491 : memref<4x64xf32, #tpu.memory_space<hbm>>) target_semaphore(%run_scoped3A : memref<!tpu.dma_semaphore, #tpu.memory_space<semaphore_mem>>)
      %dma_wait3A = arith.constant 0 : i32
      %dma_wait3A_1492 = tpu.memref_slice %arg4[%mul3A_2, %dma_wait3A] : memref<128x64xf32, #tpu.memory_space<hbm>> -> memref<4x64xf32, #tpu.memory_space<hbm>>
      %dma_wait3A_1493 = arith.constant 0 : i32
      %dma_wait3A_1494 = tpu.memref_slice %arg4[%mul3A_2, %dma_wait3A_1493] : memref<128x64xf32, #tpu.memory_space<hbm>> -> memref<4x64xf32, #tpu.memory_space<hbm>>
      tpu.wait_dma2 semaphore(%run_scoped3A : memref<!tpu.dma_semaphore, #tpu.memory_space<semaphore_mem>>) src(%arg7 : memref<4x64xf32, #tpu.memory_space<vmem>>) dst(%dma_wait3A_1494 : memref<4x64xf32, #tpu.memory_space<hbm>>)
      tpu.yield
    }) : () -> ()
    return
  }
}

module attributes {stable_mosaic.version = 14 : i64} {
  func.func @_logits_body(%arg0: memref<128x1024xf32, #tpu.memory_space<vmem>>, %arg1: memref<1024x64xf32, #tpu.memory_space<vmem>>, %arg2: memref<128x64xf32, #tpu.memory_space<vmem>>) attributes {dimension_semantics = [], scalar_prefetch = 0 : i64, scratch_operands = 0 : i64, tpu.core_type = #tpu.core_type<tc>} {
    %get3A = arith.constant 0 : index
    %get3A_0 = arith.constant 0 : index
    %get3A_1 = vector.load %arg0[%get3A, %get3A_0] : memref<128x1024xf32, #tpu.memory_space<vmem>>, vector<128x1024xf32>
    %get3A_2 = arith.constant 0 : index
    %get3A_3 = arith.constant 0 : index
    %get3A_4 = vector.load %arg1[%get3A_2, %get3A_3] : memref<1024x64xf32, #tpu.memory_space<vmem>>, vector<1024x64xf32>
    %dot_general3A = arith.constant dense<0.000000e+00> : vector<128x64xf32>
    %dot_general3A_5 = tpu.matmul %get3A_1, %get3A_4, %dot_general3A {dimension_numbers = #tpu.dot_dimension_numbers<[1], [0], [0], [1], [0, 0, 1, 1], [], []>, transpose_lhs_hint = false} : vector<128x1024xf32>, vector<1024x64xf32>, vector<128x64xf32> -> vector<128x64xf32>
    %swap3A = arith.constant 0 : index
    %swap3A_6 = arith.constant 0 : index
    %swap3A_7 = vector.load %arg2[%swap3A, %swap3A_6] : memref<128x64xf32, #tpu.memory_space<vmem>>, vector<128x64xf32>
    tpu.vector_store %arg2[%swap3A, %swap3A_6], %dot_general3A_5 {strides = array<i32>} : memref<128x64xf32, #tpu.memory_space<vmem>>, vector<128x64xf32>,
    return
  }
}

module attributes {stable_mosaic.version = 14 : i64} {
  func.func @_moe_body(%arg0: i32, %arg1: memref<128x1024xf32, #tpu.memory_space<vmem>>, %arg2: memref<128x64xf32, #tpu.memory_space<vmem>>, %arg3: memref<2x1024x512xf32, #tpu.memory_space<vmem>>, %arg4: memref<2x1024x512xf32, #tpu.memory_space<vmem>>, %arg5: memref<2x256x1024xf32, #tpu.memory_space<vmem>>, %arg6: memref<2x256x1024xf32, #tpu.memory_space<vmem>>, %arg7: memref<1024x1024xf32, #tpu.memory_space<vmem>>, %arg8: memref<512x1024xf32, #tpu.memory_space<vmem>>, %arg9: memref<128x1024xf32, #tpu.memory_space<vmem>>) attributes {dimension_semantics = [#tpu.dimension_semantics<arbitrary>], iteration_bounds = array<i64: 32>, scalar_prefetch = 0 : i64, scratch_operands = 0 : i64, tpu.core_type = #tpu.core_type<tc>, window_params = [{pipeline_mode = #tpu.pipeline_mode<synchronous>, transform_indices = @transform_0, window_bounds = array<i64: 128, 1024>}, {pipeline_mode = #tpu.pipeline_mode<synchronous>, transform_indices = @transform_1, window_bounds = array<i64: 128, 64>}, {transform_indices = @transform_2, window_bounds = array<i64: 2, 1024, 512>}, {transform_indices = @transform_3, window_bounds = array<i64: 2, 1024, 512>}, {transform_indices = @transform_4, window_bounds = array<i64: 2, 256, 1024>}, {transform_indices = @transform_5, window_bounds = array<i64: 2, 256, 1024>}, {pipeline_mode = #tpu.pipeline_mode<synchronous>, transform_indices = @transform_6, window_bounds = array<i64: 1024, 1024>}, {pipeline_mode = #tpu.pipeline_mode<synchronous>, transform_indices = @transform_7, window_bounds = array<i64: 512, 1024>}, {pipeline_mode = #tpu.pipeline_mode<synchronous>, transform_indices = @transform_8, window_bounds = array<i64: 128, 1024>}]} {
    %get3A = arith.constant 0 : index
    %get3A_0 = arith.constant 0 : index
    %get3A_1 = vector.load %arg1[%get3A, %get3A_0] : memref<128x1024xf32, #tpu.memory_space<vmem>>, vector<128x1024xf32>
    %eq3A = arith.constant 0 : i32
    %eq3A_2 = arith.cmpi eq, %arg0, %eq3A : i32
    %convert_element_type3A = arith.extui %eq3A_2 : i1 to i32
    %cond3A = arith.constant 0 : i32
    %cond3A_3 = arith.cmpi ne, %convert_element_type3A, %cond3A : i32
    scf.if %cond3A_3 {
      %get3A_128 = arith.constant 0 : index
      %get3A_129 = arith.constant 0 : index
      %get3A_130 = vector.load %arg7[%get3A_128, %get3A_129] : memref<1024x1024xf32, #tpu.memory_space<vmem>>, vector<1024x1024xf32>
      %dot_general3A_131 = arith.constant dense<0.000000e+00> : vector<128x1024xf32>
      %dot_general3A_132 = tpu.matmul %get3A_1, %get3A_130, %dot_general3A_131 {dimension_numbers = #tpu.dot_dimension_numbers<[1], [0], [0], [1], [0, 0, 1, 1], [], []>, transpose_lhs_hint = false} : vector<128x1024xf32>, vector<1024x1024xf32>, vector<128x1024xf32> -> vector<128x1024xf32>
      %slice3A_133 = vector.extract_strided_slice %dot_general3A_132 {offsets = [0, 0], sizes = [128, 512], strides = [1, 1]} : vector<128x1024xf32> to vector<128x512xf32>
      %logistic3A_134 = arith.negf %slice3A_133 : vector<128x512xf32>
      %logistic3A_135 = math.exp %logistic3A_134 : vector<128x512xf32>
      %logistic3A_136 = arith.constant 1.000000e+00 : f32
      %logistic3A_137 = vector.broadcast %logistic3A_136 : f32 to vector<128x512xf32>
      %logistic3A_138 = arith.addf %logistic3A_137, %logistic3A_135 : vector<128x512xf32>
      %logistic3A_139 = arith.divf %logistic3A_137, %logistic3A_138 : vector<128x512xf32>
      %mul3A_140 = arith.mulf %slice3A_133, %logistic3A_139 : vector<128x512xf32>
      %slice3A_141 = vector.extract_strided_slice %dot_general3A_132 {offsets = [0, 512], sizes = [128, 512], strides = [1, 1]} : vector<128x1024xf32> to vector<128x512xf32>
      %mul3A_142 = arith.mulf %mul3A_140, %slice3A_141 : vector<128x512xf32>
      %get3A_143 = arith.constant 0 : index
      %get3A_144 = arith.constant 0 : index
      %get3A_145 = vector.load %arg8[%get3A_143, %get3A_144] : memref<512x1024xf32, #tpu.memory_space<vmem>>, vector<512x1024xf32>
      %dot_general3A_146 = arith.constant dense<0.000000e+00> : vector<128x1024xf32>
      %dot_general3A_147 = tpu.matmul %mul3A_142, %get3A_145, %dot_general3A_146 {dimension_numbers = #tpu.dot_dimension_numbers<[1], [0], [0], [1], [0, 0, 1, 1], [], []>, transpose_lhs_hint = false} : vector<128x512xf32>, vector<512x1024xf32>, vector<128x1024xf32> -> vector<128x1024xf32>
      %swap3A_148 = arith.constant 0 : index
      %swap3A_149 = arith.constant 0 : index
      %swap3A_150 = vector.load %arg9[%swap3A_148, %swap3A_149] : memref<128x1024xf32, #tpu.memory_space<vmem>>, vector<128x1024xf32>
      tpu.vector_store %arg9[%swap3A_148, %swap3A_149], %dot_general3A_147 {strides = array<i32>} : memref<128x1024xf32, #tpu.memory_space<vmem>>, vector<128x1024xf32>,
    } else {
    }
    %convert_element_type3A_4 = arith.truncf %get3A_1 : vector<128x1024xf32> to vector<128x1024xbf16>
    %iota3A = tpu.iota {dimensions = array<i32: 1>} : vector<128x64xi32>
    %broadcast_in_dim3A = arith.constant 0.000000e+00 : f32
    %broadcast_in_dim3A_5 = vector.broadcast %broadcast_in_dim3A : f32 to vector<128x1024xf32>
    %get3A_6 = arith.constant 0 : index
    %get3A_7 = arith.constant 0 : index
    %get3A_8 = arith.constant 0 : index
    %get3A_9 = vector.load %arg3[%get3A_6, %get3A_7, %get3A_8] : memref<2x1024x512xf32, #tpu.memory_space<vmem>>, vector<1x1024x512xf32>
    %get3A_10 = vector.shape_cast %get3A_9 : vector<1x1024x512xf32> to vector<1024x512xf32>
    %convert_element_type3A_11 = arith.truncf %get3A_10 : vector<1024x512xf32> to vector<1024x512xbf16>
    %dot_general3A = arith.constant dense<0.000000e+00> : vector<128x512xf32>
    %dot_general3A_12 = tpu.matmul %convert_element_type3A_4, %convert_element_type3A_11, %dot_general3A {dimension_numbers = #tpu.dot_dimension_numbers<[1], [0], [0], [1], [0, 0, 1, 1], [], []>, transpose_lhs_hint = false} : vector<128x1024xbf16>, vector<1024x512xbf16>, vector<128x512xf32> -> vector<128x512xf32>
    %get3A_13 = arith.constant 0 : index
    %get3A_14 = arith.constant 0 : index
    %get3A_15 = arith.constant 0 : index
    %get3A_16 = vector.load %arg4[%get3A_13, %get3A_14, %get3A_15] : memref<2x1024x512xf32, #tpu.memory_space<vmem>>, vector<1x1024x512xf32>
    %get3A_17 = vector.shape_cast %get3A_16 : vector<1x1024x512xf32> to vector<1024x512xf32>
    %convert_element_type3A_18 = arith.truncf %get3A_17 : vector<1024x512xf32> to vector<1024x512xbf16>
    %dot_general3A_19 = arith.constant dense<0.000000e+00> : vector<128x512xf32>
    %dot_general3A_20 = tpu.matmul %convert_element_type3A_4, %convert_element_type3A_18, %dot_general3A_19 {dimension_numbers = #tpu.dot_dimension_numbers<[1], [0], [0], [1], [0, 0, 1, 1], [], []>, transpose_lhs_hint = false} : vector<128x1024xbf16>, vector<1024x512xbf16>, vector<128x512xf32> -> vector<128x512xf32>
    %logistic3A = arith.negf %dot_general3A_12 : vector<128x512xf32>
    %logistic3A_21 = math.exp %logistic3A : vector<128x512xf32>
    %logistic3A_22 = arith.constant 1.000000e+00 : f32
    %logistic3A_23 = vector.broadcast %logistic3A_22 : f32 to vector<128x512xf32>
    %logistic3A_24 = arith.addf %logistic3A_23, %logistic3A_21 : vector<128x512xf32>
    %logistic3A_25 = arith.divf %logistic3A_23, %logistic3A_24 : vector<128x512xf32>
    %mul3A = arith.mulf %dot_general3A_12, %logistic3A_25 : vector<128x512xf32>
    %mul3A_26 = arith.mulf %mul3A, %dot_general3A_20 : vector<128x512xf32>
    %convert_element_type3A_27 = arith.truncf %mul3A_26 : vector<128x512xf32> to vector<128x512xbf16>
    %slice3A = vector.extract_strided_slice %convert_element_type3A_27 {offsets = [0, 0], sizes = [128, 256], strides = [1, 1]} : vector<128x512xbf16> to vector<128x256xbf16>
    %get3A_28 = arith.constant 0 : index
    %get3A_29 = arith.constant 0 : index
    %get3A_30 = arith.constant 0 : index
    %get3A_31 = vector.load %arg5[%get3A_28, %get3A_29, %get3A_30] : memref<2x256x1024xf32, #tpu.memory_space<vmem>>, vector<1x256x1024xf32>
    %get3A_32 = vector.shape_cast %get3A_31 : vector<1x256x1024xf32> to vector<256x1024xf32>
    %convert_element_type3A_33 = arith.truncf %get3A_32 : vector<256x1024xf32> to vector<256x1024xbf16>
    %dot_general3A_34 = arith.constant dense<0.000000e+00> : vector<128x1024xf32>
    %dot_general3A_35 = tpu.matmul %slice3A, %convert_element_type3A_33, %dot_general3A_34 {dimension_numbers = #tpu.dot_dimension_numbers<[1], [0], [0], [1], [0, 0, 1, 1], [], []>, transpose_lhs_hint = false} : vector<128x256xbf16>, vector<256x1024xbf16>, vector<128x1024xf32> -> vector<128x1024xf32>
    %slice3A_36 = vector.extract_strided_slice %convert_element_type3A_27 {offsets = [0, 256], sizes = [128, 256], strides = [1, 1]} : vector<128x512xbf16> to vector<128x256xbf16>
    %get3A_37 = arith.constant 0 : index
    %get3A_38 = arith.constant 0 : index
    %get3A_39 = arith.constant 0 : index
    %get3A_40 = vector.load %arg6[%get3A_37, %get3A_38, %get3A_39] : memref<2x256x1024xf32, #tpu.memory_space<vmem>>, vector<1x256x1024xf32>
    %get3A_41 = vector.shape_cast %get3A_40 : vector<1x256x1024xf32> to vector<256x1024xf32>
    %convert_element_type3A_42 = arith.truncf %get3A_41 : vector<256x1024xf32> to vector<256x1024xbf16>
    %dot_general3A_43 = arith.constant dense<0.000000e+00> : vector<128x1024xf32>
    %dot_general3A_44 = tpu.matmul %slice3A_36, %convert_element_type3A_42, %dot_general3A_43 {dimension_numbers = #tpu.dot_dimension_numbers<[1], [0], [0], [1], [0, 0, 1, 1], [], []>, transpose_lhs_hint = false} : vector<128x256xbf16>, vector<256x1024xbf16>, vector<128x1024xf32> -> vector<128x1024xf32>
    %add3A = arith.addf %dot_general3A_35, %dot_general3A_44 : vector<128x1024xf32>
    %mul3A_45 = arith.constant 2 : i32
    %mul3A_46 = arith.muli %arg0, %mul3A_45 : i32
    %add3A_47 = arith.constant 0 : i32
    %add3A_48 = arith.addi %mul3A_46, %add3A_47 : i32
    %eq3A_49 = vector.broadcast %add3A_48 : i32 to vector<128x64xi32>
    %eq3A_50 = arith.cmpi eq, %iota3A, %eq3A_49 : vector<128x64xi32>
    %get3A_51 = arith.constant 0 : index
    %get3A_52 = arith.constant 0 : index
    %get3A_53 = vector.load %arg2[%get3A_51, %get3A_52] : memref<128x64xf32, #tpu.memory_space<vmem>>, vector<128x64xf32>
    %jit3A = arith.constant 0.000000e+00 : f32
    %broadcast_in_dim3A_54 = vector.broadcast %jit3A : f32 to vector<128x64xf32>
    %select_n3A = arith.select %eq3A_50, %get3A_53, %broadcast_in_dim3A_54 : vector<128x64xi1>, vector<128x64xf32>
    %reduce_sum3A = arith.constant dense<0.000000e+00> : vector<128xf32>
    %reduce_sum3A_55 = vector.multi_reduction <add>, %select_n3A, %reduce_sum3A [1] : vector<128x64xf32> to vector<128xf32>
    %broadcast_in_dim3A_56 = vector.shape_cast %reduce_sum3A_55 : vector<128xf32> to vector<128x1xf32>
    %mul3A_57 = vector.broadcast %broadcast_in_dim3A_56 : vector<128x1xf32> to vector<128x1024xf32>
    %mul3A_58 = arith.mulf %mul3A_57, %add3A : vector<128x1024xf32>
    %add3A_59 = arith.addf %broadcast_in_dim3A_5, %mul3A_58 : vector<128x1024xf32>
    %get3A_60 = arith.constant 1 : index
    %get3A_61 = arith.constant 0 : index
    %get3A_62 = arith.constant 0 : index
    %get3A_63 = vector.load %arg3[%get3A_60, %get3A_61, %get3A_62] : memref<2x1024x512xf32, #tpu.memory_space<vmem>>, vector<1x1024x512xf32>
    %get3A_64 = vector.shape_cast %get3A_63 : vector<1x1024x512xf32> to vector<1024x512xf32>
    %convert_element_type3A_65 = arith.truncf %get3A_64 : vector<1024x512xf32> to vector<1024x512xbf16>
    %dot_general3A_66 = arith.constant dense<0.000000e+00> : vector<128x512xf32>
    %dot_general3A_67 = tpu.matmul %convert_element_type3A_4, %convert_element_type3A_65, %dot_general3A_66 {dimension_numbers = #tpu.dot_dimension_numbers<[1], [0], [0], [1], [0, 0, 1, 1], [], []>, transpose_lhs_hint = false} : vector<128x1024xbf16>, vector<1024x512xbf16>, vector<128x512xf32> -> vector<128x512xf32>
    %get3A_68 = arith.constant 1 : index
    %get3A_69 = arith.constant 0 : index
    %get3A_70 = arith.constant 0 : index
    %get3A_71 = vector.load %arg4[%get3A_68, %get3A_69, %get3A_70] : memref<2x1024x512xf32, #tpu.memory_space<vmem>>, vector<1x1024x512xf32>
    %get3A_72 = vector.shape_cast %get3A_71 : vector<1x1024x512xf32> to vector<1024x512xf32>
    %convert_element_type3A_73 = arith.truncf %get3A_72 : vector<1024x512xf32> to vector<1024x512xbf16>
    %dot_general3A_74 = arith.constant dense<0.000000e+00> : vector<128x512xf32>
    %dot_general3A_75 = tpu.matmul %convert_element_type3A_4, %convert_element_type3A_73, %dot_general3A_74 {dimension_numbers = #tpu.dot_dimension_numbers<[1], [0], [0], [1], [0, 0, 1, 1], [], []>, transpose_lhs_hint = false} : vector<128x1024xbf16>, vector<1024x512xbf16>, vector<128x512xf32> -> vector<128x512xf32>
    %logistic3A_76 = arith.negf %dot_general3A_67 : vector<128x512xf32>
    %logistic3A_77 = math.exp %logistic3A_76 : vector<128x512xf32>
    %logistic3A_78 = arith.constant 1.000000e+00 : f32
    %logistic3A_79 = vector.broadcast %logistic3A_78 : f32 to vector<128x512xf32>
    %logistic3A_80 = arith.addf %logistic3A_79, %logistic3A_77 : vector<128x512xf32>
    %logistic3A_81 = arith.divf %logistic3A_79, %logistic3A_80 : vector<128x512xf32>
    %mul3A_82 = arith.mulf %dot_general3A_67, %logistic3A_81 : vector<128x512xf32>
    %mul3A_83 = arith.mulf %mul3A_82, %dot_general3A_75 : vector<128x512xf32>
    %convert_element_type3A_84 = arith.truncf %mul3A_83 : vector<128x512xf32> to vector<128x512xbf16>
    %slice3A_85 = vector.extract_strided_slice %convert_element_type3A_84 {offsets = [0, 0], sizes = [128, 256], strides = [1, 1]} : vector<128x512xbf16> to vector<128x256xbf16>
    %get3A_86 = arith.constant 1 : index
    %get3A_87 = arith.constant 0 : index
    %get3A_88 = arith.constant 0 : index
    %get3A_89 = vector.load %arg5[%get3A_86, %get3A_87, %get3A_88] : memref<2x256x1024xf32, #tpu.memory_space<vmem>>, vector<1x256x1024xf32>
    %get3A_90 = vector.shape_cast %get3A_89 : vector<1x256x1024xf32> to vector<256x1024xf32>
    %convert_element_type3A_91 = arith.truncf %get3A_90 : vector<256x1024xf32> to vector<256x1024xbf16>
    %dot_general3A_92 = arith.constant dense<0.000000e+00> : vector<128x1024xf32>
    %dot_general3A_93 = tpu.matmul %slice3A_85, %convert_element_type3A_91, %dot_general3A_92 {dimension_numbers = #tpu.dot_dimension_numbers<[1], [0], [0], [1], [0, 0, 1, 1], [], []>, transpose_lhs_hint = false} : vector<128x256xbf16>, vector<256x1024xbf16>, vector<128x1024xf32> -> vector<128x1024xf32>
    %slice3A_94 = vector.extract_strided_slice %convert_element_type3A_84 {offsets = [0, 256], sizes = [128, 256], strides = [1, 1]} : vector<128x512xbf16> to vector<128x256xbf16>
    %get3A_95 = arith.constant 1 : index
    %get3A_96 = arith.constant 0 : index
    %get3A_97 = arith.constant 0 : index
    %get3A_98 = vector.load %arg6[%get3A_95, %get3A_96, %get3A_97] : memref<2x256x1024xf32, #tpu.memory_space<vmem>>, vector<1x256x1024xf32>
    %get3A_99 = vector.shape_cast %get3A_98 : vector<1x256x1024xf32> to vector<256x1024xf32>
    %convert_element_type3A_100 = arith.truncf %get3A_99 : vector<256x1024xf32> to vector<256x1024xbf16>
    %dot_general3A_101 = arith.constant dense<0.000000e+00> : vector<128x1024xf32>
    %dot_general3A_102 = tpu.matmul %slice3A_94, %convert_element_type3A_100, %dot_general3A_101 {dimension_numbers = #tpu.dot_dimension_numbers<[1], [0], [0], [1], [0, 0, 1, 1], [], []>, transpose_lhs_hint = false} : vector<128x256xbf16>, vector<256x1024xbf16>, vector<128x1024xf32> -> vector<128x1024xf32>
    %add3A_103 = arith.addf %dot_general3A_93, %dot_general3A_102 : vector<128x1024xf32>
    %mul3A_104 = arith.constant 2 : i32
    %mul3A_105 = arith.muli %arg0, %mul3A_104 : i32
    %add3A_106 = arith.constant 1 : i32
    %add3A_107 = arith.addi %mul3A_105, %add3A_106 : i32
    %eq3A_108 = vector.broadcast %add3A_107 : i32 to vector<128x64xi32>
    %eq3A_109 = arith.cmpi eq, %iota3A, %eq3A_108 : vector<128x64xi32>
    %get3A_110 = arith.constant 0 : index
    %get3A_111 = arith.constant 0 : index
    %get3A_112 = vector.load %arg2[%get3A_110, %get3A_111] : memref<128x64xf32, #tpu.memory_space<vmem>>, vector<128x64xf32>
    %jit3A_113 = arith.constant 0.000000e+00 : f32
    %broadcast_in_dim3A_114 = vector.broadcast %jit3A_113 : f32 to vector<128x64xf32>
    %select_n3A_115 = arith.select %eq3A_109, %get3A_112, %broadcast_in_dim3A_114 : vector<128x64xi1>, vector<128x64xf32>
    %reduce_sum3A_116 = arith.constant dense<0.000000e+00> : vector<128xf32>
    %reduce_sum3A_117 = vector.multi_reduction <add>, %select_n3A_115, %reduce_sum3A_116 [1] : vector<128x64xf32> to vector<128xf32>
    %broadcast_in_dim3A_118 = vector.shape_cast %reduce_sum3A_117 : vector<128xf32> to vector<128x1xf32>
    %mul3A_119 = vector.broadcast %broadcast_in_dim3A_118 : vector<128x1xf32> to vector<128x1024xf32>
    %mul3A_120 = arith.mulf %mul3A_119, %add3A_103 : vector<128x1024xf32>
    %add3A_121 = arith.addf %add3A_59, %mul3A_120 : vector<128x1024xf32>
    %get3A_122 = arith.constant 0 : index
    %get3A_123 = arith.constant 0 : index
    %get3A_124 = vector.load %arg9[%get3A_122, %get3A_123] : memref<128x1024xf32, #tpu.memory_space<vmem>>, vector<128x1024xf32>
    %add3A_125 = arith.addf %get3A_124, %add3A_121 : vector<128x1024xf32>
    %swap3A = arith.constant 0 : index
    %swap3A_126 = arith.constant 0 : index
    %swap3A_127 = vector.load %arg9[%swap3A, %swap3A_126] : memref<128x1024xf32, #tpu.memory_space<vmem>>, vector<128x1024xf32>
    tpu.vector_store %arg9[%swap3A, %swap3A_126], %add3A_125 {strides = array<i32>} : memref<128x1024xf32, #tpu.memory_space<vmem>>, vector<128x1024xf32>,
    return
  }
  func.func @transform_0(%arg0: i32) -> (i32, i32) {
    %c0_i32 = arith.constant 0 : i32
    %c0_i32_0 = arith.constant 0 : i32
    %c0_i32_1 = arith.constant 0 : i32
    return %c0_i32, %c0_i32_0 : i32, i32
  }
  func.func @transform_1(%arg0: i32) -> (i32, i32) {
    %c0_i32 = arith.constant 0 : i32
    %c0_i32_0 = arith.constant 0 : i32
    %c0_i32_1 = arith.constant 0 : i32
    return %c0_i32, %c0_i32_0 : i32, i32
  }
  func.func @transform_2(%arg0: i32) -> (i32, i32, i32) {
    %c0_i32 = arith.constant 0 : i32
    %c0_i32_0 = arith.constant 0 : i32
    %c0_i32_1 = arith.constant 0 : i32
    return %arg0, %c0_i32, %c0_i32_0 : i32, i32, i32
  }
  func.func @transform_3(%arg0: i32) -> (i32, i32, i32) {
    %c0_i32 = arith.constant 0 : i32
    %c1_i32 = arith.constant 1 : i32
    %c0_i32_0 = arith.constant 0 : i32
    return %arg0, %c0_i32, %c1_i32 : i32, i32, i32
  }
  func.func @transform_4(%arg0: i32) -> (i32, i32, i32) {
    %c0_i32 = arith.constant 0 : i32
    %c0_i32_0 = arith.constant 0 : i32
    %c0_i32_1 = arith.constant 0 : i32
    return %arg0, %c0_i32, %c0_i32_0 : i32, i32, i32
  }
  func.func @transform_5(%arg0: i32) -> (i32, i32, i32) {
    %c1_i32 = arith.constant 1 : i32
    %c0_i32 = arith.constant 0 : i32
    %c0_i32_0 = arith.constant 0 : i32
    return %arg0, %c1_i32, %c0_i32 : i32, i32, i32
  }
  func.func @transform_6(%arg0: i32) -> (i32, i32) {
    %c0_i32 = arith.constant 0 : i32
    %c0_i32_0 = arith.constant 0 : i32
    %c0_i32_1 = arith.constant 0 : i32
    return %c0_i32, %c0_i32_0 : i32, i32
  }
  func.func @transform_7(%arg0: i32) -> (i32, i32) {
    %c0_i32 = arith.constant 0 : i32
    %c0_i32_0 = arith.constant 0 : i32
    %c0_i32_1 = arith.constant 0 : i32
    return %c0_i32, %c0_i32_0 : i32, i32
  }
  func.func @transform_8(%arg0: i32) -> (i32, i32) {
    %c0_i32 = arith.constant 0 : i32
    %c0_i32_0 = arith.constant 0 : i32
    %c0_i32_1 = arith.constant 0 : i32
    return %c0_i32, %c0_i32_0 : i32, i32
  }
}

</mosaic_0001>

<sc_bundles>
// kernel: kernel.5.cloned.1.call-start
scs
__scs_entry_jumppad:
0x0: {  	(pc) =	sbr.rel $0x88, $3  }
0x1: {  	(tag) =	ssettag $0x0;
	lr =	simm.s32 $0x1  }
0x2: {  	[smem:$0x3F9A] =	sst lr;
	_ =	strace $0xD0000000  }
0x3: {  	_ = 	snop  }
0x4: {  	_ = 	snop  }
0x5: {  	_ = 	snop  }
0x6: {  	_ = 	snop  }
0x7: {  	_ = 	snop  }
__scs_overlays_trampoline_lowered:
0x8: {  	[smem:$0x3FA9] =	sst s0  }
0x9: {  	[smem:$0x3FAA] =	sst s1  }
0xa: {  	[smem:$0x3FAB] =	sst s2  }
0xb: {  	[smem:$0x3FAC] =	sst s3  }
0xc: {  	[smem:$0x3FAD] =	sst s4  }
0xd: {  	[smem:$0x3FAE] =	sst s5  }
0xe: {  	[smem:$0x3FAF] =	sst s6  }
0xf: {  	[smem:$0x3FB0] =	sst s7  }
0x10: {  	[smem:$0x3FB1] =	sst s8  }
0x11: {  	[smem:$0x3FB2] =	sst s9;
	s0 =	simm.s32 @!p0 $0x0  }
0x12: {  	s1 =	sld [smem:$0x3F98];
	s0 =	simm.s32 @p0 $0x1  }
0x13: {  	[smem:$0x3FB3] =	sst s0;
	s0 =	simm.s32 @!p1 $0x0  }
0x14: {  	s2 =	sld [smem:$0x3F97];
	s0 =	simm.s32 @p1 $0x1  }
0x15: {  	[smem:$0x3FB4] =	sst s0;
	s0 =	simm.s32 @!p2 $0x0  }
0x16: {  	s3 =	sld [smem:$0x3FDB];
	s0 =	simm.s32 @p2 $0x1  }
0x17: {  	s4 =	simm.s32 $0x1BF5;
	[smem:$0x3FB6] =	sst s0  }
0x18: {  	s0 =	sld [smem:$0x3F99];
	_ =	swait.ge [sflag:s4], $0x0  }
0x19: {  	s7 =	sld [smem:$0x3F9A]  }
0x1a: {  	s8 =	sadd.s32 $0xFFFFE003, lr  }
0x1b: {  	s9 =	sadd.s32 $0xFFFFFEF7, lr;
	s5 =	simm.s32 $0xFFFFFFFF;
	p2 =	slt.u32 s8, $0xFFFFF086  }
0x1c: {  	p1 =	slt.u32 s9, $0xF7A;
	s5 =	simm.s32 @!p2 $0x0  }
0x1d: {  	s5 =	simm.s32 @p1 $0x1;
	p0 =	seq.s32 s7, s2  }
0x1e: {  	s7 =	smul.u32 @!p0 $0xF7A, s2;
	p2 =	seq.s32 @!p0 s5, $0x0  }
0x1f: {  	s9 =	smul.u32 $0xF7A, s1;
	s8 =	simm.s32 @!p0 $0x1BF5;
	p2 =	por !p2, p0  }
0x20: {  	[sflag:s8] =	ssyncset.s32 @!p0 $0xFFFFF086;
	s6 =	sadd.s32 @!p0 s3, s7;
	s7 =	simm.s32 @!p0 $0x108  }
0x21: {  	s3 =	sadd.s32 s3, s9;
	s6 =	sadd.s32 @!p0 $0x88, s6;
	s7 =	simm.s32 @p2 $0x1082  }
0x22: {  	[simem:s7], [sflag:s8] =	dma.local @!p0 [hbm:s6], $0xF7A  }
0x23: {  	s9 =	sor.u32 $0xD0000000, s2;
	s6 =	simm.s32 $0x108;
	_ =	swait.ge @!p0 [sflag:s8], $0x0  }
0x24: {  	s3 =	sadd.s32 $0x88, s3;
	s6 =	simm.s32 @!p1 $0x1082;
	[sflag:s4] =	ssyncset.s32 $0xFFFFF086  }
0x25: {  	[simem:s6], [sflag:s4] =	dma.local [hbm:s3], $0xF7A  }
0x26: {  	[smem:$0x3F9A] =	sst s1;
	(tag) =	ssettag s2;
	_ =	strace s9  }
0x27: {  	s1 =	sld [smem:$0x3FAA]  }
0x28: {  	s2 =	sld [smem:$0x3FAB]  }
0x29: {  	s4 =	sld [smem:$0x3FAD]  }
0x2a: {  	p0 =	seq.s32 s5, $0x0;
	s5 =	sld [smem:$0x3FAE]  }
0x2b: {  	s6 =	sld [smem:$0x3FAF]  }
0x2c: {  	s7 =	sld [smem:$0x3FB0]  }
0x2d: {  	s3 =	simm.s32 $0x108;
	s8 =	sld [smem:$0x3FB1]  }
0x2e: {  	s3 =	simm.s32 @!p0 $0x1082;
	s9 =	sld [smem:$0x3FB2]  }
0x2f: {  	lr =	sadd.s32 s0, s3;
	s0 =	sld [smem:$0x3FA9]  }
0x30: {  	s3 =	sld [smem:$0x3FAC]  }
0x31: {  	[smem:$0x3FB5] =	sst s10  }
0x32: {  	s10 =	sld [smem:$0x3FB3];
	_ =	sdelay $0x3  }
0x33: {  	p0 =	seq.s32 s10, $0x1;
	s10 =	sld [smem:$0x3FB5];
	_ =	sdelay $0x3  }
0x34: {  	[smem:$0x3FB5] =	sst s10  }
0x35: {  	s10 =	sld [smem:$0x3FB4];
	_ =	sdelay $0x3  }
0x36: {  	p1 =	seq.s32 s10, $0x1;
	s10 =	sld [smem:$0x3FB5];
	_ =	sdelay $0x3  }
0x37: {  	[smem:$0x3FB5] =	sst s10  }
0x38: {  	s10 =	sld [smem:$0x3FB6]  }
0x39: {  	_ = 	snop;
	(pc) =	sbr.ind lr, $3  }
0x3a: {  	_ = 	snop  }
0x3b: {  	_ = 	snop  }
0x3c: {  	p2 =	seq.s32 s10, $0x1;
	s10 =	sld [smem:$0x3FB5]  }
0x3d: {  	_ =	shalt  }
0x3e: {  	_ =	shalt  }
0x3f: {  	_ =	shalt  }
0x40: {  	_ =	shalt  }
0x41: {  	_ =	shalt  }
0x42: {  	_ =	shalt  }
0x43: {  	_ =	shalt  }
0x44: {  	_ =	shalt  }
0x45: {  	_ =	shalt  }
0x46: {  	_ =	shalt  }
0x47: {  	_ =	shalt  }
0x48: {  	_ =	shalt  }
0x49: {  	_ =	shalt  }
0x4a: {  	_ =	shalt  }
0x4b: {  	_ =	shalt  }
0x4c: {  	_ =	shalt  }
0x4d: {  	_ =	shalt  }
0x4e: {  	_ =	shalt  }
0x4f: {  	_ =	shalt  }
0x50: {  	_ =	shalt  }
0x51: {  	_ =	shalt  }
0x52: {  	_ =	shalt  }
0x53: {  	_ =	shalt  }
0x54: {  	_ =	shalt  }
0x55: {  	_ =	shalt  }
0x56: {  	_ =	shalt  }
0x57: {  	_ =	shalt  }
0x58: {  	_ =	shalt  }
0x59: {  	_ =	shalt  }
0x5a: {  	_ =	shalt  }
0x5b: {  	_ =	shalt  }
0x5c: {  	_ =	shalt  }
0x5d: {  	_ =	shalt  }
0x5e: {  	_ =	shalt  }
0x5f: {  	_ =	shalt  }
0x60: {  	_ =	shalt  }
0x61: {  	_ =	shalt  }
0x62: {  	_ =	shalt  }
0x63: {  	_ =	shalt  }
0x64: {  	_ =	shalt  }
0x65: {  	_ =	shalt  }
0x66: {  	_ =	shalt  }
0x67: {  	_ =	shalt  }
0x68: {  	_ =	shalt  }
0x69: {  	_ =	shalt  }
0x6a: {  	_ =	shalt  }
0x6b: {  	_ =	shalt  }
0x6c: {  	_ =	shalt  }
0x6d: {  	_ =	shalt  }
0x6e: {  	_ =	shalt  }
0x6f: {  	_ =	shalt  }
0x70: {  	_ =	shalt  }
0x71: {  	_ =	shalt  }
0x72: {  	_ =	shalt  }
0x73: {  	_ =	shalt  }
0x74: {  	_ =	shalt  }
0x75: {  	_ =	shalt  }
0x76: {  	_ =	shalt  }
0x77: {  	_ =	shalt  }
0x78: {  	_ =	shalt  }
0x79: {  	_ =	shalt  }
0x7a: {  	_ =	shalt  }
0x7b: {  	_ =	shalt  }
0x7c: {  	_ =	shalt  }
0x7d: {  	_ =	shalt  }
0x7e: {  	_ =	shalt  }
0x7f: {  	_ =	shalt  }
0x80: {  	_ =	shalt  }
0x81: {  	_ =	shalt  }
0x82: {  	_ =	shalt  }
0x83: {  	_ =	shalt  }
0x84: {  	_ =	shalt  }
0x85: {  	_ =	shalt  }
0x86: {  	_ =	shalt  }
0x87: {  	_ =	shalt  }
.Lfunc_end0:
.L_simem_size_0:
called_computation_lowered:
.L_overlay_start_0:
0x88: {  	s2 =	sld [smem:$0x3FD9]  }
0x89: {  	s3 =	sld [smem:$0x3FFE];
	_ =	sdelay $0x1  }
0x8a: {  	s1 =	srdreg.scid  }
0x8b: {  	s0 =	sand.u32 $0x1, s1  }
0x8c: {  	s17 =	sshll.u32 s0, $0xA;
	s2 =	sadd.s32 s3, s2  }
0x8d: {  	s2 =	sadd.s32 s2, s17  }
0x8e: {  	[smem:$0x3FC1] =	sst s2  }
0x8f: {  	_ = 	snop  }
0x90: {  	s2 =	sld [smem:$0x3FC3]  }
0x91: {  	s18 =	sld [smem:$0x3FD0];
	(tm) =	ssettm $0x1  }
0x92: {  	s4 =	sld [smem:$0x3FFB];
	_ =	sdelay $0x3  }
0x93: {  	_ =	strace s4  }
0x94: {  	s4 =	sld [smem:$0x3FFC];
	_ =	sdelay $0x3  }
0x95: {  	_ =	strace s4  }
0x96: {  	s4 =	sld [smem:$0x3FFD];
	_ =	sdelay $0x3  }
0x97: {  	_ =	strace s4  }
0x98: {  	_ =	strace $0x8FFFFFFF  }
0x99: {  	s19 =	sld [smem:$0x3FDB];
	_ =	sdelay $0x1  }
0x9a: {  	s5 =	simm.s32 $_scs_section_size  }
0x9b: {  	s6 =	simm.s32 $_size__tile_overlayer_lowered;
	s7 =	simm.s32 $_tile_overlayer_lowered  }
0x9c: {  	s22 =	simm.s32 $0x1BFF;
	s21 =	sshll.u32 s7, $0x1;
	s4 =	sadd.s32 s5, s19  }
0x9d: {  	s8 =	simm.s32 $0x0;
	s20 =	sshll.u32 s6, $0x1;
	s6 =	sadd.s32 s21, s4  }
0x9e: {  	[timem:s8], [sflag:s22] =	dma.local [hbm:s6], s20  }
0x9f: {  	_ =	swait.ge [sflag:s22], s20  }
0xa0: {  	s5 =	ssub.s32 $0x0, s20;
	[sflag:s22] =	ssyncset.done $0x0  }
0xa1: {  	[sflag:s22] =	ssyncadd.s32 s5;
	_ =	sdelay $0x1  }
0xa2: {  	s23 =	simm.s32 $0x1B8B  }
0xa3: {  	_ =	swait.ge [sflag:s23], $0x1  }
0xa4: {  	[sflag:s23] =	ssyncset.done $0x0  }
0xa5: {  	s25 =	simm.s32 $0x1B8E;
	s24 =	sld [smem:$0x3FFE];
	[sflag:s23] =	ssyncadd.s32 $0xFFFFFFFF  }
0xa6: {  	s26 =	simm.s32 $execute0_lowered;
	[smem:$0x3FD2] =	sst s25  }
0xa7: {  	s6 =	sshll.u32 s26, $0x1;
	_ =	strace $0x80000046;
	[dreg:$0x1] =	wrdreg $0xFFFFFFFF  }
0xa8: {  	s28 =	simm.s32 $_size_execute0_lowered;
	s4 =	sadd.s32 s4, s6;
	[dreg:$0x0] =	wrdreg $0x0  }
0xa9: {  	s6 =	sshll.u32 s28, $0x1;
	[dreg:$0x2] =	wrdreg s4  }
0xaa: {  	[dreg:$0x3] =	wrdreg s6  }
0xab: {  	[dreg:$0x4] =	wrdreg $0xC0  }
0xac: {  	_ =	task [dreg:s8], $0x5FFFF  }
0xad: {  	[dreg:$0x1] =	wrdreg $0xFFFFFFFF  }
0xae: {  	[dreg:$0x0] =	wrdreg $0x60  }
0xaf: {  	[dreg:$0x2] =	wrdreg s18  }
0xb0: {  	[dreg:$0x3] =	wrdreg s2  }
0xb1: {  	[dreg:$0x4] =	wrdreg s24  }
0xb2: {  	[dreg:$0x5] =	wrdreg $0x9  }
0xb3: {  	_ =	task.clear_ibuf [dreg:s8], $0x6FFFF;
	_ =	strace $0x90000046  }
0xb4: {  	s29 =	simm.s32 $0x9;
	_ =	strace $0x80000048  }
0xb5: {  	_ =	swait.ge [sflag:s29], $0x1  }
0xb6: {  	[sflag:s29] =	ssyncadd.s32 $0xFFFFFFFF  }
0xb7: {  	_ =	strace $0x90000048  }
0xb8: {  	_ =	sfence  }
0xb9: {  	s30 =	sld [smem:$0x0];
	_ =	sdelay $0x2  }
0xba: {  	s31 =	sshll.u32 s1, $0xD;
	s1 =	sshrl.u32 s1, $0x2  }
0xbb: {  	s3 =	sand.u32 $0x4000, s31;
	s1 =	sadd.s32 s1, s30  }
0xbc: {  	s0 =	sor.u32 s3, s0;
	s1 =	sshll.u32 s1, $0x11  }
0xbd: {  	s0 =	sor.u32 s1, s0  }
0xbe: {  	s0 =	sadd.s32 $0x8F2B, s0  }
0xbf: {  	[sflag:s0] =	ssyncadd.remote.s32 $0x1  }
0xc0: {  	_ =	sfence.sel $0xFFFF  }
0xc1: {  	[dreg:$0x0] =	wrdreg $0xFFFFFFFF;
	(pc) =	sbr.abs _section_cstart, $3  }
0xc2: {  	[dreg:$0x1] =	wrdreg $0xFFFFFFFF  }
0xc3: {  	_ =	task.clear_ibuf [dreg:s8], $0x2FFFF;
	_ =	strace $0x9FFFFFFF  }
0xc4: {  	(tm) =	ssettm $0x7FFFFFFF  }
0xc5: {  	_ =	shalt  }
tec
execute0_lowered:
.L_overlay_start_1:
0x0: {  	(tag) =	ssettag $0x1  }
0x1: {  	v0 =	vimm.f32 $1.500000000e+01  }
0x2: {  	vm14 =	vcmask $0x300;
	vm13 =	vcmask $0x704;
	vm12 =	vcmask $0xB08  }
0x3: {  	vm11 =	vcmask $0xF0C;
	vm10 =	vcmask $0x1310;
	vm9 =	vcmask $0x1714  }
0x4: {  	vm8 =	vcmask $0x1B18;
	vm7 =	vcmask $0x1F1C;
	vm6 =	vcmask $0x2320  }
0x5: {  	vm5 =	vcmask $0x2724;
	vm4 =	vcmask $0x2B28;
	vm3 =	vcmask $0x2F2C  }
0x6: {  	vm2 =	vcmask $0x3330;
	vm1 =	vcmask $0x3734;
	vm0 =	vcmask $0x3B38  }
0x7: {  	v1 =	vimm.f32 $3.100000000e+01;
	v2 =	vimm.f32 $4.700000000e+01;
	v3 =	vimm.f32 $6.300000000e+01  }
0x8: {  	v0 =	vsel vm14, $0x0, v0;
	v1 =	vsel vm14, $0x41800000, v1;
	v2 =	vsel vm14, $0x42000000, v2  }
0x9: {  	v3 =	vsel vm14, $0x42400000, v3;
	v0 =	vsel vm13, $0x3F800000, v0;
	v1 =	vsel vm13, $0x41880000, v1  }
0xa: {  	v2 =	vsel vm13, $0x42040000, v2;
	v3 =	vsel vm13, $0x42440000, v3;
	v0 =	vsel vm12, $0x40000000, v0  }
0xb: {  	v1 =	vsel vm12, $0x41900000, v1;
	v2 =	vsel vm12, $0x42080000, v2;
	v3 =	vsel vm12, $0x42480000, v3  }
0xc: {  	v0 =	vsel vm11, $0x40400000, v0;
	v1 =	vsel vm11, $0x41980000, v1;
	v2 =	vsel vm11, $0x420C0000, v2  }
0xd: {  	v3 =	vsel vm11, $0x424C0000, v3;
	v0 =	vsel vm10, $0x40800000, v0;
	v1 =	vsel vm10, $0x41A00000, v1  }
0xe: {  	v2 =	vsel vm10, $0x42100000, v2;
	v3 =	vsel vm10, $0x42500000, v3;
	v0 =	vsel vm9, $0x40A00000, v0  }
0xf: {  	v1 =	vsel vm9, $0x41A80000, v1;
	v2 =	vsel vm9, $0x42140000, v2;
	v3 =	vsel vm9, $0x42540000, v3  }
0x10: {  	v0 =	vsel vm8, $0x40C00000, v0;
	v1 =	vsel vm8, $0x41B00000, v1;
	v2 =	vsel vm8, $0x42180000, v2  }
0x11: {  	s3 =	rddreg [dreg:$0x0];
	v3 =	vsel vm8, $0x42580000, v3;
	v0 =	vsel vm7, $0x40E00000, v0;
	v1 =	vsel vm7, $0x41B80000, v1  }
0x12: {  	s0 =	rddreg [dreg:$0x1];
	v2 =	vsel vm7, $0x421C0000, v2;
	v3 =	vsel vm7, $0x425C0000, v3;
	v0 =	vsel vm6, $0x41000000, v0  }
0x13: {  	s4 =	rddreg [dreg:$0x2];
	s2 =	srdreg.scid;
	v1 =	vsel vm6, $0x41C00000, v1;
	v2 =	vsel vm6, $0x42200000, v2;
	v3 =	vsel vm6, $0x42600000, v3  }
0x14: {  	s1 =	stileid.u32;
	s30 =	simm.s32 $0x200;
	[dreg:$0x6] =	wrdreg s0;
	v0 =	vsel vm5, $0x41100000, v0;
	v1 =	vsel vm5, $0x41C80000, v1;
	v2 =	vsel vm5, $0x42240000, v2  }
0x15: {  	s31 =	simm.s32 $0x280;
	s0 =	rddreg [dreg:$0x3];
	s5 =	sand.u32 $0x1, s2;
	v3 =	vsel vm5, $0x42640000, v3;
	v0 =	vsel vm4, $0x41200000, v0;
	v1 =	vsel vm4, $0x41D00000, v1  }
0x16: {  	s2 =	simm.s32 $0x0;
	s6 =	sshll.u32 s1, $0x7;
	s7 =	sshll.u32 s5, $0x6;
	v2 =	vsel vm4, $0x42280000, v2;
	v3 =	vsel vm4, $0x42680000, v3;
	v0 =	vsel vm3, $0x41300000, v0  }
0x17: {  	[smem:$0x7FF] =	sst s2;
	s5 =	ssub.s32 $0x2, s5;
	s6 =	sor.u32 s7, s6;
	v1 =	vsel vm3, $0x41D80000, v1;
	v2 =	vsel vm3, $0x422C0000, v2;
	v3 =	vsel vm3, $0x426C0000, v3  }
0x18: {  	_ =	strace $0x80000047;
	s29 =	sshrl.u32 s5, $0x1;
	[dreg:$0x5] =	wrdreg s30;
	v0 =	vsel vm2, $0x41400000, v0;
	v1 =	vsel vm2, $0x41E00000, v1;
	v2 =	vsel vm2, $0x42300000, v2  }
0x19: {  	[dreg:$0x8] =	wrdreg s31;
	s4 =	sadd.s32 s6, s4;
	s3 =	sadd.s32 s3, s6;
	v3 =	vsel vm2, $0x42700000, v3;
	v0 =	vsel vm1, $0x41500000, v0;
	v1 =	vsel vm1, $0x41E80000, v1  }
0x1a: {  	[dreg:$0x4] =	wrdreg s3;
	s28 =	sadd.s32 $0xE00, s4;
	s4 =	ssub.s32 s5, s29;
	v2 =	vsel vm1, $0x42340000, v2;
	v3 =	vsel vm1, $0x42740000, v3;
	v0 =	vsel vm0, $0x41600000, v0  }
0x1b: {  	[dreg:$0x7] =	wrdreg s28;
	s3 =	smax.u32 s4, $0x1;
	s4 =	simm.s32 $0x1;
	v1 =	vsel vm0, $0x41F00000, v1;
	v2 =	vsel vm0, $0x42380000, v2;
	v3 =	vsel vm0, $0x42780000, v3  }
.LBB2_1:
0x1c: {  	s5 =	rddreg [dreg:$0x4]  }
0x1d: {  	[tilespmem:s2], [sflag:$0x1] =	stream.linear.gather [hbm4b:s5+s2], $0x200, $0x38;
	[tilespmem:$0x480] =	vst v63  }
0x1e: {  	_ =	swait.ge [sflag:s4], $0x200  }
0x1f: {  	s12 =	rddreg [dreg:$0x5];
	[sflag:s4] =	ssyncset.done $0x0  }
0x20: {  	s6 =	rddreg [dreg:$0x6];
	[sflag:s4] =	ssyncadd.s32 $0xFFFFFE00  }
0x21: {  	[tilespmem:s12], [sflag:$0x1] =	stream.linear.gather [hbm4b:s6+s2], $0x80, $0x38;
	[tilespmem:$0x480] =	vst v63  }
0x22: {  	_ =	swait.ge [sflag:s4], $0x80  }
0x23: {  	[sflag:s4] =	ssyncset.done $0x0  }
0x24: {  	[sflag:s4] =	ssyncadd.s32 $0xFFFFFF80  }
0x25: {  	v4 =	vld [tilespmem:$0x0];
	_ =	sdelay $0x4  }
0x26: {  	v4 =	vsub.f32 $0.0e+00, v4;
	_ =	sdelay $0x1  }
0x27: {  	v4 =	vmul.f32 $1.442695020e+00, v4;
	_ =	sdelay $0x1  }
0x28: {  	(erf) = vpow2.f32 v4;
	_ =	sdelay $0x3  }
0x29: {  	v4 =	vld [tilespmem:$0x10];
	_ =	sdelay $0x4  }
0x2a: {  	v4 =	vsub.f32 $0.0e+00, v4;
	v5 =	vpop (erf)  }
0x2b: {  	v5 =	vadd.f32 $1.000000000e+00, v5  }
0x2c: {  	v4 =	vmul.f32 $1.442695020e+00, v4  }
0x2d: {  	(erf) = vrcp.f32 v5  }
0x2e: {  	(erf) = vpow2.f32 v4;
	_ =	sdelay $0x7  }
0x2f: {  	v4 =	vpop (erf)  }
0x30: {  	v5 =	vpop (erf)  }
0x31: {  	v5 =	vadd.f32 $1.000000000e+00, v5;
	_ =	sdelay $0x1  }
0x32: {  	(erf) = vrcp.f32 v5;
	v5 =	vld [tilespmem:$0x20];
	_ =	sdelay $0x4  }
0x33: {  	v5 =	vsub.f32 $0.0e+00, v5;
	_ =	sdelay $0x1  }
0x34: {  	v5 =	vmul.f32 $1.442695020e+00, v5;
	_ =	sdelay $0x1  }
0x35: {  	(erf) = vpow2.f32 v5;
	_ =	sdelay $0x3  }
0x36: {  	v6 =	vld [tilespmem:$0x30];
	_ =	sdelay $0x3  }
0x37: {  	v5 =	vpop (erf)  }
0x38: {  	v6 =	vsub.f32 $0.0e+00, v6;
	v8 =	vpop (erf)  }
0x39: {  	v8 =	vadd.f32 $1.000000000e+00, v8  }
0x3a: {  	v6 =	vmul.f32 $1.442695020e+00, v6  }
0x3b: {  	(erf) = vrcp.f32 v8  }
0x3c: {  	(erf) = vpow2.f32 v6;
	_ =	sdelay $0x7  }
0x3d: {  	v34 =	vpop (erf)  }
0x3e: {  	v35 =	vpop (erf)  }
0x3f: {  	v8 =	vadd.f32 $1.000000000e+00, v35;
	_ =	sdelay $0x1  }
0x40: {  	(erf) = vrcp.f32 v8;
	_ =	sdelay $0x1  }
0x41: {  	v7 =	vld [tilespmem:$0x200]  }
0x42: {  	v36 =	vld [tilespmem:$0x210]  }
0x43: {  	v9 =	vld [tilespmem:$0x220]  }
0x44: {  	v10 =	vld [tilespmem:$0x230];
	_ =	sdelay $0x1  }
0x45: {  	v11 =	vadd.f32 v4, v7  }
0x46: {  	v8 =	vadd.f32 v5, v36  }
0x47: {  	(xrf0) =	vmax.scan.msk.f32 $0xffff, v11;
	v9 =	vadd.f32 v34, v9;
	v37 =	vpop (erf)  }
0x48: {  	(xrf0) =	vmax.scan.msk.f32 $0xffff, v8;
	v10 =	vadd.f32 v37, v10  }
0x49: {  	(xrf0) =	vmax.scan.msk.f32 $0xffff, v9  }
0x4a: {  	(xrf0) =	vmax.scan.msk.f32 $0xffff, v10;
	_ =	sdelay $0x2  }
0x4b: {  	v12, _, _ =	vpop (xrf0)  }
0x4c: {  	(v2sf) =	vpush v12, $0xF;
	v38, _, _ =	vpop (xrf0)  }
0x4d: {  	(v2sf) =	vpush v38, $0xF;
	v39, _, _ =	vpop (xrf0)  }
0x4e: {  	(v2sf) =	vpush v39, $0xF;
	v40, _, _ =	vpop (xrf0)  }
0x4f: {  	(v2sf) =	vpush v40, $0xF;
	_ =	sdelay $0xb  }
0x50: {  	s13 =	spop (v2sf)  }
0x51: {  	s14 =	spop (v2sf)  }
0x52: {  	s5 =	smax.f32 s13, s14;
	s15 =	spop (v2sf)  }
0x53: {  	s5 =	smax.f32 s5, s15;
	s16 =	spop (v2sf)  }
0x54: {  	s5 =	smax.f32 s5, s16  }
0x55: {  	vm0 =	veq.f32 v11, s5  }
0x56: {  	vm11 =	veq.f32 v8, s5;
	v41 =	vnsel vm0, $0x4E6E6B28, v0  }
0x57: {  	vm12 =	veq.f32 v9, s5;
	v42 =	vnsel vm11, $0x4E6E6B28, v1;
	(xrf0) =	vmin.scan.msk.f32 $0xffff, v41  }
0x58: {  	vm13 =	veq.f32 v10, s5;
	v43 =	vnsel vm12, $0x4E6E6B28, v2;
	(xrf0) =	vmin.scan.msk.f32 $0xffff, v42  }
0x59: {  	v44 =	vnsel vm13, $0x4E6E6B28, v3;
	(xrf0) =	vmin.scan.msk.f32 $0xffff, v43  }
0x5a: {  	(xrf0) =	vmin.scan.msk.f32 $0xffff, v44;
	_ =	sdelay $0x2  }
0x5b: {  	v12, _, _ =	vpop (xrf0)  }
0x5c: {  	(v2sf) =	vpush v12, $0xF;
	v45, _, _ =	vpop (xrf0)  }
0x5d: {  	(v2sf) =	vpush v45, $0xF;
	v46, _, _ =	vpop (xrf0)  }
0x5e: {  	(v2sf) =	vpush v46, $0xF;
	v47, _, _ =	vpop (xrf0)  }
0x5f: {  	(v2sf) =	vpush v47, $0xF;
	_ =	sdelay $0xb  }
0x60: {  	s17 =	spop (v2sf)  }
0x61: {  	s18 =	spop (v2sf)  }
0x62: {  	s5 =	smin.f32 s17, s18;
	s19 =	spop (v2sf)  }
0x63: {  	s5 =	smin.f32 s5, s19;
	s20 =	spop (v2sf)  }
0x64: {  	s5 =	smin.f32 s5, s20  }
0x65: {  	v48 =	vmov s5  }
0x66: {  	vm3 =	veq.f32 v48, v0  }
0x67: {  	vm2 =	veq.f32 v48, v1;
	v13 =	vnsel vm3, $0x0, v4  }
0x68: {  	vm14 =	veq.f32 v48, v2;
	v50 =	vnsel vm2, $0x0, v5;
	(xrf2) =	vadd.scan.msk.f32 $0xffff, v13  }
0x69: {  	vm1 =	veq.f32 v48, v3;
	v52 =	vnsel vm14, $0x0, v34;
	(xrf2) =	vadd.scan.msk.f32 $0xffff, v50  }
0x6a: {  	v54 =	vnsel vm1, $0x0, v37;
	(xrf2) =	vadd.scan.msk.f32 $0xffff, v52  }
0x6b: {  	(xrf2) =	vadd.scan.msk.f32 $0xffff, v54;
	_ =	sdelay $0x3  }
0x6c: {  	v11 =	vsel vm3, $0xF149F2CA, v11  }
0x6d: {  	v8 =	vsel vm2, $0xF149F2CA, v8;
	(xrf0) =	vmax.scan.msk.f32 $0xffff, v11  }
0x6e: {  	v9 =	vsel vm14, $0xF149F2CA, v9;
	(xrf0) =	vmax.scan.msk.f32 $0xffff, v8  }
0x6f: {  	v10 =	vsel vm1, $0xF149F2CA, v10;
	(xrf0) =	vmax.scan.msk.f32 $0xffff, v9;
	v55, _, _ =	vpop (xrf2)  }
0x70: {  	(xrf0) =	vmax.scan.msk.f32 $0xffff, v10;
	(v2sf) =	vpush v55, $0xF;
	v56, _, _ =	vpop (xrf2)  }
0x71: {  	(v2sf) =	vpush v56, $0xF;
	v57, _, _ =	vpop (xrf2)  }
0x72: {  	(v2sf) =	vpush v57, $0xF;
	v58, _, _ =	vpop (xrf2)  }
0x73: {  	v59, _, _ =	vpop (xrf0);
	(v2sf) =	vpush v58, $0xF  }
0x74: {  	v60, _, _ =	vpop (xrf0);
	(v2sf) =	vpush v59, $0xF  }
0x75: {  	v61, _, _ =	vpop (xrf0);
	(v2sf) =	vpush v60, $0xF  }
0x76: {  	v62, _, _ =	vpop (xrf0);
	(v2sf) =	vpush v61, $0xF  }
0x77: {  	(v2sf) =	vpush v62, $0xF;
	_ =	sdelay $0x7  }
0x78: {  	s7 =	spop (v2sf)  }
0x79: {  	s8 =	spop (v2sf)  }
0x7a: {  	s21 =	spop (v2sf)  }
0x7b: {  	s22 =	spop (v2sf)  }
0x7c: {  	s9 =	spop (v2sf)  }
0x7d: {  	s10 =	spop (v2sf)  }
0x7e: {  	s9 =	smax.f32 s9, s10;
	s23 =	spop (v2sf)  }
0x7f: {  	s9 =	smax.f32 s9, s23;
	s24 =	spop (v2sf)  }
0x80: {  	s9 =	smax.f32 s9, s24  }
0x81: {  	v14 =	vimm.s32 $0x0;
	vm15 =	veq.f32 v11, s9  }
0x82: {  	v49 =	vimm.s32 $0x0;
	vm4 =	veq.f32 v8, s9;
	v11 =	vnsel vm15, $0x4E6E6B28, v0  }
0x83: {  	v53 =	vimm.s32 $0x0;
	vm5 =	veq.f32 v9, s9;
	v8 =	vnsel vm4, $0x4E6E6B28, v1;
	(xrf0) =	vmin.scan.msk.f32 $0xffff, v11  }
0x84: {  	v12 =	vsel vm1, $0xFFFFFFFF, v53;
	vm6 =	veq.f32 v10, s9;
	v63 =	vnsel vm5, $0x4E6E6B28, v2;
	(xrf0) =	vmin.scan.msk.f32 $0xffff, v8  }
0x85: {  	v14 =	vsel vm3, $0xFFFFFFFF, v14;
	[tilespmem:$0x1FF50] =	vst v12;
	v12 =	vnsel vm6, $0x4E6E6B28, v3;
	(xrf0) =	vmin.scan.msk.f32 $0xffff, v63  }
0x86: {  	v51 =	vimm.s32 $0x0;
	[tilespmem:$0x1FEF0] =	vst v14;
	v14 =	vsel vm2, $0xFFFFFFFF, v49;
	(xrf0) =	vmin.scan.msk.f32 $0xffff, v12  }
0x87: {  	[tilespmem:$0x1FF10] =	vst v14;
	v14 =	vsel vm14, $0xFFFFFFFF, v51;
	_ =	sdelay $0x1  }
0x88: {  	v13, _, _ =	vpop (xrf0)  }
0x89: {  	[tilespmem:$0x1FF30] =	vst v14;
	(v2sf) =	vpush v13, $0xF;
	v14, _, _ =	vpop (xrf0)  }
0x8a: {  	(v2sf) =	vpush v14, $0xF;
	v15, _, _ =	vpop (xrf0)  }
0x8b: {  	(v2sf) =	vpush v15, $0xF;
	v16, _, _ =	vpop (xrf0)  }
0x8c: {  	(v2sf) =	vpush v16, $0xF;
	_ =	sdelay $0xb  }
0x8d: {  	s25 =	spop (v2sf)  }
0x8e: {  	s26 =	spop (v2sf)  }
0x8f: {  	s9 =	smin.f32 s25, s26;
	s28 =	spop (v2sf)  }
0x90: {  	s9 =	smin.f32 s9, s28;
	s29 =	spop (v2sf)  }
0x91: {  	s9 =	smin.f32 s9, s29  }
0x92: {  	v17 =	vmov s9  }
0x93: {  	vm7 =	veq.f32 v17, v0  }
0x94: {  	v4 =	vnsel vm7, $0x0, v4  }
0x95: {  	vm8 =	veq.f32 v17, v1;
	(xrf2) =	vadd.scan.msk.f32 $0xffff, v4;
	v4 =	vimm.s32 $0x0  }
0x96: {  	v4 =	vsel vm8, $0xFFFFFFFF, v4  }
0x97: {  	[tilespmem:$0x1FF20] =	vst v4;
	v4 =	vnsel vm8, $0x0, v5  }
0x98: {  	vm9 =	veq.f32 v17, v2;
	(xrf2) =	vadd.scan.msk.f32 $0xffff, v4;
	v4 =	vimm.s32 $0x0  }
0x99: {  	v4 =	vsel vm9, $0xFFFFFFFF, v4  }
0x9a: {  	[tilespmem:$0x1FF40] =	vst v4;
	v4 =	vnsel vm9, $0x0, v34  }
0x9b: {  	vm10 =	veq.f32 v17, v3;
	(xrf2) =	vadd.scan.msk.f32 $0xffff, v4;
	v4 =	vimm.s32 $0x0  }
0x9c: {  	v4 =	vsel vm10, $0xFFFFFFFF, v4  }
0x9d: {  	[tilespmem:$0x1FF60] =	vst v4;
	v4 =	vnsel vm10, $0x0, v37  }
0x9e: {  	(xrf2) =	vadd.scan.msk.f32 $0xffff, v4;
	_ =	sdelay $0x3  }
0x9f: {  	v4, _, _ =	vpop (xrf2)  }
0xa0: {  	(v2sf) =	vpush v4, $0xF  }
0xa1: {  	v4, _, _ =	vpop (xrf2)  }
0xa2: {  	(v2sf) =	vpush v4, $0xF  }
0xa3: {  	v4, _, _ =	vpop (xrf2)  }
0xa4: {  	(v2sf) =	vpush v4, $0xF  }
0xa5: {  	v4, _, _ =	vpop (xrf2)  }
0xa6: {  	(v2sf) =	vpush v4, $0xF;
	_ =	sdelay $0x8  }
0xa7: {  	s7 =	sadd.f32 $0.0e+00, s7;
	s30 =	spop (v2sf)  }
0xa8: {  	s9 =	sadd.f32 $0.0e+00, s30  }
0xa9: {  	s7 =	sadd.f32 s7, s8;
	s31 =	spop (v2sf)  }
0xaa: {  	s8 =	sadd.f32 s9, s31  }
0xab: {  	s6 =	sadd.f32 s7, s21;
	v4 =	vld [tilespmem:$0x80];
	s9 =	spop (v2sf)  }
0xac: {  	s7 =	sadd.f32 s8, s9  }
0xad: {  	s5 =	sadd.f32 s6, s22;
	s10 =	spop (v2sf)  }
0xae: {  	s6 =	sadd.f32 s7, s10;
	_ =	sdelay $0x1  }
0xaf: {  	v4 =	vsub.f32 $0.0e+00, v4;
	s7 =	sadd.f32 s6, s5;
	_ =	sdelay $0x1  }
0xb0: {  	v4 =	vmul.f32 $1.442695020e+00, v4;
	v5 =	vmov s7  }
0xb1: {  	(erf) = vrcp.f32 v5  }
0xb2: {  	(erf) = vpow2.f32 v4;
	_ =	sdelay $0x3  }
0xb3: {  	v5 =	vld [tilespmem:$0x90];
	_ =	sdelay $0x3  }
0xb4: {  	v4 =	vpop (erf)  }
0xb5: {  	v5 =	vsub.f32 $0.0e+00, v5;
	v19 =	vpop (erf)  }
0xb6: {  	v6 =	vadd.f32 $1.000000000e+00, v19  }
0xb7: {  	v5 =	vmul.f32 $1.442695020e+00, v5  }
0xb8: {  	(erf) = vrcp.f32 v6  }
0xb9: {  	(erf) = vpow2.f32 v5;
	_ =	sdelay $0x3  }
0xba: {  	v20 =	vld [tilespmem:$0xA0];
	_ =	sdelay $0x3  }
0xbb: {  	v5 =	vpop (erf)  }
0xbc: {  	v6 =	vsub.f32 $0.0e+00, v20;
	v21 =	vpop (erf)  }
0xbd: {  	v7 =	vadd.f32 $1.000000000e+00, v21  }
0xbe: {  	v6 =	vmul.f32 $1.442695020e+00, v6  }
0xbf: {  	(erf) = vrcp.f32 v7  }
0xc0: {  	(erf) = vpow2.f32 v6;
	_ =	sdelay $0x3  }
0xc1: {  	v22 =	vld [tilespmem:$0xB0];
	_ =	sdelay $0x3  }
0xc2: {  	v23 =	vpop (erf)  }
0xc3: {  	v7 =	vsub.f32 $0.0e+00, v22;
	v24 =	vpop (erf)  }
0xc4: {  	v8 =	vadd.f32 $1.000000000e+00, v24  }
0xc5: {  	v7 =	vmul.f32 $1.442695020e+00, v7  }
0xc6: {  	(erf) = vrcp.f32 v8  }
0xc7: {  	(erf) = vpow2.f32 v7;
	_ =	sdelay $0x7  }
0xc8: {  	v25 =	vpop (erf)  }
0xc9: {  	v26 =	vpop (erf)  }
0xca: {  	v8 =	vadd.f32 $1.000000000e+00, v26;
	_ =	sdelay $0x1  }
0xcb: {  	(erf) = vrcp.f32 v8;
	_ =	sdelay $0x1  }
0xcc: {  	v27 =	vld [tilespmem:$0x200]  }
0xcd: {  	v28 =	vld [tilespmem:$0x210]  }
0xce: {  	v29 =	vld [tilespmem:$0x220]  }
0xcf: {  	v30 =	vld [tilespmem:$0x230]  }
0xd0: {  	v18 =	vimm.s32 $0x0  }
0xd1: {  	v9 =	vsel vm7, $0xFFFFFFFF, v18;
	v31 =	vadd.f32 v5, v27  }
0xd2: {  	[tilespmem:$0x1FF00] =	vst v9;
	v9 =	vadd.f32 v23, v28  }
0xd3: {  	(xrf0) =	vmax.scan.msk.f32 $0xffff, v31;
	v10 =	vadd.f32 v25, v29;
	v32 =	vpop (erf)  }
0xd4: {  	(xrf0) =	vmax.scan.msk.f32 $0xffff, v9;
	v11 =	vadd.f32 v32, v30  }
0xd5: {  	(xrf0) =	vmax.scan.msk.f32 $0xffff, v10  }
0xd6: {  	(xrf0) =	vmax.scan.msk.f32 $0xffff, v11;
	_ =	sdelay $0x2  }
0xd7: {  	v33, _, _ =	vpop (xrf0)  }
0xd8: {  	(v2sf) =	vpush v33, $0xF;
	v34, _, _ =	vpop (xrf0)  }
0xd9: {  	(v2sf) =	vpush v34, $0xF;
	v35, _, _ =	vpop (xrf0)  }
0xda: {  	(v2sf) =	vpush v35, $0xF;
	v36, _, _ =	vpop (xrf0)  }
0xdb: {  	(v2sf) =	vpush v36, $0xF;
	_ =	sdelay $0xb  }
0xdc: {  	s11 =	spop (v2sf)  }
0xdd: {  	s12 =	spop (v2sf)  }
0xde: {  	s7 =	smax.f32 s11, s12;
	s13 =	spop (v2sf)  }
0xdf: {  	s7 =	smax.f32 s7, s13;
	s14 =	spop (v2sf)  }
0xe0: {  	s7 =	smax.f32 s7, s14  }
0xe1: {  	vm11 =	veq.f32 v31, s7  }
0xe2: {  	vm12 =	veq.f32 v9, s7;
	v37 =	vnsel vm11, $0x4E6E6B28, v0  }
0xe3: {  	vm13 =	veq.f32 v10, s7;
	v38 =	vnsel vm12, $0x4E6E6B28, v1;
	(xrf0) =	vmin.scan.msk.f32 $0xffff, v37  }
0xe4: {  	vm14 =	veq.f32 v11, s7;
	v39 =	vnsel vm13, $0x4E6E6B28, v2;
	(xrf0) =	vmin.scan.msk.f32 $0xffff, v38  }
0xe5: {  	v40 =	vnsel vm14, $0x4E6E6B28, v3;
	(xrf0) =	vmin.scan.msk.f32 $0xffff, v39  }
0xe6: {  	(xrf0) =	vmin.scan.msk.f32 $0xffff, v40;
	_ =	sdelay $0x2  }
0xe7: {  	v41, _, _ =	vpop (xrf0)  }
0xe8: {  	(v2sf) =	vpush v41, $0xF;
	v42, _, _ =	vpop (xrf0)  }
0xe9: {  	(v2sf) =	vpush v42, $0xF;
	v43, _, _ =	vpop (xrf0)  }
0xea: {  	(v2sf) =	vpush v43, $0xF;
	v44, _, _ =	vpop (xrf0)  }
0xeb: {  	(v2sf) =	vpush v44, $0xF;
	_ =	sdelay $0xb  }
0xec: {  	s15 =	spop (v2sf)  }
0xed: {  	s16 =	spop (v2sf)  }
0xee: {  	s7 =	smin.f32 s15, s16;
	s17 =	spop (v2sf)  }
0xef: {  	s7 =	smin.f32 s7, s17;
	s18 =	spop (v2sf)  }
0xf0: {  	s7 =	smin.f32 s7, s18  }
0xf1: {  	v45 =	vmov s7  }
0xf2: {  	vm15 =	veq.f32 v45, v0  }
0xf3: {  	vm4 =	veq.f32 v45, v1;
	v46 =	vnsel vm15, $0x0, v5  }
0xf4: {  	vm5 =	veq.f32 v45, v2;
	v48 =	vnsel vm4, $0x0, v23;
	(xrf2) =	vadd.scan.msk.f32 $0xffff, v46  }
0xf5: {  	vm6 =	veq.f32 v45, v3;
	v50 =	vnsel vm5, $0x0, v25;
	(xrf2) =	vadd.scan.msk.f32 $0xffff, v48  }
0xf6: {  	v52 =	vnsel vm6, $0x0, v32;
	(xrf2) =	vadd.scan.msk.f32 $0xffff, v50  }
0xf7: {  	(xrf2) =	vadd.scan.msk.f32 $0xffff, v52;
	_ =	sdelay $0x3  }
0xf8: {  	v12 =	vsel vm15, $0xF149F2CA, v31  }
0xf9: {  	v9 =	vsel vm4, $0xF149F2CA, v9;
	(xrf0) =	vmax.scan.msk.f32 $0xffff, v12  }
0xfa: {  	v10 =	vsel vm5, $0xF149F2CA, v10;
	(xrf0) =	vmax.scan.msk.f32 $0xffff, v9  }
0xfb: {  	v11 =	vsel vm6, $0xF149F2CA, v11;
	(xrf0) =	vmax.scan.msk.f32 $0xffff, v10;
	v53, _, _ =	vpop (xrf2)  }
0xfc: {  	(xrf0) =	vmax.scan.msk.f32 $0xffff, v11;
	(v2sf) =	vpush v53, $0xF;
	v54, _, _ =	vpop (xrf2)  }
0xfd: {  	(v2sf) =	vpush v54, $0xF;
	v55, _, _ =	vpop (xrf2)  }
0xfe: {  	(v2sf) =	vpush v55, $0xF;
	v56, _, _ =	vpop (xrf2)  }
0xff: {  	v57, _, _ =	vpop (xrf0);
	(v2sf) =	vpush v56, $0xF  }
0x100: {  	v58, _, _ =	vpop (xrf0);
	(v2sf) =	vpush v57, $0xF  }
0x101: {  	v59, _, _ =	vpop (xrf0);
	(v2sf) =	vpush v58, $0xF  }
0x102: {  	v60, _, _ =	vpop (xrf0);
	(v2sf) =	vpush v59, $0xF  }
0x103: {  	(v2sf) =	vpush v60, $0xF;
	_ =	sdelay $0x7  }
0x104: {  	s19 =	spop (v2sf)  }
0x105: {  	s20 =	spop (v2sf)  }
0x106: {  	s21 =	spop (v2sf)  }
0x107: {  	s22 =	spop (v2sf)  }
0x108: {  	s11 =	spop (v2sf)  }
0x109: {  	s12 =	spop (v2sf)  }
0x10a: {  	s11 =	smax.f32 s11, s12;
	s23 =	spop (v2sf)  }
0x10b: {  	s11 =	smax.f32 s11, s23;
	s24 =	spop (v2sf)  }
0x10c: {  	s11 =	smax.f32 s11, s24  }
0x10d: {  	vm7 =	veq.f32 v12, s11  }
0x10e: {  	vm8 =	veq.f32 v9, s11;
	v12 =	vnsel vm7, $0x4E6E6B28, v0  }
0x10f: {  	vm9 =	veq.f32 v10, s11;
	v9 =	vnsel vm8, $0x4E6E6B28, v1;
	(xrf0) =	vmin.scan.msk.f32 $0xffff, v12  }
0x110: {  	vm10 =	veq.f32 v11, s11;
	v61 =	vnsel vm9, $0x4E6E6B28, v2;
	(xrf0) =	vmin.scan.msk.f32 $0xffff, v9  }
0x111: {  	v62 =	vnsel vm10, $0x4E6E6B28, v3;
	(xrf0) =	vmin.scan.msk.f32 $0xffff, v61  }
0x112: {  	(xrf0) =	vmin.scan.msk.f32 $0xffff, v62  }
0x113: {  	v51 =	vimm.s32 $0x0  }
0x114: {  	v13 =	vsel vm6, $0xFFFFFFFF, v51  }
0x115: {  	v63, _, _ =	vpop (xrf0)  }
0x116: {  	(v2sf) =	vpush v63, $0xF;
	v12, _, _ =	vpop (xrf0)  }
0x117: {  	[tilespmem:$0x1FFD0] =	vst v13;
	(v2sf) =	vpush v12, $0xF;
	v13, _, _ =	vpop (xrf0)  }
0x118: {  	(v2sf) =	vpush v13, $0xF;
	v14, _, _ =	vpop (xrf0)  }
0x119: {  	(v2sf) =	vpush v14, $0xF;
	_ =	sdelay $0xb  }
0x11a: {  	s25 =	spop (v2sf)  }
0x11b: {  	v15 =	vimm.s32 $0x0;
	s26 =	spop (v2sf)  }
0x11c: {  	v47 =	vimm.s32 $0x0;
	v15 =	vsel vm15, $0xFFFFFFFF, v15;
	s11 =	smin.f32 s25, s26;
	s28 =	spop (v2sf)  }
0x11d: {  	v49 =	vimm.s32 $0x0;
	[tilespmem:$0x1FF70] =	vst v15;
	v15 =	vsel vm4, $0xFFFFFFFF, v47;
	s11 =	smin.f32 s11, s28;
	s29 =	spop (v2sf)  }
0x11e: {  	[tilespmem:$0x1FF90] =	vst v15;
	v15 =	vsel vm5, $0xFFFFFFFF, v49;
	s11 =	smin.f32 s11, s29  }
0x11f: {  	[tilespmem:$0x1FFB0] =	vst v15;
	v15 =	vmov s11  }
0x120: {  	vm11 =	veq.f32 v15, v0  }
0x121: {  	v5 =	vnsel vm11, $0x0, v5  }
0x122: {  	vm12 =	veq.f32 v15, v1;
	(xrf2) =	vadd.scan.msk.f32 $0xffff, v5;
	v5 =	vimm.s32 $0x0  }
0x123: {  	v5 =	vsel vm12, $0xFFFFFFFF, v5  }
0x124: {  	[tilespmem:$0x1FFA0] =	vst v5;
	v5 =	vnsel vm12, $0x0, v23  }
0x125: {  	vm13 =	veq.f32 v15, v2;
	(xrf2) =	vadd.scan.msk.f32 $0xffff, v5;
	v5 =	vimm.s32 $0x0  }
0x126: {  	v5 =	vsel vm13, $0xFFFFFFFF, v5  }
0x127: {  	[tilespmem:$0x1FFC0] =	vst v5;
	v5 =	vnsel vm13, $0x0, v25  }
0x128: {  	vm14 =	veq.f32 v15, v3;
	(xrf2) =	vadd.scan.msk.f32 $0xffff, v5;
	v5 =	vimm.s32 $0x0  }
0x129: {  	v5 =	vsel vm14, $0xFFFFFFFF, v5  }
0x12a: {  	[tilespmem:$0x1FFE0] =	vst v5;
	v5 =	vnsel vm14, $0x0, v32  }
0x12b: {  	(xrf2) =	vadd.scan.msk.f32 $0xffff, v5;
	_ =	sdelay $0x3  }
0x12c: {  	v5, _, _ =	vpop (xrf2)  }
0x12d: {  	(v2sf) =	vpush v5, $0xF  }
0x12e: {  	v5, _, _ =	vpop (xrf2)  }
0x12f: {  	(v2sf) =	vpush v5, $0xF  }
0x130: {  	v5, _, _ =	vpop (xrf2)  }
0x131: {  	(v2sf) =	vpush v5, $0xF  }
0x132: {  	v5, _, _ =	vpop (xrf2)  }
0x133: {  	(v2sf) =	vpush v5, $0xF;
	_ =	sdelay $0x8  }
0x134: {  	s9 =	sadd.f32 $0.0e+00, s19;
	s30 =	spop (v2sf)  }
0x135: {  	s11 =	sadd.f32 $0.0e+00, s30  }
0x136: {  	s9 =	sadd.f32 s9, s20;
	s31 =	spop (v2sf)  }
0x137: {  	s10 =	sadd.f32 s11, s31  }
0x138: {  	s8 =	sadd.f32 s9, s21;
	v5 =	vld [tilespmem:$0x100];
	s11 =	spop (v2sf)  }
0x139: {  	s9 =	sadd.f32 s10, s11  }
0x13a: {  	s7 =	sadd.f32 s8, s22;
	s12 =	spop (v2sf)  }
0x13b: {  	s8 =	sadd.f32 s9, s12;
	_ =	sdelay $0x1  }
0x13c: {  	v5 =	vsub.f32 $0.0e+00, v5;
	s9 =	sadd.f32 s8, s7;
	_ =	sdelay $0x1  }
0x13d: {  	v5 =	vmul.f32 $1.442695020e+00, v5;
	v17 =	vmov s9  }
0x13e: {  	(erf) = vrcp.f32 v17  }
0x13f: {  	(erf) = vpow2.f32 v5;
	_ =	sdelay $0x3  }
0x140: {  	v18 =	vld [tilespmem:$0x110];
	_ =	sdelay $0x3  }
0x141: {  	v5 =	vpop (erf)  }
0x142: {  	v6 =	vsub.f32 $0.0e+00, v18;
	v19 =	vpop (erf)  }
0x143: {  	v7 =	vadd.f32 $1.000000000e+00, v19  }
0x144: {  	v6 =	vmul.f32 $1.442695020e+00, v6  }
0x145: {  	(erf) = vrcp.f32 v7  }
0x146: {  	(erf) = vpow2.f32 v6;
	_ =	sdelay $0x3  }
0x147: {  	v20 =	vld [tilespmem:$0x120];
	_ =	sdelay $0x3  }
0x148: {  	v21 =	vpop (erf)  }
0x149: {  	v7 =	vsub.f32 $0.0e+00, v20;
	v22 =	vpop (erf)  }
0x14a: {  	v8 =	vadd.f32 $1.000000000e+00, v22  }
0x14b: {  	v7 =	vmul.f32 $1.442695020e+00, v7  }
0x14c: {  	(erf) = vrcp.f32 v8  }
0x14d: {  	(erf) = vpow2.f32 v7;
	_ =	sdelay $0x3  }
0x14e: {  	v23 =	vld [tilespmem:$0x130];
	_ =	sdelay $0x3  }
0x14f: {  	v24 =	vpop (erf)  }
0x150: {  	v8 =	vsub.f32 $0.0e+00, v23;
	v25 =	vpop (erf)  }
0x151: {  	v9 =	vadd.f32 $1.000000000e+00, v25  }
0x152: {  	v8 =	vmul.f32 $1.442695020e+00, v8  }
0x153: {  	(erf) = vrcp.f32 v9  }
0x154: {  	(erf) = vpow2.f32 v8;
	_ =	sdelay $0x7  }
0x155: {  	v26 =	vpop (erf)  }
0x156: {  	v27 =	vpop (erf)  }
0x157: {  	v9 =	vadd.f32 $1.000000000e+00, v27;
	_ =	sdelay $0x1  }
0x158: {  	(erf) = vrcp.f32 v9;
	_ =	sdelay $0x1  }
0x159: {  	v28 =	vld [tilespmem:$0x200]  }
0x15a: {  	v29 =	vld [tilespmem:$0x210]  }
0x15b: {  	v30 =	vld [tilespmem:$0x220]  }
0x15c: {  	v31 =	vld [tilespmem:$0x230]  }
0x15d: {  	v16 =	vimm.s32 $0x0  }
0x15e: {  	v10 =	vsel vm11, $0xFFFFFFFF, v16;
	v32 =	vadd.f32 v21, v28  }
0x15f: {  	[tilespmem:$0x1FF80] =	vst v10;
	v10 =	vadd.f32 v24, v29  }
0x160: {  	(xrf0) =	vmax.scan.msk.f32 $0xffff, v32;
	v11 =	vadd.f32 v26, v30;
	v33 =	vpop (erf)  }
0x161: {  	(xrf0) =	vmax.scan.msk.f32 $0xffff, v10;
	v12 =	vadd.f32 v33, v31  }
0x162: {  	(xrf0) =	vmax.scan.msk.f32 $0xffff, v11  }
0x163: {  	(xrf0) =	vmax.scan.msk.f32 $0xffff, v12;
	_ =	sdelay $0x2  }
0x164: {  	v34, _, _ =	vpop (xrf0)  }
0x165: {  	(v2sf) =	vpush v34, $0xF;
	v35, _, _ =	vpop (xrf0)  }
0x166: {  	(v2sf) =	vpush v35, $0xF;
	v36, _, _ =	vpop (xrf0)  }
0x167: {  	(v2sf) =	vpush v36, $0xF;
	v37, _, _ =	vpop (xrf0)  }
0x168: {  	(v2sf) =	vpush v37, $0xF;
	_ =	sdelay $0xb  }
0x169: {  	s13 =	spop (v2sf)  }
0x16a: {  	s14 =	spop (v2sf)  }
0x16b: {  	s9 =	smax.f32 s13, s14;
	s15 =	spop (v2sf)  }
0x16c: {  	s9 =	smax.f32 s9, s15;
	s16 =	spop (v2sf)  }
0x16d: {  	s9 =	smax.f32 s9, s16  }
0x16e: {  	vm15 =	veq.f32 v32, s9  }
0x16f: {  	vm4 =	veq.f32 v10, s9;
	v38 =	vnsel vm15, $0x4E6E6B28, v0  }
0x170: {  	vm5 =	veq.f32 v11, s9;
	v39 =	vnsel vm4, $0x4E6E6B28, v1;
	(xrf0) =	vmin.scan.msk.f32 $0xffff, v38  }
0x171: {  	vm6 =	veq.f32 v12, s9;
	v40 =	vnsel vm5, $0x4E6E6B28, v2;
	(xrf0) =	vmin.scan.msk.f32 $0xffff, v39  }
0x172: {  	v41 =	vnsel vm6, $0x4E6E6B28, v3;
	(xrf0) =	vmin.scan.msk.f32 $0xffff, v40  }
0x173: {  	(xrf0) =	vmin.scan.msk.f32 $0xffff, v41;
	_ =	sdelay $0x2  }
0x174: {  	v42, _, _ =	vpop (xrf0)  }
0x175: {  	(v2sf) =	vpush v42, $0xF;
	v43, _, _ =	vpop (xrf0)  }
0x176: {  	(v2sf) =	vpush v43, $0xF;
	v44, _, _ =	vpop (xrf0)  }
0x177: {  	(v2sf) =	vpush v44, $0xF;
	v45, _, _ =	vpop (xrf0)  }
0x178: {  	(v2sf) =	vpush v45, $0xF;
	_ =	sdelay $0xb  }
0x179: {  	s17 =	spop (v2sf)  }
0x17a: {  	s18 =	spop (v2sf)  }
0x17b: {  	s9 =	smin.f32 s17, s18;
	s19 =	spop (v2sf)  }
0x17c: {  	s9 =	smin.f32 s9, s19;
	s20 =	spop (v2sf)  }
0x17d: {  	s9 =	smin.f32 s9, s20  }
0x17e: {  	v46 =	vmov s9  }
0x17f: {  	vm8 =	veq.f32 v46, v0  }
0x180: {  	vm9 =	veq.f32 v46, v1;
	v47 =	vnsel vm8, $0x0, v21  }
0x181: {  	vm10 =	veq.f32 v46, v2;
	v48 =	vnsel vm9, $0x0, v24;
	(xrf2) =	vadd.scan.msk.f32 $0xffff, v47  }
0x182: {  	vm11 =	veq.f32 v46, v3;
	v49 =	vnsel vm10, $0x0, v26;
	(xrf2) =	vadd.scan.msk.f32 $0xffff, v48  }
0x183: {  	v14 =	vnsel vm11, $0x0, v33;
	(xrf2) =	vadd.scan.msk.f32 $0xffff, v49  }
0x184: {  	(xrf2) =	vadd.scan.msk.f32 $0xffff, v14;
	_ =	sdelay $0x3  }
0x185: {  	v13 =	vsel vm8, $0xF149F2CA, v32  }
0x186: {  	v10 =	vsel vm9, $0xF149F2CA, v10;
	(xrf0) =	vmax.scan.msk.f32 $0xffff, v13  }
0x187: {  	v11 =	vsel vm10, $0xF149F2CA, v11;
	(xrf0) =	vmax.scan.msk.f32 $0xffff, v10  }
0x188: {  	v12 =	vsel vm11, $0xF149F2CA, v12;
	(xrf0) =	vmax.scan.msk.f32 $0xffff, v11;
	v50, _, _ =	vpop (xrf2)  }
0x189: {  	(xrf0) =	vmax.scan.msk.f32 $0xffff, v12;
	(v2sf) =	vpush v50, $0xF;
	v51, _, _ =	vpop (xrf2)  }
0x18a: {  	(v2sf) =	vpush v51, $0xF;
	v52, _, _ =	vpop (xrf2)  }
0x18b: {  	(v2sf) =	vpush v52, $0xF;
	v53, _, _ =	vpop (xrf2)  }
0x18c: {  	v54, _, _ =	vpop (xrf0);
	(v2sf) =	vpush v53, $0xF  }
0x18d: {  	v55, _, _ =	vpop (xrf0);
	(v2sf) =	vpush v54, $0xF  }
0x18e: {  	v56, _, _ =	vpop (xrf0);
	(v2sf) =	vpush v55, $0xF  }
0x18f: {  	v57, _, _ =	vpop (xrf0);
	(v2sf) =	vpush v56, $0xF  }
0x190: {  	(v2sf) =	vpush v57, $0xF;
	_ =	sdelay $0x7  }
0x191: {  	s21 =	spop (v2sf)  }
0x192: {  	s22 =	spop (v2sf)  }
0x193: {  	s23 =	spop (v2sf)  }
0x194: {  	s24 =	spop (v2sf)  }
0x195: {  	s13 =	spop (v2sf)  }
0x196: {  	s14 =	spop (v2sf)  }
0x197: {  	s13 =	smax.f32 s13, s14;
	s25 =	spop (v2sf)  }
0x198: {  	s13 =	smax.f32 s13, s25;
	s26 =	spop (v2sf)  }
0x199: {  	s13 =	smax.f32 s13, s26  }
0x19a: {  	vm7 =	veq.f32 v13, s13  }
0x19b: {  	vm12 =	veq.f32 v10, s13;
	v13 =	vnsel vm7, $0x4E6E6B28, v0  }
0x19c: {  	vm13 =	veq.f32 v11, s13;
	v10 =	vnsel vm12, $0x4E6E6B28, v1;
	(xrf0) =	vmin.scan.msk.f32 $0xffff, v13  }
0x19d: {  	vm14 =	veq.f32 v12, s13;
	v11 =	vnsel vm13, $0x4E6E6B28, v2;
	(xrf0) =	vmin.scan.msk.f32 $0xffff, v10  }
0x19e: {  	v58 =	vnsel vm14, $0x4E6E6B28, v3;
	(xrf0) =	vmin.scan.msk.f32 $0xffff, v11  }
0x19f: {  	(xrf0) =	vmin.scan.msk.f32 $0xffff, v58;
	_ =	sdelay $0x2  }
0x1a0: {  	v59, _, _ =	vpop (xrf0)  }
0x1a1: {  	(v2sf) =	vpush v59, $0xF;
	v60, _, _ =	vpop (xrf0)  }
0x1a2: {  	(v2sf) =	vpush v60, $0xF;
	v61, _, _ =	vpop (xrf0)  }
0x1a3: {  	(v2sf) =	vpush v61, $0xF;
	v62, _, _ =	vpop (xrf0)  }
0x1a4: {  	(v2sf) =	vpush v62, $0xF;
	_ =	sdelay $0xb  }
0x1a5: {  	s28 =	spop (v2sf)  }
0x1a6: {  	s29 =	spop (v2sf)  }
0x1a7: {  	s13 =	smin.f32 s28, s29;
	s30 =	spop (v2sf)  }
0x1a8: {  	s13 =	smin.f32 s13, s30;
	s31 =	spop (v2sf)  }
0x1a9: {  	s13 =	smin.f32 s13, s31  }
0x1aa: {  	v63 =	vmov s13  }
0x1ab: {  	vm14 =	veq.f32 v63, v0  }
0x1ac: {  	v6 =	vnsel vm14, $0x0, v21  }
0x1ad: {  	vm12 =	veq.f32 v63, v1;
	(xrf2) =	vadd.scan.msk.f32 $0xffff, v6  }
0x1ae: {  	v12 =	vnsel vm12, $0x0, v24  }
0x1af: {  	vm13 =	veq.f32 v63, v2;
	(xrf2) =	vadd.scan.msk.f32 $0xffff, v12  }
0x1b0: {  	v13 =	vnsel vm13, $0x0, v26  }
0x1b1: {  	vm15 =	veq.f32 v63, v3;
	(xrf2) =	vadd.scan.msk.f32 $0xffff, v13  }
0x1b2: {  	v15 =	vnsel vm15, $0x0, v33  }
0x1b3: {  	(xrf2) =	vadd.scan.msk.f32 $0xffff, v15;
	_ =	sdelay $0x3  }
0x1b4: {  	v16, _, _ =	vpop (xrf2)  }
0x1b5: {  	(v2sf) =	vpush v16, $0xF  }
0x1b6: {  	v17, _, _ =	vpop (xrf2)  }
0x1b7: {  	(v2sf) =	vpush v17, $0xF  }
0x1b8: {  	v18, _, _ =	vpop (xrf2)  }
0x1b9: {  	(v2sf) =	vpush v18, $0xF  }
0x1ba: {  	v19, _, _ =	vpop (xrf2)  }
0x1bb: {  	(v2sf) =	vpush v19, $0xF;
	_ =	sdelay $0x8  }
0x1bc: {  	s11 =	sadd.f32 $0.0e+00, s21;
	s15 =	spop (v2sf)  }
0x1bd: {  	s13 =	sadd.f32 $0.0e+00, s15  }
0x1be: {  	s11 =	sadd.f32 s11, s22;
	s16 =	spop (v2sf)  }
0x1bf: {  	s12 =	sadd.f32 s13, s16  }
0x1c0: {  	v20 =	vld [tilespmem:$0x180];
	s10 =	sadd.f32 s11, s23;
	s17 =	spop (v2sf)  }
0x1c1: {  	s11 =	sadd.f32 s12, s17  }
0x1c2: {  	s10 =	sadd.f32 s10, s24;
	s18 =	spop (v2sf)  }
0x1c3: {  	v14 =	vimm.s32 $0x0;
	s9 =	sadd.f32 s11, s18  }
0x1c4: {  	v6 =	vsel vm15, $0xFFFFFFFF, v14  }
0x1c5: {  	[tilespmem:$0x1FFF0] =	vst v6;
	v6 =	vsub.f32 $0.0e+00, v20;
	s11 =	sadd.f32 s9, s10;
	_ =	sdelay $0x1  }
0x1c6: {  	v6 =	vmul.f32 $1.442695020e+00, v6;
	v21 =	vmov s11  }
0x1c7: {  	(erf) = vrcp.f32 v21  }
0x1c8: {  	(erf) = vpow2.f32 v6;
	_ =	sdelay $0x3  }
0x1c9: {  	v22 =	vld [tilespmem:$0x190];
	_ =	sdelay $0x3  }
0x1ca: {  	v6 =	vpop (erf)  }
0x1cb: {  	v7 =	vsub.f32 $0.0e+00, v22;
	v23 =	vpop (erf)  }
0x1cc: {  	v8 =	vadd.f32 $1.000000000e+00, v23  }
0x1cd: {  	v7 =	vmul.f32 $1.442695020e+00, v7  }
0x1ce: {  	(erf) = vrcp.f32 v8  }
0x1cf: {  	(erf) = vpow2.f32 v7;
	_ =	sdelay $0x3  }
0x1d0: {  	v24 =	vld [tilespmem:$0x1A0];
	_ =	sdelay $0x3  }
0x1d1: {  	v25 =	vpop (erf)  }
0x1d2: {  	v8 =	vsub.f32 $0.0e+00, v24;
	v26 =	vpop (erf)  }
0x1d3: {  	v9 =	vadd.f32 $1.000000000e+00, v26  }
0x1d4: {  	v8 =	vmul.f32 $1.442695020e+00, v8  }
0x1d5: {  	(erf) = vrcp.f32 v9  }
0x1d6: {  	(erf) = vpow2.f32 v8;
	_ =	sdelay $0x3  }
0x1d7: {  	v27 =	vld [tilespmem:$0x1B0];
	_ =	sdelay $0x3  }
0x1d8: {  	v28 =	vpop (erf)  }
0x1d9: {  	v9 =	vsub.f32 $0.0e+00, v27;
	v29 =	vpop (erf)  }
0x1da: {  	v10 =	vadd.f32 $1.000000000e+00, v29  }
0x1db: {  	v9 =	vmul.f32 $1.442695020e+00, v9  }
0x1dc: {  	(erf) = vrcp.f32 v10  }
0x1dd: {  	(erf) = vpow2.f32 v9;
	_ =	sdelay $0x7  }
0x1de: {  	v30 =	vpop (erf)  }
0x1df: {  	v31 =	vpop (erf)  }
0x1e0: {  	v10 =	vadd.f32 $1.000000000e+00, v31;
	_ =	sdelay $0x1  }
0x1e1: {  	(erf) = vrcp.f32 v10;
	_ =	sdelay $0x1  }
0x1e2: {  	v32 =	vld [tilespmem:$0x200]  }
0x1e3: {  	v33 =	vld [tilespmem:$0x210]  }
0x1e4: {  	v34 =	vld [tilespmem:$0x220]  }
0x1e5: {  	v35 =	vld [tilespmem:$0x230];
	_ =	sdelay $0x1  }
0x1e6: {  	v36 =	vadd.f32 v25, v32  }
0x1e7: {  	v11 =	vadd.f32 v28, v33  }
0x1e8: {  	(xrf0) =	vmax.scan.msk.f32 $0xffff, v36;
	v12 =	vadd.f32 v30, v34;
	v37 =	vpop (erf)  }
0x1e9: {  	(xrf0) =	vmax.scan.msk.f32 $0xffff, v11;
	v13 =	vadd.f32 v37, v35  }
0x1ea: {  	(xrf0) =	vmax.scan.msk.f32 $0xffff, v12  }
0x1eb: {  	(xrf0) =	vmax.scan.msk.f32 $0xffff, v13;
	_ =	sdelay $0x2  }
0x1ec: {  	v38, _, _ =	vpop (xrf0)  }
0x1ed: {  	(v2sf) =	vpush v38, $0xF;
	v39, _, _ =	vpop (xrf0)  }
0x1ee: {  	(v2sf) =	vpush v39, $0xF;
	v40, _, _ =	vpop (xrf0)  }
0x1ef: {  	(v2sf) =	vpush v40, $0xF;
	v41, _, _ =	vpop (xrf0)  }
0x1f0: {  	(v2sf) =	vpush v41, $0xF;
	_ =	sdelay $0xb  }
0x1f1: {  	s19 =	spop (v2sf)  }
0x1f2: {  	s20 =	spop (v2sf)  }
0x1f3: {  	s11 =	smax.f32 s19, s20;
	s21 =	spop (v2sf)  }
0x1f4: {  	s11 =	smax.f32 s11, s21;
	s22 =	spop (v2sf)  }
0x1f5: {  	s11 =	smax.f32 s11, s22  }
0x1f6: {  	vm4 =	veq.f32 v36, s11  }
0x1f7: {  	vm5 =	veq.f32 v11, s11;
	v42 =	vnsel vm4, $0x4E6E6B28, v0  }
0x1f8: {  	vm6 =	veq.f32 v12, s11;
	v16 =	vnsel vm5, $0x4E6E6B28, v1;
	(xrf0) =	vmin.scan.msk.f32 $0xffff, v42  }
0x1f9: {  	vm7 =	veq.f32 v13, s11;
	v43 =	vnsel vm6, $0x4E6E6B28, v2;
	(xrf0) =	vmin.scan.msk.f32 $0xffff, v16  }
0x1fa: {  	v44 =	vnsel vm7, $0x4E6E6B28, v3;
	(xrf0) =	vmin.scan.msk.f32 $0xffff, v43  }
0x1fb: {  	(xrf0) =	vmin.scan.msk.f32 $0xffff, v44;
	_ =	sdelay $0x2  }
0x1fc: {  	v45, _, _ =	vpop (xrf0)  }
0x1fd: {  	(v2sf) =	vpush v45, $0xF;
	v46, _, _ =	vpop (xrf0)  }
0x1fe: {  	(v2sf) =	vpush v46, $0xF;
	v47, _, _ =	vpop (xrf0)  }
0x1ff: {  	(v2sf) =	vpush v47, $0xF;
	v48, _, _ =	vpop (xrf0)  }
0x200: {  	(v2sf) =	vpush v48, $0xF;
	_ =	sdelay $0xb  }
0x201: {  	s23 =	spop (v2sf)  }
0x202: {  	s24 =	spop (v2sf)  }
0x203: {  	s11 =	smin.f32 s23, s24;
	s25 =	spop (v2sf)  }
0x204: {  	s11 =	smin.f32 s11, s25;
	s26 =	spop (v2sf)  }
0x205: {  	s11 =	smin.f32 s11, s26  }
0x206: {  	v49 =	vmov s11  }
0x207: {  	vm4 =	veq.f32 v49, v0  }
0x208: {  	vm5 =	veq.f32 v49, v1;
	v50 =	vnsel vm4, $0x0, v25  }
0x209: {  	vm6 =	veq.f32 v49, v2;
	v51 =	vnsel vm5, $0x0, v28;
	(xrf2) =	vadd.scan.msk.f32 $0xffff, v50  }
0x20a: {  	vm7 =	veq.f32 v49, v3;
	v52 =	vnsel vm6, $0x0, v30;
	(xrf2) =	vadd.scan.msk.f32 $0xffff, v51  }
0x20b: {  	v15 =	vnsel vm7, $0x0, v37;
	(xrf2) =	vadd.scan.msk.f32 $0xffff, v52  }
0x20c: {  	(xrf2) =	vadd.scan.msk.f32 $0xffff, v15;
	_ =	sdelay $0x3  }
0x20d: {  	v14 =	vsel vm4, $0xF149F2CA, v36  }
0x20e: {  	v11 =	vsel vm5, $0xF149F2CA, v11;
	(xrf0) =	vmax.scan.msk.f32 $0xffff, v14  }
0x20f: {  	v12 =	vsel vm6, $0xF149F2CA, v12;
	(xrf0) =	vmax.scan.msk.f32 $0xffff, v11  }
0x210: {  	v13 =	vsel vm7, $0xF149F2CA, v13;
	(xrf0) =	vmax.scan.msk.f32 $0xffff, v12;
	v53, _, _ =	vpop (xrf2)  }
0x211: {  	(xrf0) =	vmax.scan.msk.f32 $0xffff, v13;
	(v2sf) =	vpush v53, $0xF;
	v54, _, _ =	vpop (xrf2)  }
0x212: {  	(v2sf) =	vpush v54, $0xF;
	v55, _, _ =	vpop (xrf2)  }
0x213: {  	(v2sf) =	vpush v55, $0xF;
	v56, _, _ =	vpop (xrf2)  }
0x214: {  	v57, _, _ =	vpop (xrf0);
	(v2sf) =	vpush v56, $0xF  }
0x215: {  	v58, _, _ =	vpop (xrf0);
	(v2sf) =	vpush v57, $0xF  }
0x216: {  	v59, _, _ =	vpop (xrf0);
	(v2sf) =	vpush v58, $0xF  }
0x217: {  	v60, _, _ =	vpop (xrf0);
	(v2sf) =	vpush v59, $0xF  }
0x218: {  	(v2sf) =	vpush v60, $0xF;
	_ =	sdelay $0x7  }
0x219: {  	s28 =	spop (v2sf)  }
0x21a: {  	s29 =	spop (v2sf)  }
0x21b: {  	s30 =	spop (v2sf)  }
0x21c: {  	s31 =	spop (v2sf)  }
0x21d: {  	s15 =	spop (v2sf)  }
0x21e: {  	s16 =	spop (v2sf)  }
0x21f: {  	s15 =	smax.f32 s15, s16;
	s17 =	spop (v2sf)  }
0x220: {  	s15 =	smax.f32 s15, s17;
	s18 =	spop (v2sf)  }
0x221: {  	s15 =	smax.f32 s15, s18  }
0x222: {  	vm15 =	veq.f32 v14, s15  }
0x223: {  	v14 =	vnsel vm15, $0x4E6E6B28, v0;
	vm15 =	veq.f32 v11, s15  }
0x224: {  	v11 =	vnsel vm15, $0x4E6E6B28, v1;
	(xrf0) =	vmin.scan.msk.f32 $0xffff, v14;
	vm15 =	veq.f32 v12, s15  }
0x225: {  	v12 =	vnsel vm15, $0x4E6E6B28, v2;
	(xrf0) =	vmin.scan.msk.f32 $0xffff, v11;
	vm15 =	veq.f32 v13, s15  }
0x226: {  	v61 =	vnsel vm15, $0x4E6E6B28, v3;
	(xrf0) =	vmin.scan.msk.f32 $0xffff, v12  }
0x227: {  	(xrf0) =	vmin.scan.msk.f32 $0xffff, v61;
	_ =	sdelay $0x2  }
0x228: {  	v62, _, _ =	vpop (xrf0)  }
0x229: {  	v63, _, _ =	vpop (xrf0);
	(v2sf) =	vpush v62, $0xF  }
0x22a: {  	v16, _, _ =	vpop (xrf0);
	(v2sf) =	vpush v63, $0xF  }
0x22b: {  	(v2sf) =	vpush v16, $0xF;
	v17, _, _ =	vpop (xrf0)  }
0x22c: {  	(v2sf) =	vpush v17, $0xF;
	_ =	sdelay $0xb  }
0x22d: {  	s19 =	spop (v2sf)  }
0x22e: {  	s20 =	spop (v2sf)  }
0x22f: {  	s15 =	smin.f32 s19, s20;
	s21 =	spop (v2sf)  }
0x230: {  	s15 =	smin.f32 s15, s21;
	s22 =	spop (v2sf)  }
0x231: {  	s15 =	smin.f32 s15, s22  }
0x232: {  	v18 =	vmov s15  }
0x233: {  	vm0 =	veq.f32 v18, v0  }
0x234: {  	v7 =	vnsel vm0, $0x0, v25  }
0x235: {  	vm1 =	veq.f32 v18, v1;
	(xrf2) =	vadd.scan.msk.f32 $0xffff, v7  }
0x236: {  	v19 =	vnsel vm1, $0x0, v28  }
0x237: {  	vm2 =	veq.f32 v18, v2;
	(xrf2) =	vadd.scan.msk.f32 $0xffff, v19  }
0x238: {  	v20 =	vnsel vm2, $0x0, v30  }
0x239: {  	vm3 =	veq.f32 v18, v3;
	(xrf2) =	vadd.scan.msk.f32 $0xffff, v20  }
0x23a: {  	v21 =	vnsel vm3, $0x0, v37  }
0x23b: {  	(xrf2) =	vadd.scan.msk.f32 $0xffff, v21;
	_ =	sdelay $0x3  }
0x23c: {  	v22, _, _ =	vpop (xrf2)  }
0x23d: {  	(v2sf) =	vpush v22, $0xF  }
0x23e: {  	v23, _, _ =	vpop (xrf2)  }
0x23f: {  	(v2sf) =	vpush v23, $0xF  }
0x240: {  	s14 =	sadd.f32 $0.0e+00, s28;
	v24, _, _ =	vpop (xrf2)  }
0x241: {  	(v2sf) =	vpush v24, $0xF  }
0x242: {  	s25 =	sadd.f32 s14, s29;
	v25, _, _ =	vpop (xrf2)  }
0x243: {  	v28 =	vld [tilespmem:$0x1FEF0];
	(v2sf) =	vpush v25, $0xF  }
0x244: {  	v27 =	vmov s6;
	v29 =	vld [tilespmem:$0x1FF00];
	s6 =	sadd.f32 s25, s30  }
0x245: {  	v30 =	vld [tilespmem:$0x1FF10]  }
0x246: {  	v26 =	vmov s5;
	v38 =	vmov s10;
	v31 =	vld [tilespmem:$0x1FF20];
	s6 =	sadd.f32 s6, s31  }
0x247: {  	v32 =	vld [tilespmem:$0x1FF30];
	v39 =	vnsel vm8, $0x0, v38;
	v40 =	vnsel vm11, $0x0, v38;
	v35 =	vmov s7  }
0x248: {  	v33 =	vld [tilespmem:$0x1FF40];
	v36 =	vmov s8;
	v49 =	vmov s6;
	vm15 =	vnez.u8 v28  }
0x249: {  	v34 =	vld [tilespmem:$0x1FF50];
	v52 =	vnsel vm4, $0x0, v49;
	v9 =	vnsel vm15, $0x0, v26;
	vm15 =	vnez.u8 v29  }
0x24a: {  	v55 =	vnsel vm5, $0x0, v49;
	v10 =	vnsel vm15, $0x0, v27;
	vm15 =	vnez.u8 v30  }
0x24b: {  	v58 =	vnsel vm6, $0x0, v49;
	v17 =	vld [tilespmem:$0x1FF60];
	v11 =	vnsel vm15, $0x0, v26;
	vm15 =	vnez.u8 v31  }
0x24c: {  	v60 =	vnsel vm7, $0x0, v49;
	v37 =	vld [tilespmem:$0x1FF70];
	v12 =	vnsel vm15, $0x0, v27;
	vm15 =	vnez.u8 v32;
	s23 =	spop (v2sf)  }
0x24d: {  	v18 =	vld [tilespmem:$0x1FF80];
	v9 =	vadd.f32 v10, v9;
	v13 =	vnsel vm15, $0x0, v26;
	vm15 =	vnez.u8 v33;
	s24 =	sadd.f32 $0.0e+00, s23  }
0x24e: {  	v19 =	vld [tilespmem:$0x1FF90];
	v11 =	vadd.f32 v12, v11;
	v14 =	vnsel vm15, $0x0, v27;
	vm15 =	vnez.u8 v34;
	s26 =	spop (v2sf)  }
0x24f: {  	v20 =	vld [tilespmem:$0x1FFA0];
	v29 =	vnsel vm10, $0x0, v38;
	v9 =	vmul.f32 v4, v9;
	v7 =	vnsel vm15, $0x0, v26;
	s5 =	sadd.f32 s24, s26  }
0x250: {  	vm15 =	vnez.u8 v17;
	v13 =	vadd.f32 v14, v13;
	v11 =	vmul.f32 v4, v11;
	s28 =	spop (v2sf)  }
0x251: {  	v21 =	vld [tilespmem:$0x1FFB0];
	v8 =	vnsel vm15, $0x0, v27;
	vm15 =	vnez.u8 v37;
	v27 =	vnsel vm9, $0x0, v38;
	s5 =	sadd.f32 s5, s28  }
0x252: {  	v22 =	vld [tilespmem:$0x1FFC0];
	v17 =	vnsel vm15, $0x0, v35;
	vm15 =	vnez.u8 v18;
	v7 =	vadd.f32 v8, v7;
	s29 =	spop (v2sf)  }
0x253: {  	v23 =	vld [tilespmem:$0x1FFD0];
	v13 =	vmul.f32 v4, v13;
	v18 =	vnsel vm15, $0x0, v36;
	vm15 =	vnez.u8 v19;
	s5 =	sadd.f32 s5, s29  }
0x254: {  	v24 =	vld [tilespmem:$0x1FFE0];
	v25 =	vmov s9;
	v19 =	vnsel vm15, $0x0, v35;
	vm15 =	vnez.u8 v20  }
0x255: {  	v26 =	vnsel vm14, $0x0, v25;
	v28 =	vnsel vm12, $0x0, v25;
	v42 =	vadd.f32 v18, v17;
	s7 =	sadd.f32 s5, s6  }
0x256: {  	v4 =	vmul.f32 v4, v7;
	v20 =	vnsel vm15, $0x0, v36;
	vm15 =	vnez.u8 v21  }
0x257: {  	v46 =	vld [tilespmem:$0x1FFF0];
	v21 =	vnsel vm15, $0x0, v35;
	vm15 =	vnez.u8 v22;
	v41 =	vmov s7  }
0x258: {  	[tilespmem:$0x280] =	vst v9;
	v22 =	vnsel vm15, $0x0, v36;
	vm15 =	vnez.u8 v23;
	(erf) = vrcp.f32 v41  }
0x259: {  	[tilespmem:$0x290] =	vst v11;
	v47 =	vadd.f32 v28, v27;
	v15 =	vnsel vm15, $0x0, v35;
	vm15 =	vnez.u8 v24  }
0x25a: {  	[tilespmem:$0x2A0] =	vst v13;
	v43 =	vadd.f32 v20, v19;
	v8 =	vmul.f32 v5, v42;
	v16 =	vnsel vm15, $0x0, v36  }
0x25b: {  	[tilespmem:$0x2B0] =	vst v4;
	v7 =	vmul.f32 v6, v47;
	v44 =	vadd.f32 v22, v21;
	v45 =	vadd.f32 v16, v15  }
0x25c: {  	v30 =	vnsel vm13, $0x0, v25;
	v9 =	vmul.f32 v5, v43;
	[tilespmem:$0x300] =	vst v8;
	vm15 =	vnez.u8 v46  }
0x25d: {  	[tilespmem:$0x390] =	vst v7;
	v12 =	vmul.f32 v5, v44;
	v4 =	vmul.f32 v5, v45;
	v5 =	vadd.f32 v26, v39  }
0x25e: {  	v48 =	vadd.f32 v30, v29;
	v11 =	vnsel vm15, $0x0, v25;
	[tilespmem:$0x310] =	vst v9;
	v50 =	vmov s5  }
0x25f: {  	v51 =	vadd.f32 v11, v40;
	[tilespmem:$0x320] =	vst v12;
	v5 =	vmul.f32 v6, v5;
	v53 =	vnsel vm0, $0x0, v50  }
0x260: {  	[tilespmem:$0x330] =	vst v4;
	v4 =	vmul.f32 v6, v48;
	v56 =	vnsel vm1, $0x0, v50;
	v10 =	vadd.f32 v53, v52  }
0x261: {  	v6 =	vmul.f32 v6, v51;
	[tilespmem:$0x380] =	vst v5;
	v59 =	vnsel vm2, $0x0, v50;
	v57 =	vadd.f32 v56, v55;
	v54 =	vpop (erf)  }
0x262: {  	[tilespmem:$0x3A0] =	vst v4;
	v61 =	vnsel vm3, $0x0, v50;
	v4 =	vadd.f32 v59, v58;
	v5 =	vmul.f32 v54, v10  }
0x263: {  	[tilespmem:$0x3B0] =	vst v6;
	v63 =	vadd.f32 v61, v60;
	v62 =	vmul.f32 v54, v57  }
0x264: {  	v4 =	vmul.f32 v54, v4;
	[tilespmem:$0x400] =	vst v5  }
0x265: {  	[tilespmem:$0x410] =	vst v62;
	v5 =	vmul.f32 v54, v63  }
0x266: {  	p0 =	sne.s32 s3, $0x1;
	s30 =	rddreg [dreg:$0x7];
	[tilespmem:$0x420] =	vst v4  }
.Ltmp0:
0x267: {  	s31 =	rddreg [dreg:$0x8];
	[tilespmem:$0x430] =	vst v5;
	(pc) =	sbr.rel @p0 .LBB2_1-.Ltmp0, $4  }
0x268: {  	[hbm4b:s30+s2] =	stream.linear.scatter [tilespmem:s31], [sflag:$0x1], $0x200, $0x38;
	[tilespmem:$0x480] =	vst v63  }
0x269: {  	_ =	swait.ge [sflag:s4], $0x200  }
0x26a: {  	[sflag:s4] =	ssyncset.done $0x0  }
0x26b: {  	s3 =	sadd.s32 $0xFFFFFFFF, s3;
	[sflag:s4] =	ssyncadd.s32 $0xFFFFFE00  }
0x26c: {  	_ =	sfence.sel $0x180000  }
0x26d: {  	[bflag:$0x0] =	sbarrier.arrive $0xFFFF  }
0x26e: {  	p0 =	sne.s32 s1, $0x0;
	_ =	strace $0x90000047  }
0x26f: {  	s0 =	sadd.s32 @!p0 $0x100000, s0;
	[bflag:$0x2] =	sbarrier.arrive $0xFFFF  }
0x270: {  	[sflag:s0] =	ssyncadd.tile.s32 @!p0 $0x1;
	_ =	shalt  }
.Lfunc_end2:
_tile_overlayer_lowered:
.L_overlay_start_2:
0x271: {  	(tag) =	ssettag $0x2  }
0x272: {  	s0 =	rddreg [dreg:$0x0];
	s2 =	stileid.u32  }
0x273: {  	s1 =	rddreg [dreg:$0x1];
	p0 =	sne.s32 s2, $0x0  }
0x274: {  	s3 =	rddreg [dreg:$0x2];
	[bflag:$0x3] =	sbarrier.arrive $0xFFFF;
	s2 =	simm.s32 @!p0 $0x1C01  }
0x275: {  	[timem:s3], [sflag:s2] =	dma.local @!p0 [hbm:s0], s1  }
0x276: {  	s0 =	simm.s32 @!p0 $0x1  }
0x277: {  	_ =	swait.ge @!p0 [sflag:s0], s1  }
0x278: {  	s1 =	ssub.s32 @!p0 $0x0, s1;
	[sflag:s0] =	ssyncset.done @!p0 $0x0  }
0x279: {  	[sflag:s0] =	ssyncadd.s32 @!p0 s1  }
0x27a: {  	[bflag:$0x3] =	sbarrier.arrive $0xFFFF  }
0x27b: {  	_ =	shalt  }

</sc_bundles>
